<compile_context>
chip_gen: v7x
topology: tpu7x:2x2x1
jax: 0.10.2.dev20260603
libtpu: 0.0.44.dev20260713+nightly
codegen_flags: <defaults>
</compile_context>

<pallas_src>
import functools
import math

import jax
import jax.numpy as jnp
from jax import lax
from jax.experimental import pallas as pl
from jax.experimental.pallas import tpu as pltpu
from jax.experimental.pallas import tpu_sc as plsc

B = 128
KI = 16
NC = 2
NS = 16
NW = NC * NS
ZR = 8


def _sc_agg_body(nb, npad, d, x_hbm, src_hbm, dst_hbm, zrow_hbm,
                 agg_out, agg_sh, idx_src, idx_dst, rows0, rows1, zbuf,
                 sem0, sem1, sem2, sem3):
    cid = lax.axis_index("c")
    sid = lax.axis_index("s")
    wid = cid * NS + sid
    stripe = npad // NS
    lo = pl.multiple_of(sid * stripe, ZR)

    pltpu.sync_copy(zrow_hbm, zbuf)

    def zbody(k, c):
        off = pl.multiple_of(lo + k * ZR, ZR)
        pltpu.sync_copy(zbuf, agg_sh.at[pl.ds(off, ZR)])
        return c

    lax.fori_loop(0, stripe // ZR, zbody, 0)
    plsc.subcore_barrier()

    def chunk_body(c, carry):
        coff = pl.multiple_of(c * KI, KI)
        pltpu.sync_copy(src_hbm.at[wid, pl.ds(coff, KI)], idx_src)
        pltpu.sync_copy(dst_hbm.at[wid, pl.ds(coff, KI)], idx_dst)
        bufs = (rows0, rows1)
        gsems = (sem0, sem1)
        ssems = (sem2, sem3)
        gd = [None, None]
        sd = [None, None]
        gd[0] = pltpu.async_copy(x_hbm.at[idx_src.at[0]], rows0, sem0)
        for j in range(KI):
            if j >= 1:
                sd[(j - 1) % 2].wait()
            if j + 1 < KI:
                gd[(j + 1) % 2] = pltpu.async_copy(
                    x_hbm.at[idx_src.at[j + 1]], bufs[(j + 1) % 2],
                    gsems[(j + 1) % 2])
            gd[j % 2].wait()
            sd[j % 2] = pltpu.async_copy(bufs[j % 2],
                                         agg_sh.at[idx_dst.at[j]],
                                         ssems[j % 2], add=True)
        sd[(KI - 1) % 2].wait()
        return carry

    lax.fori_loop(0, nb // KI, chunk_body, 0)
    plsc.subcore_barrier()

    pltpu.sync_copy(agg_sh.at[pl.ds(lo, stripe)],
                    agg_out.at[cid, pl.ds(lo, stripe)])


def _make_sc_agg(nb, npad, d):
    mesh = plsc.VectorSubcoreMesh(core_axis_name="c", subcore_axis_name="s")
    return pl.kernel(
        functools.partial(_sc_agg_body, nb, npad, d),
        out_type=jax.ShapeDtypeStruct((NC, npad, d), jnp.float32),
        mesh=mesh,
        scratch_types=[
            pltpu.VMEM_SHARED((npad, d), jnp.float32),
            pltpu.VMEM((KI, B), jnp.int32),
            pltpu.VMEM((KI, B), jnp.int32),
            pltpu.VMEM((B, d), jnp.float32),
            pltpu.VMEM((B, d), jnp.float32),
            pltpu.VMEM((ZR, d), jnp.float32),
            pltpu.SemaphoreType.DMA,
            pltpu.SemaphoreType.DMA,
            pltpu.SemaphoreType.DMA,
            pltpu.SemaphoreType.DMA,
        ],
    )


def _sc_cnt_body(nb, npad, d, dst_hbm, zrow_hbm, ones_hbm,
                 cnt_out, cnt_sh, idx_dst, ones_v, zcbuf):
    cid = lax.axis_index("c")
    sid = lax.axis_index("s")
    wid = cid * NS + sid
    stripe = npad // NS
    lo = pl.multiple_of(sid * stripe, ZR)

    pltpu.sync_copy(zrow_hbm, zcbuf)
    pltpu.sync_copy(ones_hbm, ones_v)
    pltpu.sync_copy(dst_hbm.at[wid], idx_dst)

    def zbody(k, c):
        off = pl.multiple_of(lo + k * ZR, ZR)
        pltpu.sync_copy(zcbuf, cnt_sh.at[pl.ds(off, ZR)])
        return c

    lax.fori_loop(0, stripe // ZR, zbody, 0)
    plsc.subcore_barrier()

    def body(j, c2):
        pltpu.sync_copy(ones_v, cnt_sh.at[idx_dst.at[j]], add=True)
        return c2

    lax.fori_loop(0, nb, body, 0)
    plsc.subcore_barrier()
    pltpu.sync_copy(cnt_sh.at[pl.ds(lo, stripe)],
                    cnt_out.at[cid, pl.ds(lo, stripe)])


def _make_sc_cnt(nb, npad, d):
    mesh = plsc.VectorSubcoreMesh(core_axis_name="c", subcore_axis_name="s")
    return pl.kernel(
        functools.partial(_sc_cnt_body, nb, npad, d),
        out_type=jax.ShapeDtypeStruct((NC, npad, d), jnp.float32),
        mesh=mesh,
        scratch_types=[
            pltpu.VMEM_SHARED((npad, d), jnp.float32),
            pltpu.VMEM((nb, B), jnp.int32),
            pltpu.VMEM((B, d), jnp.float32),
            pltpu.VMEM((ZR, d), jnp.float32),
        ],
    )


def _tc_layer_body(relu, x_ref, aggp_ref, cntp_ref, ws_ref, wn_ref, b_ref,
                   out_ref):
    agg = aggp_ref[0] + aggp_ref[1]
    cnt = cntp_ref[0][:, 0:1] + cntp_ref[1][:, 0:1]
    mean = agg / jnp.maximum(cnt, 1.0)
    h = (jnp.dot(x_ref[...], ws_ref[...], preferred_element_type=jnp.float32)
         + jnp.dot(mean, wn_ref[...], preferred_element_type=jnp.float32)
         + b_ref[...])
    if relu:
        h = jnp.maximum(h, 0.0)
    out_ref[...] = h


def _tc_layer(x, agg_p, cnt_p, ws, wn, b, relu):
    n, d = x.shape
    blk = 2000 if n % 2000 == 0 else n
    grid = (n // blk,)
    return pl.pallas_call(
        functools.partial(_tc_layer_body, relu),
        grid=grid,
        in_specs=[
            pl.BlockSpec((blk, d), lambda i: (i, 0)),
            pl.BlockSpec((NC, blk, d), lambda i: (0, i, 0)),
            pl.BlockSpec((NC, blk, d), lambda i: (0, i, 0)),
            pl.BlockSpec((d, d), lambda i: (0, 0)),
            pl.BlockSpec((d, d), lambda i: (0, 0)),
            pl.BlockSpec((1, d), lambda i: (0, 0)),
        ],
        out_specs=pl.BlockSpec((blk, d), lambda i: (i, 0)),
        out_shape=jax.ShapeDtypeStruct((n, d), jnp.float32),
    )(x, agg_p, cnt_p, ws, wn, b.reshape(1, d))


def kernel(x, edge_index, Ws1, Wn1, b1, Ws2, Wn2, b2):
    n, d = x.shape
    e = edge_index.shape[1]
    per_tile = math.ceil(e / NW)
    nb = math.ceil(per_tile / B)
    nb = ((nb + KI - 1) // KI) * KI
    cap = NW * nb * B
    npad = ((n + 8 + NS * 8 - 1) // (NS * 8)) * (NS * 8)
    stripe = npad // NS

    src = edge_index[0]
    dst = edge_index[1]
    pad = cap - e
    src_r = jnp.pad(src, (0, pad)).reshape(NW, nb, B)
    dst_r = jnp.pad(dst, (0, pad), constant_values=npad - 1).reshape(NW, nb, B)

    zrow = jnp.zeros((ZR, d), jnp.float32)
    ones = jnp.ones((B, d), jnp.float32)

    sc_agg = _make_sc_agg(nb, npad, d)
    sc_cnt = _make_sc_cnt(nb, npad, d)

    cnt_p = sc_cnt(dst_r, zrow, ones)
    agg1_p = sc_agg(x, src_r, dst_r, zrow)
    h = _tc_layer(x, agg1_p, cnt_p, Ws1, Wn1, b1, relu=True)
    agg2_p = sc_agg(h, src_r, dst_r, zrow)
    out = _tc_layer(h, agg2_p, cnt_p, Ws2, Wn2, b2, relu=False)
    return out

# --- scband reference (transcript-rebuilt; emitter-appended) ---
"""Pipeline reference for scband-graph-sage-31104153158139 (READ-ONLY COPY).

The authoritative reference and input builder live on the scoring server;
editing this copy changes nothing except your own understanding.
"""

import jax, jax.numpy as jnp
import numpy as np

N = 10000
E = 320000
D = 128


def setup_inputs(seed: int = 0) -> dict:
    key = jax.random.key(seed)
    k1, k2, k3, k4, k5, k6, k7, k8 = jax.random.split(key, 8)
    x = jax.random.normal(k1, (N, D), dtype=jnp.float32)
    edge_index = jax.random.randint(k2, (2, E), 0, N, dtype=jnp.int32)
    s = 1.0 / np.sqrt(D)
    Ws1 = jax.random.normal(k3, (D, D), dtype=jnp.float32) * s
    Wn1 = jax.random.normal(k4, (D, D), dtype=jnp.float32) * s
    b1 = jnp.zeros((D,), dtype=jnp.float32)
    Ws2 = jax.random.normal(k5, (D, D), dtype=jnp.float32) * s
    Wn2 = jax.random.normal(k6, (D, D), dtype=jnp.float32) * s
    b2 = jnp.zeros((D,), dtype=jnp.float32)
    return {"x": x, "edge_index": edge_index, "Ws1": Ws1, "Wn1": Wn1, "b1": b1,
            "Ws2": Ws2, "Wn2": Wn2, "b2": b2}


def _sage_layer(x, src, dst, Ws, Wn, b):
    # gather messages from source nodes
    msgs = jnp.take(x, src, axis=0)
    # scatter-add (mean aggregation) into destination nodes
    agg = jax.ops.segment_sum(msgs, dst, num_segments=x.shape[0])
    cnt = jax.ops.segment_sum(jnp.ones((src.shape[0],), dtype=x.dtype), dst,
                              num_segments=x.shape[0])
    mean = agg / jnp.maximum(cnt, 1.0)[:, None]
    # SAGEConv: W_self @ x + W_neigh @ mean(neighbors) + b
    return x @ Ws + mean @ Wn + b


def reference(x, edge_index, Ws1, Wn1, b1, Ws2, Wn2, b2):
    src = edge_index[0]
    dst = edge_index[1]
    h = _sage_layer(x, src, dst, Ws1, Wn1, b1)
    h = jax.nn.relu(h)
    out = _sage_layer(h, src, dst, Ws2, Wn2, b2)
    return out

if __name__ == "__main__":
    import jax
    _d = setup_inputs()
    print(jax.jit(kernel)(*tuple(_d.values())))

</pallas_src>

<mosaic_0001>
#map = affine_map<(d0, d1) -> (0, 0, 0)>
#map1 = affine_map<(d0, d1) -> (0, 0)>
module attributes {stable_mosaic.version = 14 : i64} {
  func.func @_sc_cnt_body(%arg0: i32, %arg1: i32, %arg2: memref<32x80x128xi32, #tpu.memory_space<hbm>>, %arg3: memref<8x128xf32, #tpu.memory_space<hbm>>, %arg4: memref<128x128xf32, #tpu.memory_space<hbm>>, %arg5: memref<2x10112x128xf32, #tpu.memory_space<hbm>>, %arg6: memref<10112x128xf32, #tpu.memory_space<vmem_shared>>, %arg7: memref<80x128xi32, #tpu.memory_space<vmem>>, %arg8: memref<128x128xf32, #tpu.memory_space<vmem>>, %arg9: memref<8x128xf32, #tpu.memory_space<vmem>>) attributes {dimension_semantics = [#tpu.dimension_semantics<core_parallel>, #tpu.dimension_semantics<subcore_parallel>], iteration_bounds = array<i64: 2, 16>, scalar_prefetch = 0 : i64, scratch_operands = 4 : i64, tpu.core_type = #tpu.core_type<sc_vector_subcore>, window_params = [{transform_indices = #map}, {transform_indices = #map1}, {transform_indices = #map1}, {transform_indices = #map}]} {
    %mul3A = arith.constant 16 : i32
    %mul3A_0 = arith.muli %arg0, %mul3A : i32
    %add3A = arith.addi %mul3A_0, %arg1 : i32
    %mul3A_1 = arith.constant 632 : i32
    %mul3A_2 = arith.muli %arg1, %mul3A_1 : i32
    %multiple_of3A = tpu.assume_multiple %mul3A_2, 8 : i32
    "tpu.region"() ({
      %run_scoped3A = tpu.sem_alloc : memref<!tpu.dma_semaphore, #tpu.memory_space<semaphore_mem>>
      tpu.enqueue_dma source(%arg3 : memref<8x128xf32, #tpu.memory_space<hbm>>) target(%arg9 : memref<8x128xf32, #tpu.memory_space<vmem>>) target_semaphore(%run_scoped3A : memref<!tpu.dma_semaphore, #tpu.memory_space<semaphore_mem>>)
      tpu.wait_dma2 semaphore(%run_scoped3A : memref<!tpu.dma_semaphore, #tpu.memory_space<semaphore_mem>>) src(%arg3 : memref<8x128xf32, #tpu.memory_space<hbm>>) dst(%arg9 : memref<8x128xf32, #tpu.memory_space<vmem>>)
      tpu.yield
    }) : () -> ()
    "tpu.region"() ({
      %run_scoped3A = tpu.sem_alloc : memref<!tpu.dma_semaphore, #tpu.memory_space<semaphore_mem>>
      tpu.enqueue_dma source(%arg4 : memref<128x128xf32, #tpu.memory_space<hbm>>) target(%arg8 : memref<128x128xf32, #tpu.memory_space<vmem>>) target_semaphore(%run_scoped3A : memref<!tpu.dma_semaphore, #tpu.memory_space<semaphore_mem>>)
      tpu.wait_dma2 semaphore(%run_scoped3A : memref<!tpu.dma_semaphore, #tpu.memory_space<semaphore_mem>>) src(%arg4 : memref<128x128xf32, #tpu.memory_space<hbm>>) dst(%arg8 : memref<128x128xf32, #tpu.memory_space<vmem>>)
      tpu.yield
    }) : () -> ()
    "tpu.region"() ({
      %run_scoped3A = tpu.sem_alloc : memref<!tpu.dma_semaphore, #tpu.memory_space<semaphore_mem>>
      %dma_start3A = arith.constant 0 : i32
      %dma_start3A_15 = arith.constant 0 : i32
      %dma_start3A_16 = tpu.memref_slice %arg2[%add3A, %dma_start3A, %dma_start3A_15] : memref<32x80x128xi32, #tpu.memory_space<hbm>> -> memref<1x80x128xi32, #tpu.memory_space<hbm>>
      %dma_start3A_17 = tpu.memref_squeeze %dma_start3A_16 : memref<1x80x128xi32, #tpu.memory_space<hbm>> -> memref<80x128xi32, #tpu.memory_space<hbm>>
      %dma_start3A_18 = arith.constant 0 : i32
      %dma_start3A_19 = arith.constant 0 : i32
      %dma_start3A_20 = tpu.memref_slice %arg2[%add3A, %dma_start3A_18, %dma_start3A_19] : memref<32x80x128xi32, #tpu.memory_space<hbm>> -> memref<1x80x128xi32, #tpu.memory_space<hbm>>
      %dma_start3A_21 = tpu.memref_squeeze %dma_start3A_20 : memref<1x80x128xi32, #tpu.memory_space<hbm>> -> memref<80x128xi32, #tpu.memory_space<hbm>>
      tpu.enqueue_dma source(%dma_start3A_21 : memref<80x128xi32, #tpu.memory_space<hbm>>) target(%arg7 : memref<80x128xi32, #tpu.memory_space<vmem>>) target_semaphore(%run_scoped3A : memref<!tpu.dma_semaphore, #tpu.memory_space<semaphore_mem>>)
      %dma_wait3A = arith.constant 0 : i32
      %dma_wait3A_22 = arith.constant 0 : i32
      %dma_wait3A_23 = tpu.memref_slice %arg2[%add3A, %dma_wait3A, %dma_wait3A_22] : memref<32x80x128xi32, #tpu.memory_space<hbm>> -> memref<1x80x128xi32, #tpu.memory_space<hbm>>
      %dma_wait3A_24 = tpu.memref_squeeze %dma_wait3A_23 : memref<1x80x128xi32, #tpu.memory_space<hbm>> -> memref<80x128xi32, #tpu.memory_space<hbm>>
      %dma_wait3A_25 = arith.constant 0 : i32
      %dma_wait3A_26 = arith.constant 0 : i32
      %dma_wait3A_27 = tpu.memref_slice %arg2[%add3A, %dma_wait3A_25, %dma_wait3A_26] : memref<32x80x128xi32, #tpu.memory_space<hbm>> -> memref<1x80x128xi32, #tpu.memory_space<hbm>>
      %dma_wait3A_28 = tpu.memref_squeeze %dma_wait3A_27 : memref<1x80x128xi32, #tpu.memory_space<hbm>> -> memref<80x128xi32, #tpu.memory_space<hbm>>
      tpu.wait_dma2 semaphore(%run_scoped3A : memref<!tpu.dma_semaphore, #tpu.memory_space<semaphore_mem>>) src(%dma_wait3A_28 : memref<80x128xi32, #tpu.memory_space<hbm>>) dst(%arg7 : memref<80x128xi32, #tpu.memory_space<vmem>>)
      tpu.yield
    }) : () -> ()
    %scan3A = arith.constant 0 : i32
    %scan3A_3 = arith.constant 0 : i32
    %scan3A_4 = arith.constant 79 : i32
    %scan3A_5 = arith.addi %scan3A_3, %scan3A_4 : i32
    %scan3A_6 = arith.constant 1 : i32
    scf.for %scan3A_15 = %scan3A_3 to %scan3A_5 step %scan3A_6  : i32 {
      %mul3A_16 = arith.constant 8 : i32
      %mul3A_17 = arith.muli %scan3A_15, %mul3A_16 : i32
      %add3A_18 = arith.addi %multiple_of3A, %mul3A_17 : i32
      %multiple_of3A_19 = tpu.assume_multiple %add3A_18, 8 : i32
      "tpu.region"() ({
        %run_scoped3A = tpu.sem_alloc : memref<!tpu.dma_semaphore, #tpu.memory_space<semaphore_mem>>
        %dma_start3A = arith.constant 0 : i32
        %dma_start3A_20 = tpu.memref_slice %arg6[%multiple_of3A_19, %dma_start3A] : memref<10112x128xf32, #tpu.memory_space<vmem_shared>> -> memref<8x128xf32, #tpu.memory_space<vmem_shared>>
        %dma_start3A_21 = arith.constant 0 : i32
        %dma_start3A_22 = tpu.memref_slice %arg6[%multiple_of3A_19, %dma_start3A_21] : memref<10112x128xf32, #tpu.memory_space<vmem_shared>> -> memref<8x128xf32, #tpu.memory_space<vmem_shared>>
        tpu.enqueue_dma source(%arg9 : memref<8x128xf32, #tpu.memory_space<vmem>>) target(%dma_start3A_22 : memref<8x128xf32, #tpu.memory_space<vmem_shared>>) target_semaphore(%run_scoped3A : memref<!tpu.dma_semaphore, #tpu.memory_space<semaphore_mem>>)
        %dma_wait3A = arith.constant 0 : i32
        %dma_wait3A_23 = tpu.memref_slice %arg6[%multiple_of3A_19, %dma_wait3A] : memref<10112x128xf32, #tpu.memory_space<vmem_shared>> -> memref<8x128xf32, #tpu.memory_space<vmem_shared>>
        %dma_wait3A_24 = arith.constant 0 : i32
        %dma_wait3A_25 = tpu.memref_slice %arg6[%multiple_of3A_19, %dma_wait3A_24] : memref<10112x128xf32, #tpu.memory_space<vmem_shared>> -> memref<8x128xf32, #tpu.memory_space<vmem_shared>>
        tpu.wait_dma2 semaphore(%run_scoped3A : memref<!tpu.dma_semaphore, #tpu.memory_space<semaphore_mem>>) src(%arg9 : memref<8x128xf32, #tpu.memory_space<vmem>>) dst(%dma_wait3A_25 : memref<8x128xf32, #tpu.memory_space<vmem_shared>>)
        tpu.yield
      }) : () -> ()
    }
    %scan3A_7 = arith.constant 79 : i32
    %barrier3A = arith.constant 0 : index
    tpu.barrier barrier_id(%barrier3A)
    %scan3A_8 = arith.constant 0 : i32
    %scan3A_9 = arith.constant 0 : i32
    %scan3A_10 = arith.constant 80 : i32
    %scan3A_11 = arith.addi %scan3A_9, %scan3A_10 : i32
    %scan3A_12 = arith.constant 1 : i32
    scf.for %scan3A_15 = %scan3A_9 to %scan3A_11 step %scan3A_12  : i32 {
      "tpu.region"() ({
        %run_scoped3A = tpu.sem_alloc : memref<!tpu.dma_semaphore, #tpu.memory_space<semaphore_mem>>
        %dma_start3A = arith.constant 0 : i32
        %dma_start3A_16 = tpu.memref_slice %arg7[%scan3A_15, %dma_start3A] : memref<80x128xi32, #tpu.memory_space<vmem>> -> memref<1x128xi32, #tpu.memory_space<vmem>>
        %dma_start3A_17 = tpu.memref_squeeze %dma_start3A_16 : memref<1x128xi32, #tpu.memory_space<vmem>> -> memref<128xi32, #tpu.memory_space<vmem>>
        %dma_start3A_18 = arith.constant 0 : i32
        %dma_start3A_19 = arith.constant 0 : i32
        %dma_start3A_20 = tpu.memref_slice %arg6[%dma_start3A_18, %dma_start3A_19] : memref<10112x128xf32, #tpu.memory_space<vmem_shared>> -> memref<10112x128xf32, #tpu.memory_space<vmem_shared>>
        tpu.enqueue_indirect_dma source(%arg8 : memref<128x128xf32, #tpu.memory_space<vmem>>) target(%dma_start3A_20 : memref<10112x128xf32, #tpu.memory_space<vmem_shared>>) offsets(%dma_start3A_17 : memref<128xi32, #tpu.memory_space<vmem>>) semaphore(%run_scoped3A : memref<!tpu.dma_semaphore, #tpu.memory_space<semaphore_mem>>) {add = true}
        %dma_wait3A = arith.constant 0 : i32
        %dma_wait3A_21 = tpu.memref_slice %arg7[%scan3A_15, %dma_wait3A] : memref<80x128xi32, #tpu.memory_space<vmem>> -> memref<1x128xi32, #tpu.memory_space<vmem>>
        %dma_wait3A_22 = tpu.memref_squeeze %dma_wait3A_21 : memref<1x128xi32, #tpu.memory_space<vmem>> -> memref<128xi32, #tpu.memory_space<vmem>>
        %dma_wait3A_23 = arith.constant 0 : i32
        %dma_wait3A_24 = arith.constant 0 : i32
        %dma_wait3A_25 = tpu.memref_slice %arg6[%dma_wait3A_23, %dma_wait3A_24] : memref<10112x128xf32, #tpu.memory_space<vmem_shared>> -> memref<10112x128xf32, #tpu.memory_space<vmem_shared>>
        tpu.wait_indirect_dma semaphore(%run_scoped3A : memref<!tpu.dma_semaphore, #tpu.memory_space<semaphore_mem>>) src(%arg8 : memref<128x128xf32, #tpu.memory_space<vmem>>) dst(%dma_wait3A_25 : memref<10112x128xf32, #tpu.memory_space<vmem_shared>>)
        tpu.yield
      }) : () -> ()
    }
    %scan3A_13 = arith.constant 80 : i32
    %barrier3A_14 = arith.constant 0 : index
    tpu.barrier barrier_id(%barrier3A_14)
    "tpu.region"() ({
      %run_scoped3A = tpu.sem_alloc : memref<!tpu.dma_semaphore, #tpu.memory_space<semaphore_mem>>
      %dma_start3A = arith.constant 0 : i32
      %dma_start3A_15 = tpu.memref_slice %arg5[%arg0, %multiple_of3A, %dma_start3A] : memref<2x10112x128xf32, #tpu.memory_space<hbm>> -> memref<1x632x128xf32, #tpu.memory_space<hbm>>
      %dma_start3A_16 = tpu.memref_squeeze %dma_start3A_15 : memref<1x632x128xf32, #tpu.memory_space<hbm>> -> memref<632x128xf32, #tpu.memory_space<hbm>>
      %dma_start3A_17 = arith.constant 0 : i32
      %dma_start3A_18 = tpu.memref_slice %arg6[%multiple_of3A, %dma_start3A_17] : memref<10112x128xf32, #tpu.memory_space<vmem_shared>> -> memref<632x128xf32, #tpu.memory_space<vmem_shared>>
      tpu.enqueue_dma source(%dma_start3A_18 : memref<632x128xf32, #tpu.memory_space<vmem_shared>>) target(%dma_start3A_16 : memref<632x128xf32, #tpu.memory_space<hbm>>) target_semaphore(%run_scoped3A : memref<!tpu.dma_semaphore, #tpu.memory_space<semaphore_mem>>)
      %dma_wait3A = arith.constant 0 : i32
      %dma_wait3A_19 = tpu.memref_slice %arg5[%arg0, %multiple_of3A, %dma_wait3A] : memref<2x10112x128xf32, #tpu.memory_space<hbm>> -> memref<1x632x128xf32, #tpu.memory_space<hbm>>
      %dma_wait3A_20 = tpu.memref_squeeze %dma_wait3A_19 : memref<1x632x128xf32, #tpu.memory_space<hbm>> -> memref<632x128xf32, #tpu.memory_space<hbm>>
      %dma_wait3A_21 = arith.constant 0 : i32
      %dma_wait3A_22 = tpu.memref_slice %arg6[%multiple_of3A, %dma_wait3A_21] : memref<10112x128xf32, #tpu.memory_space<vmem_shared>> -> memref<632x128xf32, #tpu.memory_space<vmem_shared>>
      tpu.wait_dma2 semaphore(%run_scoped3A : memref<!tpu.dma_semaphore, #tpu.memory_space<semaphore_mem>>) src(%dma_wait3A_22 : memref<632x128xf32, #tpu.memory_space<vmem_shared>>) dst(%dma_wait3A_20 : memref<632x128xf32, #tpu.memory_space<hbm>>)
      tpu.yield
    }) : () -> ()
    return
  }
}

#map = affine_map<(d0, d1) -> (0, 0)>
#map1 = affine_map<(d0, d1) -> (0, 0, 0)>
module attributes {stable_mosaic.version = 14 : i64} {
  func.func @_sc_agg_body(%arg0: i32, %arg1: i32, %arg2: memref<10000x128xf32, #tpu.memory_space<hbm>>, %arg3: memref<32x80x128xi32, #tpu.memory_space<hbm>>, %arg4: memref<32x80x128xi32, #tpu.memory_space<hbm>>, %arg5: memref<8x128xf32, #tpu.memory_space<hbm>>, %arg6: memref<2x10112x128xf32, #tpu.memory_space<hbm>>, %arg7: memref<10112x128xf32, #tpu.memory_space<vmem_shared>>, %arg8: memref<16x128xi32, #tpu.memory_space<vmem>>, %arg9: memref<16x128xi32, #tpu.memory_space<vmem>>, %arg10: memref<128x128xf32, #tpu.memory_space<vmem>>, %arg11: memref<128x128xf32, #tpu.memory_space<vmem>>, %arg12: memref<8x128xf32, #tpu.memory_space<vmem>>, %arg13: memref<!tpu.dma_semaphore, #tpu.memory_space<semaphore_mem>>, %arg14: memref<!tpu.dma_semaphore, #tpu.memory_space<semaphore_mem>>, %arg15: memref<!tpu.dma_semaphore, #tpu.memory_space<semaphore_mem>>, %arg16: memref<!tpu.dma_semaphore, #tpu.memory_space<semaphore_mem>>) attributes {dimension_semantics = [#tpu.dimension_semantics<core_parallel>, #tpu.dimension_semantics<subcore_parallel>], iteration_bounds = array<i64: 2, 16>, scalar_prefetch = 0 : i64, scratch_operands = 10 : i64, tpu.core_type = #tpu.core_type<sc_vector_subcore>, window_params = [{transform_indices = #map}, {transform_indices = #map1}, {transform_indices = #map1}, {transform_indices = #map}, {transform_indices = #map1}]} {
    %mul3A = arith.constant 16 : i32
    %mul3A_0 = arith.muli %arg0, %mul3A : i32
    %add3A = arith.addi %mul3A_0, %arg1 : i32
    %mul3A_1 = arith.constant 632 : i32
    %mul3A_2 = arith.muli %arg1, %mul3A_1 : i32
    %multiple_of3A = tpu.assume_multiple %mul3A_2, 8 : i32
    "tpu.region"() ({
      %run_scoped3A = tpu.sem_alloc : memref<!tpu.dma_semaphore, #tpu.memory_space<semaphore_mem>>
      tpu.enqueue_dma source(%arg5 : memref<8x128xf32, #tpu.memory_space<hbm>>) target(%arg12 : memref<8x128xf32, #tpu.memory_space<vmem>>) target_semaphore(%run_scoped3A : memref<!tpu.dma_semaphore, #tpu.memory_space<semaphore_mem>>)
      tpu.wait_dma2 semaphore(%run_scoped3A : memref<!tpu.dma_semaphore, #tpu.memory_space<semaphore_mem>>) src(%arg5 : memref<8x128xf32, #tpu.memory_space<hbm>>) dst(%arg12 : memref<8x128xf32, #tpu.memory_space<vmem>>)
      tpu.yield
    }) : () -> ()
    %scan3A = arith.constant 0 : i32
    %scan3A_3 = arith.constant 0 : i32
    %scan3A_4 = arith.constant 79 : i32
    %scan3A_5 = arith.addi %scan3A_3, %scan3A_4 : i32
    %scan3A_6 = arith.constant 1 : i32
    scf.for %scan3A_15 = %scan3A_3 to %scan3A_5 step %scan3A_6  : i32 {
      %mul3A_16 = arith.constant 8 : i32
      %mul3A_17 = arith.muli %scan3A_15, %mul3A_16 : i32
      %add3A_18 = arith.addi %multiple_of3A, %mul3A_17 : i32
      %multiple_of3A_19 = tpu.assume_multiple %add3A_18, 8 : i32
      "tpu.region"() ({
        %run_scoped3A = tpu.sem_alloc : memref<!tpu.dma_semaphore, #tpu.memory_space<semaphore_mem>>
        %dma_start3A = arith.constant 0 : i32
        %dma_start3A_20 = tpu.memref_slice %arg7[%multiple_of3A_19, %dma_start3A] : memref<10112x128xf32, #tpu.memory_space<vmem_shared>> -> memref<8x128xf32, #tpu.memory_space<vmem_shared>>
        %dma_start3A_21 = arith.constant 0 : i32
        %dma_start3A_22 = tpu.memref_slice %arg7[%multiple_of3A_19, %dma_start3A_21] : memref<10112x128xf32, #tpu.memory_space<vmem_shared>> -> memref<8x128xf32, #tpu.memory_space<vmem_shared>>
        tpu.enqueue_dma source(%arg12 : memref<8x128xf32, #tpu.memory_space<vmem>>) target(%dma_start3A_22 : memref<8x128xf32, #tpu.memory_space<vmem_shared>>) target_semaphore(%run_scoped3A : memref<!tpu.dma_semaphore, #tpu.memory_space<semaphore_mem>>)
        %dma_wait3A = arith.constant 0 : i32
        %dma_wait3A_23 = tpu.memref_slice %arg7[%multiple_of3A_19, %dma_wait3A] : memref<10112x128xf32, #tpu.memory_space<vmem_shared>> -> memref<8x128xf32, #tpu.memory_space<vmem_shared>>
        %dma_wait3A_24 = arith.constant 0 : i32
        %dma_wait3A_25 = tpu.memref_slice %arg7[%multiple_of3A_19, %dma_wait3A_24] : memref<10112x128xf32, #tpu.memory_space<vmem_shared>> -> memref<8x128xf32, #tpu.memory_space<vmem_shared>>
        tpu.wait_dma2 semaphore(%run_scoped3A : memref<!tpu.dma_semaphore, #tpu.memory_space<semaphore_mem>>) src(%arg12 : memref<8x128xf32, #tpu.memory_space<vmem>>) dst(%dma_wait3A_25 : memref<8x128xf32, #tpu.memory_space<vmem_shared>>)
        tpu.yield
      }) : () -> ()
    }
    %scan3A_7 = arith.constant 79 : i32
    %barrier3A = arith.constant 0 : index
    tpu.barrier barrier_id(%barrier3A)
    %scan3A_8 = arith.constant 0 : i32
    %scan3A_9 = arith.constant 0 : i32
    %scan3A_10 = arith.constant 5 : i32
    %scan3A_11 = arith.addi %scan3A_9, %scan3A_10 : i32
    %scan3A_12 = arith.constant 1 : i32
    scf.for %scan3A_15 = %scan3A_9 to %scan3A_11 step %scan3A_12  : i32 {
      %mul3A_16 = arith.constant 16 : i32
      %mul3A_17 = arith.muli %scan3A_15, %mul3A_16 : i32
      %multiple_of3A_18 = tpu.assume_multiple %mul3A_17, 16 : i32
      "tpu.region"() ({
        %run_scoped3A = tpu.sem_alloc : memref<!tpu.dma_semaphore, #tpu.memory_space<semaphore_mem>>
        %dma_start3A_465 = arith.constant 0 : i32
        %dma_start3A_466 = tpu.memref_slice %arg3[%add3A, %multiple_of3A_18, %dma_start3A_465] : memref<32x80x128xi32, #tpu.memory_space<hbm>> -> memref<1x16x128xi32, #tpu.memory_space<hbm>>
        %dma_start3A_467 = tpu.memref_squeeze %dma_start3A_466 : memref<1x16x128xi32, #tpu.memory_space<hbm>> -> memref<16x128xi32, #tpu.memory_space<hbm>>
        %dma_start3A_468 = arith.constant 0 : i32
        %dma_start3A_469 = tpu.memref_slice %arg3[%add3A, %multiple_of3A_18, %dma_start3A_468] : memref<32x80x128xi32, #tpu.memory_space<hbm>> -> memref<1x16x128xi32, #tpu.memory_space<hbm>>
        %dma_start3A_470 = tpu.memref_squeeze %dma_start3A_469 : memref<1x16x128xi32, #tpu.memory_space<hbm>> -> memref<16x128xi32, #tpu.memory_space<hbm>>
        tpu.enqueue_dma source(%dma_start3A_470 : memref<16x128xi32, #tpu.memory_space<hbm>>) target(%arg8 : memref<16x128xi32, #tpu.memory_space<vmem>>) target_semaphore(%run_scoped3A : memref<!tpu.dma_semaphore, #tpu.memory_space<semaphore_mem>>)
        %dma_wait3A_471 = arith.constant 0 : i32
        %dma_wait3A_472 = tpu.memref_slice %arg3[%add3A, %multiple_of3A_18, %dma_wait3A_471] : memref<32x80x128xi32, #tpu.memory_space<hbm>> -> memref<1x16x128xi32, #tpu.memory_space<hbm>>
        %dma_wait3A_473 = tpu.memref_squeeze %dma_wait3A_472 : memref<1x16x128xi32, #tpu.memory_space<hbm>> -> memref<16x128xi32, #tpu.memory_space<hbm>>
        %dma_wait3A_474 = arith.constant 0 : i32
        %dma_wait3A_475 = tpu.memref_slice %arg3[%add3A, %multiple_of3A_18, %dma_wait3A_474] : memref<32x80x128xi32, #tpu.memory_space<hbm>> -> memref<1x16x128xi32, #tpu.memory_space<hbm>>
        %dma_wait3A_476 = tpu.memref_squeeze %dma_wait3A_475 : memref<1x16x128xi32, #tpu.memory_space<hbm>> -> memref<16x128xi32, #tpu.memory_space<hbm>>
        tpu.wait_dma2 semaphore(%run_scoped3A : memref<!tpu.dma_semaphore, #tpu.memory_space<semaphore_mem>>) src(%dma_wait3A_476 : memref<16x128xi32, #tpu.memory_space<hbm>>) dst(%arg8 : memref<16x128xi32, #tpu.memory_space<vmem>>)
        tpu.yield
      }) : () -> ()
      "tpu.region"() ({
        %run_scoped3A = tpu.sem_alloc : memref<!tpu.dma_semaphore, #tpu.memory_space<semaphore_mem>>
        %dma_start3A_465 = arith.constant 0 : i32
        %dma_start3A_466 = tpu.memref_slice %arg4[%add3A, %multiple_of3A_18, %dma_start3A_465] : memref<32x80x128xi32, #tpu.memory_space<hbm>> -> memref<1x16x128xi32, #tpu.memory_space<hbm>>
        %dma_start3A_467 = tpu.memref_squeeze %dma_start3A_466 : memref<1x16x128xi32, #tpu.memory_space<hbm>> -> memref<16x128xi32, #tpu.memory_space<hbm>>
        %dma_start3A_468 = arith.constant 0 : i32
        %dma_start3A_469 = tpu.memref_slice %arg4[%add3A, %multiple_of3A_18, %dma_start3A_468] : memref<32x80x128xi32, #tpu.memory_space<hbm>> -> memref<1x16x128xi32, #tpu.memory_space<hbm>>
        %dma_start3A_470 = tpu.memref_squeeze %dma_start3A_469 : memref<1x16x128xi32, #tpu.memory_space<hbm>> -> memref<16x128xi32, #tpu.memory_space<hbm>>
        tpu.enqueue_dma source(%dma_start3A_470 : memref<16x128xi32, #tpu.memory_space<hbm>>) target(%arg9 : memref<16x128xi32, #tpu.memory_space<vmem>>) target_semaphore(%run_scoped3A : memref<!tpu.dma_semaphore, #tpu.memory_space<semaphore_mem>>)
        %dma_wait3A_471 = arith.constant 0 : i32
        %dma_wait3A_472 = tpu.memref_slice %arg4[%add3A, %multiple_of3A_18, %dma_wait3A_471] : memref<32x80x128xi32, #tpu.memory_space<hbm>> -> memref<1x16x128xi32, #tpu.memory_space<hbm>>
        %dma_wait3A_473 = tpu.memref_squeeze %dma_wait3A_472 : memref<1x16x128xi32, #tpu.memory_space<hbm>> -> memref<16x128xi32, #tpu.memory_space<hbm>>
        %dma_wait3A_474 = arith.constant 0 : i32
        %dma_wait3A_475 = tpu.memref_slice %arg4[%add3A, %multiple_of3A_18, %dma_wait3A_474] : memref<32x80x128xi32, #tpu.memory_space<hbm>> -> memref<1x16x128xi32, #tpu.memory_space<hbm>>
        %dma_wait3A_476 = tpu.memref_squeeze %dma_wait3A_475 : memref<1x16x128xi32, #tpu.memory_space<hbm>> -> memref<16x128xi32, #tpu.memory_space<hbm>>
        tpu.wait_dma2 semaphore(%run_scoped3A : memref<!tpu.dma_semaphore, #tpu.memory_space<semaphore_mem>>) src(%dma_wait3A_476 : memref<16x128xi32, #tpu.memory_space<hbm>>) dst(%arg9 : memref<16x128xi32, #tpu.memory_space<vmem>>)
        tpu.yield
      }) : () -> ()
      %dma_start3A = arith.constant 0 : i32
      %dma_start3A_19 = arith.constant 0 : i32
      %dma_start3A_20 = tpu.memref_slice %arg8[%dma_start3A, %dma_start3A_19] : memref<16x128xi32, #tpu.memory_space<vmem>> -> memref<1x128xi32, #tpu.memory_space<vmem>>
      %dma_start3A_21 = tpu.memref_squeeze %dma_start3A_20 : memref<1x128xi32, #tpu.memory_space<vmem>> -> memref<128xi32, #tpu.memory_space<vmem>>
      %dma_start3A_22 = arith.constant 0 : i32
      %dma_start3A_23 = arith.constant 0 : i32
      %dma_start3A_24 = tpu.memref_slice %arg2[%dma_start3A_22, %dma_start3A_23] : memref<10000x128xf32, #tpu.memory_space<hbm>> -> memref<10000x128xf32, #tpu.memory_space<hbm>>
      tpu.enqueue_indirect_dma source(%dma_start3A_24 : memref<10000x128xf32, #tpu.memory_space<hbm>>) target(%arg10 : memref<128x128xf32, #tpu.memory_space<vmem>>) offsets(%dma_start3A_21 : memref<128xi32, #tpu.memory_space<vmem>>) semaphore(%arg13 : memref<!tpu.dma_semaphore, #tpu.memory_space<semaphore_mem>>)
      %dma_start3A_25 = arith.constant 1 : i32
      %dma_start3A_26 = arith.constant 0 : i32
      %dma_start3A_27 = tpu.memref_slice %arg8[%dma_start3A_25, %dma_start3A_26] : memref<16x128xi32, #tpu.memory_space<vmem>> -> memref<1x128xi32, #tpu.memory_space<vmem>>
      %dma_start3A_28 = tpu.memref_squeeze %dma_start3A_27 : memref<1x128xi32, #tpu.memory_space<vmem>> -> memref<128xi32, #tpu.memory_space<vmem>>
      %dma_start3A_29 = arith.constant 0 : i32
      %dma_start3A_30 = arith.constant 0 : i32
      %dma_start3A_31 = tpu.memref_slice %arg2[%dma_start3A_29, %dma_start3A_30] : memref<10000x128xf32, #tpu.memory_space<hbm>> -> memref<10000x128xf32, #tpu.memory_space<hbm>>
      tpu.enqueue_indirect_dma source(%dma_start3A_31 : memref<10000x128xf32, #tpu.memory_space<hbm>>) target(%arg11 : memref<128x128xf32, #tpu.memory_space<vmem>>) offsets(%dma_start3A_28 : memref<128xi32, #tpu.memory_space<vmem>>) semaphore(%arg14 : memref<!tpu.dma_semaphore, #tpu.memory_space<semaphore_mem>>)
      %dma_wait3A = arith.constant 0 : i32
      %dma_wait3A_32 = arith.constant 0 : i32
      %dma_wait3A_33 = tpu.memref_slice %arg8[%dma_wait3A, %dma_wait3A_32] : memref<16x128xi32, #tpu.memory_space<vmem>> -> memref<1x128xi32, #tpu.memory_space<vmem>>
      %dma_wait3A_34 = tpu.memref_squeeze %dma_wait3A_33 : memref<1x128xi32, #tpu.memory_space<vmem>> -> memref<128xi32, #tpu.memory_space<vmem>>
      %dma_wait3A_35 = arith.constant 0 : i32
      %dma_wait3A_36 = arith.constant 0 : i32
      %dma_wait3A_37 = tpu.memref_slice %arg2[%dma_wait3A_35, %dma_wait3A_36] : memref<10000x128xf32, #tpu.memory_space<hbm>> -> memref<10000x128xf32, #tpu.memory_space<hbm>>
      tpu.wait_indirect_dma semaphore(%arg13 : memref<!tpu.dma_semaphore, #tpu.memory_space<semaphore_mem>>) src(%dma_wait3A_37 : memref<10000x128xf32, #tpu.memory_space<hbm>>) dst(%arg10 : memref<128x128xf32, #tpu.memory_space<vmem>>)
      %dma_start3A_38 = arith.constant 0 : i32
      %dma_start3A_39 = arith.constant 0 : i32
      %dma_start3A_40 = tpu.memref_slice %arg9[%dma_start3A_38, %dma_start3A_39] : memref<16x128xi32, #tpu.memory_space<vmem>> -> memref<1x128xi32, #tpu.memory_space<vmem>>
      %dma_start3A_41 = tpu.memref_squeeze %dma_start3A_40 : memref<1x128xi32, #tpu.memory_space<vmem>> -> memref<128xi32, #tpu.memory_space<vmem>>
      %dma_start3A_42 = arith.constant 0 : i32
      %dma_start3A_43 = arith.constant 0 : i32
      %dma_start3A_44 = tpu.memref_slice %arg7[%dma_start3A_42, %dma_start3A_43] : memref<10112x128xf32, #tpu.memory_space<vmem_shared>> -> memref<10112x128xf32, #tpu.memory_space<vmem_shared>>
      tpu.enqueue_indirect_dma source(%arg10 : memref<128x128xf32, #tpu.memory_space<vmem>>) target(%dma_start3A_44 : memref<10112x128xf32, #tpu.memory_space<vmem_shared>>) offsets(%dma_start3A_41 : memref<128xi32, #tpu.memory_space<vmem>>) semaphore(%arg15 : memref<!tpu.dma_semaphore, #tpu.memory_space<semaphore_mem>>) {add = true}
      %dma_wait3A_45 = arith.constant 0 : i32
      %dma_wait3A_46 = arith.constant 0 : i32
      %dma_wait3A_47 = tpu.memref_slice %arg9[%dma_wait3A_45, %dma_wait3A_46] : memref<16x128xi32, #tpu.memory_space<vmem>> -> memref<1x128xi32, #tpu.memory_space<vmem>>
      %dma_wait3A_48 = tpu.memref_squeeze %dma_wait3A_47 : memref<1x128xi32, #tpu.memory_space<vmem>> -> memref<128xi32, #tpu.memory_space<vmem>>
      %dma_wait3A_49 = arith.constant 0 : i32
      %dma_wait3A_50 = arith.constant 0 : i32
      %dma_wait3A_51 = tpu.memref_slice %arg7[%dma_wait3A_49, %dma_wait3A_50] : memref<10112x128xf32, #tpu.memory_space<vmem_shared>> -> memref<10112x128xf32, #tpu.memory_space<vmem_shared>>
      tpu.wait_indirect_dma semaphore(%arg15 : memref<!tpu.dma_semaphore, #tpu.memory_space<semaphore_mem>>) src(%arg10 : memref<128x128xf32, #tpu.memory_space<vmem>>) dst(%dma_wait3A_51 : memref<10112x128xf32, #tpu.memory_space<vmem_shared>>)
      %dma_start3A_52 = arith.constant 2 : i32
      %dma_start3A_53 = arith.constant 0 : i32
      %dma_start3A_54 = tpu.memref_slice %arg8[%dma_start3A_52, %dma_start3A_53] : memref<16x128xi32, #tpu.memory_space<vmem>> -> memref<1x128xi32, #tpu.memory_space<vmem>>
      %dma_start3A_55 = tpu.memref_squeeze %dma_start3A_54 : memref<1x128xi32, #tpu.memory_space<vmem>> -> memref<128xi32, #tpu.memory_space<vmem>>
      %dma_start3A_56 = arith.constant 0 : i32
      %dma_start3A_57 = arith.constant 0 : i32
      %dma_start3A_58 = tpu.memref_slice %arg2[%dma_start3A_56, %dma_start3A_57] : memref<10000x128xf32, #tpu.memory_space<hbm>> -> memref<10000x128xf32, #tpu.memory_space<hbm>>
      tpu.enqueue_indirect_dma source(%dma_start3A_58 : memref<10000x128xf32, #tpu.memory_space<hbm>>) target(%arg10 : memref<128x128xf32, #tpu.memory_space<vmem>>) offsets(%dma_start3A_55 : memref<128xi32, #tpu.memory_space<vmem>>) semaphore(%arg13 : memref<!tpu.dma_semaphore, #tpu.memory_space<semaphore_mem>>)
      %dma_wait3A_59 = arith.constant 1 : i32
      %dma_wait3A_60 = arith.constant 0 : i32
      %dma_wait3A_61 = tpu.memref_slice %arg8[%dma_wait3A_59, %dma_wait3A_60] : memref<16x128xi32, #tpu.memory_space<vmem>> -> memref<1x128xi32, #tpu.memory_space<vmem>>
      %dma_wait3A_62 = tpu.memref_squeeze %dma_wait3A_61 : memref<1x128xi32, #tpu.memory_space<vmem>> -> memref<128xi32, #tpu.memory_space<vmem>>
      %dma_wait3A_63 = arith.constant 0 : i32
      %dma_wait3A_64 = arith.constant 0 : i32
      %dma_wait3A_65 = tpu.memref_slice %arg2[%dma_wait3A_63, %dma_wait3A_64] : memref<10000x128xf32, #tpu.memory_space<hbm>> -> memref<10000x128xf32, #tpu.memory_space<hbm>>
      tpu.wait_indirect_dma semaphore(%arg14 : memref<!tpu.dma_semaphore, #tpu.memory_space<semaphore_mem>>) src(%dma_wait3A_65 : memref<10000x128xf32, #tpu.memory_space<hbm>>) dst(%arg11 : memref<128x128xf32, #tpu.memory_space<vmem>>)
      %dma_start3A_66 = arith.constant 1 : i32
      %dma_start3A_67 = arith.constant 0 : i32
      %dma_start3A_68 = tpu.memref_slice %arg9[%dma_start3A_66, %dma_start3A_67] : memref<16x128xi32, #tpu.memory_space<vmem>> -> memref<1x128xi32, #tpu.memory_space<vmem>>
      %dma_start3A_69 = tpu.memref_squeeze %dma_start3A_68 : memref<1x128xi32, #tpu.memory_space<vmem>> -> memref<128xi32, #tpu.memory_space<vmem>>
      %dma_start3A_70 = arith.constant 0 : i32
      %dma_start3A_71 = arith.constant 0 : i32
      %dma_start3A_72 = tpu.memref_slice %arg7[%dma_start3A_70, %dma_start3A_71] : memref<10112x128xf32, #tpu.memory_space<vmem_shared>> -> memref<10112x128xf32, #tpu.memory_space<vmem_shared>>
      tpu.enqueue_indirect_dma source(%arg11 : memref<128x128xf32, #tpu.memory_space<vmem>>) target(%dma_start3A_72 : memref<10112x128xf32, #tpu.memory_space<vmem_shared>>) offsets(%dma_start3A_69 : memref<128xi32, #tpu.memory_space<vmem>>) semaphore(%arg16 : memref<!tpu.dma_semaphore, #tpu.memory_space<semaphore_mem>>) {add = true}
      %dma_wait3A_73 = arith.constant 1 : i32
      %dma_wait3A_74 = arith.constant 0 : i32
      %dma_wait3A_75 = tpu.memref_slice %arg9[%dma_wait3A_73, %dma_wait3A_74] : memref<16x128xi32, #tpu.memory_space<vmem>> -> memref<1x128xi32, #tpu.memory_space<vmem>>
      %dma_wait3A_76 = tpu.memref_squeeze %dma_wait3A_75 : memref<1x128xi32, #tpu.memory_space<vmem>> -> memref<128xi32, #tpu.memory_space<vmem>>
      %dma_wait3A_77 = arith.constant 0 : i32
      %dma_wait3A_78 = arith.constant 0 : i32
      %dma_wait3A_79 = tpu.memref_slice %arg7[%dma_wait3A_77, %dma_wait3A_78] : memref<10112x128xf32, #tpu.memory_space<vmem_shared>> -> memref<10112x128xf32, #tpu.memory_space<vmem_shared>>
      tpu.wait_indirect_dma semaphore(%arg16 : memref<!tpu.dma_semaphore, #tpu.memory_space<semaphore_mem>>) src(%arg11 : memref<128x128xf32, #tpu.memory_space<vmem>>) dst(%dma_wait3A_79 : memref<10112x128xf32, #tpu.memory_space<vmem_shared>>)
      %dma_start3A_80 = arith.constant 3 : i32
      %dma_start3A_81 = arith.constant 0 : i32
      %dma_start3A_82 = tpu.memref_slice %arg8[%dma_start3A_80, %dma_start3A_81] : memref<16x128xi32, #tpu.memory_space<vmem>> -> memref<1x128xi32, #tpu.memory_space<vmem>>
      %dma_start3A_83 = tpu.memref_squeeze %dma_start3A_82 : memref<1x128xi32, #tpu.memory_space<vmem>> -> memref<128xi32, #tpu.memory_space<vmem>>
      %dma_start3A_84 = arith.constant 0 : i32
      %dma_start3A_85 = arith.constant 0 : i32
      %dma_start3A_86 = tpu.memref_slice %arg2[%dma_start3A_84, %dma_start3A_85] : memref<10000x128xf32, #tpu.memory_space<hbm>> -> memref<10000x128xf32, #tpu.memory_space<hbm>>
      tpu.enqueue_indirect_dma source(%dma_start3A_86 : memref<10000x128xf32, #tpu.memory_space<hbm>>) target(%arg11 : memref<128x128xf32, #tpu.memory_space<vmem>>) offsets(%dma_start3A_83 : memref<128xi32, #tpu.memory_space<vmem>>) semaphore(%arg14 : memref<!tpu.dma_semaphore, #tpu.memory_space<semaphore_mem>>)
      %dma_wait3A_87 = arith.constant 2 : i32
      %dma_wait3A_88 = arith.constant 0 : i32
      %dma_wait3A_89 = tpu.memref_slice %arg8[%dma_wait3A_87, %dma_wait3A_88] : memref<16x128xi32, #tpu.memory_space<vmem>> -> memref<1x128xi32, #tpu.memory_space<vmem>>
      %dma_wait3A_90 = tpu.memref_squeeze %dma_wait3A_89 : memref<1x128xi32, #tpu.memory_space<vmem>> -> memref<128xi32, #tpu.memory_space<vmem>>
      %dma_wait3A_91 = arith.constant 0 : i32
      %dma_wait3A_92 = arith.constant 0 : i32
      %dma_wait3A_93 = tpu.memref_slice %arg2[%dma_wait3A_91, %dma_wait3A_92] : memref<10000x128xf32, #tpu.memory_space<hbm>> -> memref<10000x128xf32, #tpu.memory_space<hbm>>
      tpu.wait_indirect_dma semaphore(%arg13 : memref<!tpu.dma_semaphore, #tpu.memory_space<semaphore_mem>>) src(%dma_wait3A_93 : memref<10000x128xf32, #tpu.memory_space<hbm>>) dst(%arg10 : memref<128x128xf32, #tpu.memory_space<vmem>>)
      %dma_start3A_94 = arith.constant 2 : i32
      %dma_start3A_95 = arith.constant 0 : i32
      %dma_start3A_96 = tpu.memref_slice %arg9[%dma_start3A_94, %dma_start3A_95] : memref<16x128xi32, #tpu.memory_space<vmem>> -> memref<1x128xi32, #tpu.memory_space<vmem>>
      %dma_start3A_97 = tpu.memref_squeeze %dma_start3A_96 : memref<1x128xi32, #tpu.memory_space<vmem>> -> memref<128xi32, #tpu.memory_space<vmem>>
      %dma_start3A_98 = arith.constant 0 : i32
      %dma_start3A_99 = arith.constant 0 : i32
      %dma_start3A_100 = tpu.memref_slice %arg7[%dma_start3A_98, %dma_start3A_99] : memref<10112x128xf32, #tpu.memory_space<vmem_shared>> -> memref<10112x128xf32, #tpu.memory_space<vmem_shared>>
      tpu.enqueue_indirect_dma source(%arg10 : memref<128x128xf32, #tpu.memory_space<vmem>>) target(%dma_start3A_100 : memref<10112x128xf32, #tpu.memory_space<vmem_shared>>) offsets(%dma_start3A_97 : memref<128xi32, #tpu.memory_space<vmem>>) semaphore(%arg15 : memref<!tpu.dma_semaphore, #tpu.memory_space<semaphore_mem>>) {add = true}
      %dma_wait3A_101 = arith.constant 2 : i32
      %dma_wait3A_102 = arith.constant 0 : i32
      %dma_wait3A_103 = tpu.memref_slice %arg9[%dma_wait3A_101, %dma_wait3A_102] : memref<16x128xi32, #tpu.memory_space<vmem>> -> memref<1x128xi32, #tpu.memory_space<vmem>>
      %dma_wait3A_104 = tpu.memref_squeeze %dma_wait3A_103 : memref<1x128xi32, #tpu.memory_space<vmem>> -> memref<128xi32, #tpu.memory_space<vmem>>
      %dma_wait3A_105 = arith.constant 0 : i32
      %dma_wait3A_106 = arith.constant 0 : i32
      %dma_wait3A_107 = tpu.memref_slice %arg7[%dma_wait3A_105, %dma_wait3A_106] : memref<10112x128xf32, #tpu.memory_space<vmem_shared>> -> memref<10112x128xf32, #tpu.memory_space<vmem_shared>>
      tpu.wait_indirect_dma semaphore(%arg15 : memref<!tpu.dma_semaphore, #tpu.memory_space<semaphore_mem>>) src(%arg10 : memref<128x128xf32, #tpu.memory_space<vmem>>) dst(%dma_wait3A_107 : memref<10112x128xf32, #tpu.memory_space<vmem_shared>>)
      %dma_start3A_108 = arith.constant 4 : i32
      %dma_start3A_109 = arith.constant 0 : i32
      %dma_start3A_110 = tpu.memref_slice %arg8[%dma_start3A_108, %dma_start3A_109] : memref<16x128xi32, #tpu.memory_space<vmem>> -> memref<1x128xi32, #tpu.memory_space<vmem>>
      %dma_start3A_111 = tpu.memref_squeeze %dma_start3A_110 : memref<1x128xi32, #tpu.memory_space<vmem>> -> memref<128xi32, #tpu.memory_space<vmem>>
      %dma_start3A_112 = arith.constant 0 : i32
      %dma_start3A_113 = arith.constant 0 : i32
      %dma_start3A_114 = tpu.memref_slice %arg2[%dma_start3A_112, %dma_start3A_113] : memref<10000x128xf32, #tpu.memory_space<hbm>> -> memref<10000x128xf32, #tpu.memory_space<hbm>>
      tpu.enqueue_indirect_dma source(%dma_start3A_114 : memref<10000x128xf32, #tpu.memory_space<hbm>>) target(%arg10 : memref<128x128xf32, #tpu.memory_space<vmem>>) offsets(%dma_start3A_111 : memref<128xi32, #tpu.memory_space<vmem>>) semaphore(%arg13 : memref<!tpu.dma_semaphore, #tpu.memory_space<semaphore_mem>>)
      %dma_wait3A_115 = arith.constant 3 : i32
      %dma_wait3A_116 = arith.constant 0 : i32
      %dma_wait3A_117 = tpu.memref_slice %arg8[%dma_wait3A_115, %dma_wait3A_116] : memref<16x128xi32, #tpu.memory_space<vmem>> -> memref<1x128xi32, #tpu.memory_space<vmem>>
      %dma_wait3A_118 = tpu.memref_squeeze %dma_wait3A_117 : memref<1x128xi32, #tpu.memory_space<vmem>> -> memref<128xi32, #tpu.memory_space<vmem>>
      %dma_wait3A_119 = arith.constant 0 : i32
      %dma_wait3A_120 = arith.constant 0 : i32
      %dma_wait3A_121 = tpu.memref_slice %arg2[%dma_wait3A_119, %dma_wait3A_120] : memref<10000x128xf32, #tpu.memory_space<hbm>> -> memref<10000x128xf32, #tpu.memory_space<hbm>>
      tpu.wait_indirect_dma semaphore(%arg14 : memref<!tpu.dma_semaphore, #tpu.memory_space<semaphore_mem>>) src(%dma_wait3A_121 : memref<10000x128xf32, #tpu.memory_space<hbm>>) dst(%arg11 : memref<128x128xf32, #tpu.memory_space<vmem>>)
      %dma_start3A_122 = arith.constant 3 : i32
      %dma_start3A_123 = arith.constant 0 : i32
      %dma_start3A_124 = tpu.memref_slice %arg9[%dma_start3A_122, %dma_start3A_123] : memref<16x128xi32, #tpu.memory_space<vmem>> -> memref<1x128xi32, #tpu.memory_space<vmem>>
      %dma_start3A_125 = tpu.memref_squeeze %dma_start3A_124 : memref<1x128xi32, #tpu.memory_space<vmem>> -> memref<128xi32, #tpu.memory_space<vmem>>
      %dma_start3A_126 = arith.constant 0 : i32
      %dma_start3A_127 = arith.constant 0 : i32
      %dma_start3A_128 = tpu.memref_slice %arg7[%dma_start3A_126, %dma_start3A_127] : memref<10112x128xf32, #tpu.memory_space<vmem_shared>> -> memref<10112x128xf32, #tpu.memory_space<vmem_shared>>
      tpu.enqueue_indirect_dma source(%arg11 : memref<128x128xf32, #tpu.memory_space<vmem>>) target(%dma_start3A_128 : memref<10112x128xf32, #tpu.memory_space<vmem_shared>>) offsets(%dma_start3A_125 : memref<128xi32, #tpu.memory_space<vmem>>) semaphore(%arg16 : memref<!tpu.dma_semaphore, #tpu.memory_space<semaphore_mem>>) {add = true}
      %dma_wait3A_129 = arith.constant 3 : i32
      %dma_wait3A_130 = arith.constant 0 : i32
      %dma_wait3A_131 = tpu.memref_slice %arg9[%dma_wait3A_129, %dma_wait3A_130] : memref<16x128xi32, #tpu.memory_space<vmem>> -> memref<1x128xi32, #tpu.memory_space<vmem>>
      %dma_wait3A_132 = tpu.memref_squeeze %dma_wait3A_131 : memref<1x128xi32, #tpu.memory_space<vmem>> -> memref<128xi32, #tpu.memory_space<vmem>>
      %dma_wait3A_133 = arith.constant 0 : i32
      %dma_wait3A_134 = arith.constant 0 : i32
      %dma_wait3A_135 = tpu.memref_slice %arg7[%dma_wait3A_133, %dma_wait3A_134] : memref<10112x128xf32, #tpu.memory_space<vmem_shared>> -> memref<10112x128xf32, #tpu.memory_space<vmem_shared>>
      tpu.wait_indirect_dma semaphore(%arg16 : memref<!tpu.dma_semaphore, #tpu.memory_space<semaphore_mem>>) src(%arg11 : memref<128x128xf32, #tpu.memory_space<vmem>>) dst(%dma_wait3A_135 : memref<10112x128xf32, #tpu.memory_space<vmem_shared>>)
      %dma_start3A_136 = arith.constant 5 : i32
      %dma_start3A_137 = arith.constant 0 : i32
      %dma_start3A_138 = tpu.memref_slice %arg8[%dma_start3A_136, %dma_start3A_137] : memref<16x128xi32, #tpu.memory_space<vmem>> -> memref<1x128xi32, #tpu.memory_space<vmem>>
      %dma_start3A_139 = tpu.memref_squeeze %dma_start3A_138 : memref<1x128xi32, #tpu.memory_space<vmem>> -> memref<128xi32, #tpu.memory_space<vmem>>
      %dma_start3A_140 = arith.constant 0 : i32
      %dma_start3A_141 = arith.constant 0 : i32
      %dma_start3A_142 = tpu.memref_slice %arg2[%dma_start3A_140, %dma_start3A_141] : memref<10000x128xf32, #tpu.memory_space<hbm>> -> memref<10000x128xf32, #tpu.memory_space<hbm>>
      tpu.enqueue_indirect_dma source(%dma_start3A_142 : memref<10000x128xf32, #tpu.memory_space<hbm>>) target(%arg11 : memref<128x128xf32, #tpu.memory_space<vmem>>) offsets(%dma_start3A_139 : memref<128xi32, #tpu.memory_space<vmem>>) semaphore(%arg14 : memref<!tpu.dma_semaphore, #tpu.memory_space<semaphore_mem>>)
      %dma_wait3A_143 = arith.constant 4 : i32
      %dma_wait3A_144 = arith.constant 0 : i32
      %dma_wait3A_145 = tpu.memref_slice %arg8[%dma_wait3A_143, %dma_wait3A_144] : memref<16x128xi32, #tpu.memory_space<vmem>> -> memref<1x128xi32, #tpu.memory_space<vmem>>
      %dma_wait3A_146 = tpu.memref_squeeze %dma_wait3A_145 : memref<1x128xi32, #tpu.memory_space<vmem>> -> memref<128xi32, #tpu.memory_space<vmem>>
      %dma_wait3A_147 = arith.constant 0 : i32
      %dma_wait3A_148 = arith.constant 0 : i32
      %dma_wait3A_149 = tpu.memref_slice %arg2[%dma_wait3A_147, %dma_wait3A_148] : memref<10000x128xf32, #tpu.memory_space<hbm>> -> memref<10000x128xf32, #tpu.memory_space<hbm>>
      tpu.wait_indirect_dma semaphore(%arg13 : memref<!tpu.dma_semaphore, #tpu.memory_space<semaphore_mem>>) src(%dma_wait3A_149 : memref<10000x128xf32, #tpu.memory_space<hbm>>) dst(%arg10 : memref<128x128xf32, #tpu.memory_space<vmem>>)
      %dma_start3A_150 = arith.constant 4 : i32
      %dma_start3A_151 = arith.constant 0 : i32
      %dma_start3A_152 = tpu.memref_slice %arg9[%dma_start3A_150, %dma_start3A_151] : memref<16x128xi32, #tpu.memory_space<vmem>> -> memref<1x128xi32, #tpu.memory_space<vmem>>
      %dma_start3A_153 = tpu.memref_squeeze %dma_start3A_152 : memref<1x128xi32, #tpu.memory_space<vmem>> -> memref<128xi32, #tpu.memory_space<vmem>>
      %dma_start3A_154 = arith.constant 0 : i32
      %dma_start3A_155 = arith.constant 0 : i32
      %dma_start3A_156 = tpu.memref_slice %arg7[%dma_start3A_154, %dma_start3A_155] : memref<10112x128xf32, #tpu.memory_space<vmem_shared>> -> memref<10112x128xf32, #tpu.memory_space<vmem_shared>>
      tpu.enqueue_indirect_dma source(%arg10 : memref<128x128xf32, #tpu.memory_space<vmem>>) target(%dma_start3A_156 : memref<10112x128xf32, #tpu.memory_space<vmem_shared>>) offsets(%dma_start3A_153 : memref<128xi32, #tpu.memory_space<vmem>>) semaphore(%arg15 : memref<!tpu.dma_semaphore, #tpu.memory_space<semaphore_mem>>) {add = true}
      %dma_wait3A_157 = arith.constant 4 : i32
      %dma_wait3A_158 = arith.constant 0 : i32
      %dma_wait3A_159 = tpu.memref_slice %arg9[%dma_wait3A_157, %dma_wait3A_158] : memref<16x128xi32, #tpu.memory_space<vmem>> -> memref<1x128xi32, #tpu.memory_space<vmem>>
      %dma_wait3A_160 = tpu.memref_squeeze %dma_wait3A_159 : memref<1x128xi32, #tpu.memory_space<vmem>> -> memref<128xi32, #tpu.memory_space<vmem>>
      %dma_wait3A_161 = arith.constant 0 : i32
      %dma_wait3A_162 = arith.constant 0 : i32
      %dma_wait3A_163 = tpu.memref_slice %arg7[%dma_wait3A_161, %dma_wait3A_162] : memref<10112x128xf32, #tpu.memory_space<vmem_shared>> -> memref<10112x128xf32, #tpu.memory_space<vmem_shared>>
      tpu.wait_indirect_dma semaphore(%arg15 : memref<!tpu.dma_semaphore, #tpu.memory_space<semaphore_mem>>) src(%arg10 : memref<128x128xf32, #tpu.memory_space<vmem>>) dst(%dma_wait3A_163 : memref<10112x128xf32, #tpu.memory_space<vmem_shared>>)
      %dma_start3A_164 = arith.constant 6 : i32
      %dma_start3A_165 = arith.constant 0 : i32
      %dma_start3A_166 = tpu.memref_slice %arg8[%dma_start3A_164, %dma_start3A_165] : memref<16x128xi32, #tpu.memory_space<vmem>> -> memref<1x128xi32, #tpu.memory_space<vmem>>
      %dma_start3A_167 = tpu.memref_squeeze %dma_start3A_166 : memref<1x128xi32, #tpu.memory_space<vmem>> -> memref<128xi32, #tpu.memory_space<vmem>>
      %dma_start3A_168 = arith.constant 0 : i32
      %dma_start3A_169 = arith.constant 0 : i32
      %dma_start3A_170 = tpu.memref_slice %arg2[%dma_start3A_168, %dma_start3A_169] : memref<10000x128xf32, #tpu.memory_space<hbm>> -> memref<10000x128xf32, #tpu.memory_space<hbm>>
      tpu.enqueue_indirect_dma source(%dma_start3A_170 : memref<10000x128xf32, #tpu.memory_space<hbm>>) target(%arg10 : memref<128x128xf32, #tpu.memory_space<vmem>>) offsets(%dma_start3A_167 : memref<128xi32, #tpu.memory_space<vmem>>) semaphore(%arg13 : memref<!tpu.dma_semaphore, #tpu.memory_space<semaphore_mem>>)
      %dma_wait3A_171 = arith.constant 5 : i32
      %dma_wait3A_172 = arith.constant 0 : i32
      %dma_wait3A_173 = tpu.memref_slice %arg8[%dma_wait3A_171, %dma_wait3A_172] : memref<16x128xi32, #tpu.memory_space<vmem>> -> memref<1x128xi32, #tpu.memory_space<vmem>>
      %dma_wait3A_174 = tpu.memref_squeeze %dma_wait3A_173 : memref<1x128xi32, #tpu.memory_space<vmem>> -> memref<128xi32, #tpu.memory_space<vmem>>
      %dma_wait3A_175 = arith.constant 0 : i32
      %dma_wait3A_176 = arith.constant 0 : i32
      %dma_wait3A_177 = tpu.memref_slice %arg2[%dma_wait3A_175, %dma_wait3A_176] : memref<10000x128xf32, #tpu.memory_space<hbm>> -> memref<10000x128xf32, #tpu.memory_space<hbm>>
      tpu.wait_indirect_dma semaphore(%arg14 : memref<!tpu.dma_semaphore, #tpu.memory_space<semaphore_mem>>) src(%dma_wait3A_177 : memref<10000x128xf32, #tpu.memory_space<hbm>>) dst(%arg11 : memref<128x128xf32, #tpu.memory_space<vmem>>)
      %dma_start3A_178 = arith.constant 5 : i32
      %dma_start3A_179 = arith.constant 0 : i32
      %dma_start3A_180 = tpu.memref_slice %arg9[%dma_start3A_178, %dma_start3A_179] : memref<16x128xi32, #tpu.memory_space<vmem>> -> memref<1x128xi32, #tpu.memory_space<vmem>>
      %dma_start3A_181 = tpu.memref_squeeze %dma_start3A_180 : memref<1x128xi32, #tpu.memory_space<vmem>> -> memref<128xi32, #tpu.memory_space<vmem>>
      %dma_start3A_182 = arith.constant 0 : i32
      %dma_start3A_183 = arith.constant 0 : i32
      %dma_start3A_184 = tpu.memref_slice %arg7[%dma_start3A_182, %dma_start3A_183] : memref<10112x128xf32, #tpu.memory_space<vmem_shared>> -> memref<10112x128xf32, #tpu.memory_space<vmem_shared>>
      tpu.enqueue_indirect_dma source(%arg11 : memref<128x128xf32, #tpu.memory_space<vmem>>) target(%dma_start3A_184 : memref<10112x128xf32, #tpu.memory_space<vmem_shared>>) offsets(%dma_start3A_181 : memref<128xi32, #tpu.memory_space<vmem>>) semaphore(%arg16 : memref<!tpu.dma_semaphore, #tpu.memory_space<semaphore_mem>>) {add = true}
      %dma_wait3A_185 = arith.constant 5 : i32
      %dma_wait3A_186 = arith.constant 0 : i32
      %dma_wait3A_187 = tpu.memref_slice %arg9[%dma_wait3A_185, %dma_wait3A_186] : memref<16x128xi32, #tpu.memory_space<vmem>> -> memref<1x128xi32, #tpu.memory_space<vmem>>
      %dma_wait3A_188 = tpu.memref_squeeze %dma_wait3A_187 : memref<1x128xi32, #tpu.memory_space<vmem>> -> memref<128xi32, #tpu.memory_space<vmem>>
      %dma_wait3A_189 = arith.constant 0 : i32
      %dma_wait3A_190 = arith.constant 0 : i32
      %dma_wait3A_191 = tpu.memref_slice %arg7[%dma_wait3A_189, %dma_wait3A_190] : memref<10112x128xf32, #tpu.memory_space<vmem_shared>> -> memref<10112x128xf32, #tpu.memory_space<vmem_shared>>
      tpu.wait_indirect_dma semaphore(%arg16 : memref<!tpu.dma_semaphore, #tpu.memory_space<semaphore_mem>>) src(%arg11 : memref<128x128xf32, #tpu.memory_space<vmem>>) dst(%dma_wait3A_191 : memref<10112x128xf32, #tpu.memory_space<vmem_shared>>)
      %dma_start3A_192 = arith.constant 7 : i32
      %dma_start3A_193 = arith.constant 0 : i32
      %dma_start3A_194 = tpu.memref_slice %arg8[%dma_start3A_192, %dma_start3A_193] : memref<16x128xi32, #tpu.memory_space<vmem>> -> memref<1x128xi32, #tpu.memory_space<vmem>>
      %dma_start3A_195 = tpu.memref_squeeze %dma_start3A_194 : memref<1x128xi32, #tpu.memory_space<vmem>> -> memref<128xi32, #tpu.memory_space<vmem>>
      %dma_start3A_196 = arith.constant 0 : i32
      %dma_start3A_197 = arith.constant 0 : i32
      %dma_start3A_198 = tpu.memref_slice %arg2[%dma_start3A_196, %dma_start3A_197] : memref<10000x128xf32, #tpu.memory_space<hbm>> -> memref<10000x128xf32, #tpu.memory_space<hbm>>
      tpu.enqueue_indirect_dma source(%dma_start3A_198 : memref<10000x128xf32, #tpu.memory_space<hbm>>) target(%arg11 : memref<128x128xf32, #tpu.memory_space<vmem>>) offsets(%dma_start3A_195 : memref<128xi32, #tpu.memory_space<vmem>>) semaphore(%arg14 : memref<!tpu.dma_semaphore, #tpu.memory_space<semaphore_mem>>)
      %dma_wait3A_199 = arith.constant 6 : i32
      %dma_wait3A_200 = arith.constant 0 : i32
      %dma_wait3A_201 = tpu.memref_slice %arg8[%dma_wait3A_199, %dma_wait3A_200] : memref<16x128xi32, #tpu.memory_space<vmem>> -> memref<1x128xi32, #tpu.memory_space<vmem>>
      %dma_wait3A_202 = tpu.memref_squeeze %dma_wait3A_201 : memref<1x128xi32, #tpu.memory_space<vmem>> -> memref<128xi32, #tpu.memory_space<vmem>>
      %dma_wait3A_203 = arith.constant 0 : i32
      %dma_wait3A_204 = arith.constant 0 : i32
      %dma_wait3A_205 = tpu.memref_slice %arg2[%dma_wait3A_203, %dma_wait3A_204] : memref<10000x128xf32, #tpu.memory_space<hbm>> -> memref<10000x128xf32, #tpu.memory_space<hbm>>
      tpu.wait_indirect_dma semaphore(%arg13 : memref<!tpu.dma_semaphore, #tpu.memory_space<semaphore_mem>>) src(%dma_wait3A_205 : memref<10000x128xf32, #tpu.memory_space<hbm>>) dst(%arg10 : memref<128x128xf32, #tpu.memory_space<vmem>>)
      %dma_start3A_206 = arith.constant 6 : i32
      %dma_start3A_207 = arith.constant 0 : i32
      %dma_start3A_208 = tpu.memref_slice %arg9[%dma_start3A_206, %dma_start3A_207] : memref<16x128xi32, #tpu.memory_space<vmem>> -> memref<1x128xi32, #tpu.memory_space<vmem>>
      %dma_start3A_209 = tpu.memref_squeeze %dma_start3A_208 : memref<1x128xi32, #tpu.memory_space<vmem>> -> memref<128xi32, #tpu.memory_space<vmem>>
      %dma_start3A_210 = arith.constant 0 : i32
      %dma_start3A_211 = arith.constant 0 : i32
      %dma_start3A_212 = tpu.memref_slice %arg7[%dma_start3A_210, %dma_start3A_211] : memref<10112x128xf32, #tpu.memory_space<vmem_shared>> -> memref<10112x128xf32, #tpu.memory_space<vmem_shared>>
      tpu.enqueue_indirect_dma source(%arg10 : memref<128x128xf32, #tpu.memory_space<vmem>>) target(%dma_start3A_212 : memref<10112x128xf32, #tpu.memory_space<vmem_shared>>) offsets(%dma_start3A_209 : memref<128xi32, #tpu.memory_space<vmem>>) semaphore(%arg15 : memref<!tpu.dma_semaphore, #tpu.memory_space<semaphore_mem>>) {add = true}
      %dma_wait3A_213 = arith.constant 6 : i32
      %dma_wait3A_214 = arith.constant 0 : i32
      %dma_wait3A_215 = tpu.memref_slice %arg9[%dma_wait3A_213, %dma_wait3A_214] : memref<16x128xi32, #tpu.memory_space<vmem>> -> memref<1x128xi32, #tpu.memory_space<vmem>>
      %dma_wait3A_216 = tpu.memref_squeeze %dma_wait3A_215 : memref<1x128xi32, #tpu.memory_space<vmem>> -> memref<128xi32, #tpu.memory_space<vmem>>
      %dma_wait3A_217 = arith.constant 0 : i32
      %dma_wait3A_218 = arith.constant 0 : i32
      %dma_wait3A_219 = tpu.memref_slice %arg7[%dma_wait3A_217, %dma_wait3A_218] : memref<10112x128xf32, #tpu.memory_space<vmem_shared>> -> memref<10112x128xf32, #tpu.memory_space<vmem_shared>>
      tpu.wait_indirect_dma semaphore(%arg15 : memref<!tpu.dma_semaphore, #tpu.memory_space<semaphore_mem>>) src(%arg10 : memref<128x128xf32, #tpu.memory_space<vmem>>) dst(%dma_wait3A_219 : memref<10112x128xf32, #tpu.memory_space<vmem_shared>>)
      %dma_start3A_220 = arith.constant 8 : i32
      %dma_start3A_221 = arith.constant 0 : i32
      %dma_start3A_222 = tpu.memref_slice %arg8[%dma_start3A_220, %dma_start3A_221] : memref<16x128xi32, #tpu.memory_space<vmem>> -> memref<1x128xi32, #tpu.memory_space<vmem>>
      %dma_start3A_223 = tpu.memref_squeeze %dma_start3A_222 : memref<1x128xi32, #tpu.memory_space<vmem>> -> memref<128xi32, #tpu.memory_space<vmem>>
      %dma_start3A_224 = arith.constant 0 : i32
      %dma_start3A_225 = arith.constant 0 : i32
      %dma_start3A_226 = tpu.memref_slice %arg2[%dma_start3A_224, %dma_start3A_225] : memref<10000x128xf32, #tpu.memory_space<hbm>> -> memref<10000x128xf32, #tpu.memory_space<hbm>>
      tpu.enqueue_indirect_dma source(%dma_start3A_226 : memref<10000x128xf32, #tpu.memory_space<hbm>>) target(%arg10 : memref<128x128xf32, #tpu.memory_space<vmem>>) offsets(%dma_start3A_223 : memref<128xi32, #tpu.memory_space<vmem>>) semaphore(%arg13 : memref<!tpu.dma_semaphore, #tpu.memory_space<semaphore_mem>>)
      %dma_wait3A_227 = arith.constant 7 : i32
      %dma_wait3A_228 = arith.constant 0 : i32
      %dma_wait3A_229 = tpu.memref_slice %arg8[%dma_wait3A_227, %dma_wait3A_228] : memref<16x128xi32, #tpu.memory_space<vmem>> -> memref<1x128xi32, #tpu.memory_space<vmem>>
      %dma_wait3A_230 = tpu.memref_squeeze %dma_wait3A_229 : memref<1x128xi32, #tpu.memory_space<vmem>> -> memref<128xi32, #tpu.memory_space<vmem>>
      %dma_wait3A_231 = arith.constant 0 : i32
      %dma_wait3A_232 = arith.constant 0 : i32
      %dma_wait3A_233 = tpu.memref_slice %arg2[%dma_wait3A_231, %dma_wait3A_232] : memref<10000x128xf32, #tpu.memory_space<hbm>> -> memref<10000x128xf32, #tpu.memory_space<hbm>>
      tpu.wait_indirect_dma semaphore(%arg14 : memref<!tpu.dma_semaphore, #tpu.memory_space<semaphore_mem>>) src(%dma_wait3A_233 : memref<10000x128xf32, #tpu.memory_space<hbm>>) dst(%arg11 : memref<128x128xf32, #tpu.memory_space<vmem>>)
      %dma_start3A_234 = arith.constant 7 : i32
      %dma_start3A_235 = arith.constant 0 : i32
      %dma_start3A_236 = tpu.memref_slice %arg9[%dma_start3A_234, %dma_start3A_235] : memref<16x128xi32, #tpu.memory_space<vmem>> -> memref<1x128xi32, #tpu.memory_space<vmem>>
      %dma_start3A_237 = tpu.memref_squeeze %dma_start3A_236 : memref<1x128xi32, #tpu.memory_space<vmem>> -> memref<128xi32, #tpu.memory_space<vmem>>
      %dma_start3A_238 = arith.constant 0 : i32
      %dma_start3A_239 = arith.constant 0 : i32
      %dma_start3A_240 = tpu.memref_slice %arg7[%dma_start3A_238, %dma_start3A_239] : memref<10112x128xf32, #tpu.memory_space<vmem_shared>> -> memref<10112x128xf32, #tpu.memory_space<vmem_shared>>
      tpu.enqueue_indirect_dma source(%arg11 : memref<128x128xf32, #tpu.memory_space<vmem>>) target(%dma_start3A_240 : memref<10112x128xf32, #tpu.memory_space<vmem_shared>>) offsets(%dma_start3A_237 : memref<128xi32, #tpu.memory_space<vmem>>) semaphore(%arg16 : memref<!tpu.dma_semaphore, #tpu.memory_space<semaphore_mem>>) {add = true}
      %dma_wait3A_241 = arith.constant 7 : i32
      %dma_wait3A_242 = arith.constant 0 : i32
      %dma_wait3A_243 = tpu.memref_slice %arg9[%dma_wait3A_241, %dma_wait3A_242] : memref<16x128xi32, #tpu.memory_space<vmem>> -> memref<1x128xi32, #tpu.memory_space<vmem>>
      %dma_wait3A_244 = tpu.memref_squeeze %dma_wait3A_243 : memref<1x128xi32, #tpu.memory_space<vmem>> -> memref<128xi32, #tpu.memory_space<vmem>>
      %dma_wait3A_245 = arith.constant 0 : i32
      %dma_wait3A_246 = arith.constant 0 : i32
      %dma_wait3A_247 = tpu.memref_slice %arg7[%dma_wait3A_245, %dma_wait3A_246] : memref<10112x128xf32, #tpu.memory_space<vmem_shared>> -> memref<10112x128xf32, #tpu.memory_space<vmem_shared>>
      tpu.wait_indirect_dma semaphore(%arg16 : memref<!tpu.dma_semaphore, #tpu.memory_space<semaphore_mem>>) src(%arg11 : memref<128x128xf32, #tpu.memory_space<vmem>>) dst(%dma_wait3A_247 : memref<10112x128xf32, #tpu.memory_space<vmem_shared>>)
      %dma_start3A_248 = arith.constant 9 : i32
      %dma_start3A_249 = arith.constant 0 : i32
      %dma_start3A_250 = tpu.memref_slice %arg8[%dma_start3A_248, %dma_start3A_249] : memref<16x128xi32, #tpu.memory_space<vmem>> -> memref<1x128xi32, #tpu.memory_space<vmem>>
      %dma_start3A_251 = tpu.memref_squeeze %dma_start3A_250 : memref<1x128xi32, #tpu.memory_space<vmem>> -> memref<128xi32, #tpu.memory_space<vmem>>
      %dma_start3A_252 = arith.constant 0 : i32
      %dma_start3A_253 = arith.constant 0 : i32
      %dma_start3A_254 = tpu.memref_slice %arg2[%dma_start3A_252, %dma_start3A_253] : memref<10000x128xf32, #tpu.memory_space<hbm>> -> memref<10000x128xf32, #tpu.memory_space<hbm>>
      tpu.enqueue_indirect_dma source(%dma_start3A_254 : memref<10000x128xf32, #tpu.memory_space<hbm>>) target(%arg11 : memref<128x128xf32, #tpu.memory_space<vmem>>) offsets(%dma_start3A_251 : memref<128xi32, #tpu.memory_space<vmem>>) semaphore(%arg14 : memref<!tpu.dma_semaphore, #tpu.memory_space<semaphore_mem>>)
      %dma_wait3A_255 = arith.constant 8 : i32
      %dma_wait3A_256 = arith.constant 0 : i32
      %dma_wait3A_257 = tpu.memref_slice %arg8[%dma_wait3A_255, %dma_wait3A_256] : memref<16x128xi32, #tpu.memory_space<vmem>> -> memref<1x128xi32, #tpu.memory_space<vmem>>
      %dma_wait3A_258 = tpu.memref_squeeze %dma_wait3A_257 : memref<1x128xi32, #tpu.memory_space<vmem>> -> memref<128xi32, #tpu.memory_space<vmem>>
      %dma_wait3A_259 = arith.constant 0 : i32
      %dma_wait3A_260 = arith.constant 0 : i32
      %dma_wait3A_261 = tpu.memref_slice %arg2[%dma_wait3A_259, %dma_wait3A_260] : memref<10000x128xf32, #tpu.memory_space<hbm>> -> memref<10000x128xf32, #tpu.memory_space<hbm>>
      tpu.wait_indirect_dma semaphore(%arg13 : memref<!tpu.dma_semaphore, #tpu.memory_space<semaphore_mem>>) src(%dma_wait3A_261 : memref<10000x128xf32, #tpu.memory_space<hbm>>) dst(%arg10 : memref<128x128xf32, #tpu.memory_space<vmem>>)
      %dma_start3A_262 = arith.constant 8 : i32
      %dma_start3A_263 = arith.constant 0 : i32
      %dma_start3A_264 = tpu.memref_slice %arg9[%dma_start3A_262, %dma_start3A_263] : memref<16x128xi32, #tpu.memory_space<vmem>> -> memref<1x128xi32, #tpu.memory_space<vmem>>
      %dma_start3A_265 = tpu.memref_squeeze %dma_start3A_264 : memref<1x128xi32, #tpu.memory_space<vmem>> -> memref<128xi32, #tpu.memory_space<vmem>>
      %dma_start3A_266 = arith.constant 0 : i32
      %dma_start3A_267 = arith.constant 0 : i32
      %dma_start3A_268 = tpu.memref_slice %arg7[%dma_start3A_266, %dma_start3A_267] : memref<10112x128xf32, #tpu.memory_space<vmem_shared>> -> memref<10112x128xf32, #tpu.memory_space<vmem_shared>>
      tpu.enqueue_indirect_dma source(%arg10 : memref<128x128xf32, #tpu.memory_space<vmem>>) target(%dma_start3A_268 : memref<10112x128xf32, #tpu.memory_space<vmem_shared>>) offsets(%dma_start3A_265 : memref<128xi32, #tpu.memory_space<vmem>>) semaphore(%arg15 : memref<!tpu.dma_semaphore, #tpu.memory_space<semaphore_mem>>) {add = true}
      %dma_wait3A_269 = arith.constant 8 : i32
      %dma_wait3A_270 = arith.constant 0 : i32
      %dma_wait3A_271 = tpu.memref_slice %arg9[%dma_wait3A_269, %dma_wait3A_270] : memref<16x128xi32, #tpu.memory_space<vmem>> -> memref<1x128xi32, #tpu.memory_space<vmem>>
      %dma_wait3A_272 = tpu.memref_squeeze %dma_wait3A_271 : memref<1x128xi32, #tpu.memory_space<vmem>> -> memref<128xi32, #tpu.memory_space<vmem>>
      %dma_wait3A_273 = arith.constant 0 : i32
      %dma_wait3A_274 = arith.constant 0 : i32
      %dma_wait3A_275 = tpu.memref_slice %arg7[%dma_wait3A_273, %dma_wait3A_274] : memref<10112x128xf32, #tpu.memory_space<vmem_shared>> -> memref<10112x128xf32, #tpu.memory_space<vmem_shared>>
      tpu.wait_indirect_dma semaphore(%arg15 : memref<!tpu.dma_semaphore, #tpu.memory_space<semaphore_mem>>) src(%arg10 : memref<128x128xf32, #tpu.memory_space<vmem>>) dst(%dma_wait3A_275 : memref<10112x128xf32, #tpu.memory_space<vmem_shared>>)
      %dma_start3A_276 = arith.constant 10 : i32
      %dma_start3A_277 = arith.constant 0 : i32
      %dma_start3A_278 = tpu.memref_slice %arg8[%dma_start3A_276, %dma_start3A_277] : memref<16x128xi32, #tpu.memory_space<vmem>> -> memref<1x128xi32, #tpu.memory_space<vmem>>
      %dma_start3A_279 = tpu.memref_squeeze %dma_start3A_278 : memref<1x128xi32, #tpu.memory_space<vmem>> -> memref<128xi32, #tpu.memory_space<vmem>>
      %dma_start3A_280 = arith.constant 0 : i32
      %dma_start3A_281 = arith.constant 0 : i32
      %dma_start3A_282 = tpu.memref_slice %arg2[%dma_start3A_280, %dma_start3A_281] : memref<10000x128xf32, #tpu.memory_space<hbm>> -> memref<10000x128xf32, #tpu.memory_space<hbm>>
      tpu.enqueue_indirect_dma source(%dma_start3A_282 : memref<10000x128xf32, #tpu.memory_space<hbm>>) target(%arg10 : memref<128x128xf32, #tpu.memory_space<vmem>>) offsets(%dma_start3A_279 : memref<128xi32, #tpu.memory_space<vmem>>) semaphore(%arg13 : memref<!tpu.dma_semaphore, #tpu.memory_space<semaphore_mem>>)
      %dma_wait3A_283 = arith.constant 9 : i32
      %dma_wait3A_284 = arith.constant 0 : i32
      %dma_wait3A_285 = tpu.memref_slice %arg8[%dma_wait3A_283, %dma_wait3A_284] : memref<16x128xi32, #tpu.memory_space<vmem>> -> memref<1x128xi32, #tpu.memory_space<vmem>>
      %dma_wait3A_286 = tpu.memref_squeeze %dma_wait3A_285 : memref<1x128xi32, #tpu.memory_space<vmem>> -> memref<128xi32, #tpu.memory_space<vmem>>
      %dma_wait3A_287 = arith.constant 0 : i32
      %dma_wait3A_288 = arith.constant 0 : i32
      %dma_wait3A_289 = tpu.memref_slice %arg2[%dma_wait3A_287, %dma_wait3A_288] : memref<10000x128xf32, #tpu.memory_space<hbm>> -> memref<10000x128xf32, #tpu.memory_space<hbm>>
      tpu.wait_indirect_dma semaphore(%arg14 : memref<!tpu.dma_semaphore, #tpu.memory_space<semaphore_mem>>) src(%dma_wait3A_289 : memref<10000x128xf32, #tpu.memory_space<hbm>>) dst(%arg11 : memref<128x128xf32, #tpu.memory_space<vmem>>)
      %dma_start3A_290 = arith.constant 9 : i32
      %dma_start3A_291 = arith.constant 0 : i32
      %dma_start3A_292 = tpu.memref_slice %arg9[%dma_start3A_290, %dma_start3A_291] : memref<16x128xi32, #tpu.memory_space<vmem>> -> memref<1x128xi32, #tpu.memory_space<vmem>>
      %dma_start3A_293 = tpu.memref_squeeze %dma_start3A_292 : memref<1x128xi32, #tpu.memory_space<vmem>> -> memref<128xi32, #tpu.memory_space<vmem>>
      %dma_start3A_294 = arith.constant 0 : i32
      %dma_start3A_295 = arith.constant 0 : i32
      %dma_start3A_296 = tpu.memref_slice %arg7[%dma_start3A_294, %dma_start3A_295] : memref<10112x128xf32, #tpu.memory_space<vmem_shared>> -> memref<10112x128xf32, #tpu.memory_space<vmem_shared>>
      tpu.enqueue_indirect_dma source(%arg11 : memref<128x128xf32, #tpu.memory_space<vmem>>) target(%dma_start3A_296 : memref<10112x128xf32, #tpu.memory_space<vmem_shared>>) offsets(%dma_start3A_293 : memref<128xi32, #tpu.memory_space<vmem>>) semaphore(%arg16 : memref<!tpu.dma_semaphore, #tpu.memory_space<semaphore_mem>>) {add = true}
      %dma_wait3A_297 = arith.constant 9 : i32
      %dma_wait3A_298 = arith.constant 0 : i32
      %dma_wait3A_299 = tpu.memref_slice %arg9[%dma_wait3A_297, %dma_wait3A_298] : memref<16x128xi32, #tpu.memory_space<vmem>> -> memref<1x128xi32, #tpu.memory_space<vmem>>
      %dma_wait3A_300 = tpu.memref_squeeze %dma_wait3A_299 : memref<1x128xi32, #tpu.memory_space<vmem>> -> memref<128xi32, #tpu.memory_space<vmem>>
      %dma_wait3A_301 = arith.constant 0 : i32
      %dma_wait3A_302 = arith.constant 0 : i32
      %dma_wait3A_303 = tpu.memref_slice %arg7[%dma_wait3A_301, %dma_wait3A_302] : memref<10112x128xf32, #tpu.memory_space<vmem_shared>> -> memref<10112x128xf32, #tpu.memory_space<vmem_shared>>
      tpu.wait_indirect_dma semaphore(%arg16 : memref<!tpu.dma_semaphore, #tpu.memory_space<semaphore_mem>>) src(%arg11 : memref<128x128xf32, #tpu.memory_space<vmem>>) dst(%dma_wait3A_303 : memref<10112x128xf32, #tpu.memory_space<vmem_shared>>)
      %dma_start3A_304 = arith.constant 11 : i32
      %dma_start3A_305 = arith.constant 0 : i32
      %dma_start3A_306 = tpu.memref_slice %arg8[%dma_start3A_304, %dma_start3A_305] : memref<16x128xi32, #tpu.memory_space<vmem>> -> memref<1x128xi32, #tpu.memory_space<vmem>>
      %dma_start3A_307 = tpu.memref_squeeze %dma_start3A_306 : memref<1x128xi32, #tpu.memory_space<vmem>> -> memref<128xi32, #tpu.memory_space<vmem>>
      %dma_start3A_308 = arith.constant 0 : i32
      %dma_start3A_309 = arith.constant 0 : i32
      %dma_start3A_310 = tpu.memref_slice %arg2[%dma_start3A_308, %dma_start3A_309] : memref<10000x128xf32, #tpu.memory_space<hbm>> -> memref<10000x128xf32, #tpu.memory_space<hbm>>
      tpu.enqueue_indirect_dma source(%dma_start3A_310 : memref<10000x128xf32, #tpu.memory_space<hbm>>) target(%arg11 : memref<128x128xf32, #tpu.memory_space<vmem>>) offsets(%dma_start3A_307 : memref<128xi32, #tpu.memory_space<vmem>>) semaphore(%arg14 : memref<!tpu.dma_semaphore, #tpu.memory_space<semaphore_mem>>)
      %dma_wait3A_311 = arith.constant 10 : i32
      %dma_wait3A_312 = arith.constant 0 : i32
      %dma_wait3A_313 = tpu.memref_slice %arg8[%dma_wait3A_311, %dma_wait3A_312] : memref<16x128xi32, #tpu.memory_space<vmem>> -> memref<1x128xi32, #tpu.memory_space<vmem>>
      %dma_wait3A_314 = tpu.memref_squeeze %dma_wait3A_313 : memref<1x128xi32, #tpu.memory_space<vmem>> -> memref<128xi32, #tpu.memory_space<vmem>>
      %dma_wait3A_315 = arith.constant 0 : i32
      %dma_wait3A_316 = arith.constant 0 : i32
      %dma_wait3A_317 = tpu.memref_slice %arg2[%dma_wait3A_315, %dma_wait3A_316] : memref<10000x128xf32, #tpu.memory_space<hbm>> -> memref<10000x128xf32, #tpu.memory_space<hbm>>
      tpu.wait_indirect_dma semaphore(%arg13 : memref<!tpu.dma_semaphore, #tpu.memory_space<semaphore_mem>>) src(%dma_wait3A_317 : memref<10000x128xf32, #tpu.memory_space<hbm>>) dst(%arg10 : memref<128x128xf32, #tpu.memory_space<vmem>>)
      %dma_start3A_318 = arith.constant 10 : i32
      %dma_start3A_319 = arith.constant 0 : i32
      %dma_start3A_320 = tpu.memref_slice %arg9[%dma_start3A_318, %dma_start3A_319] : memref<16x128xi32, #tpu.memory_space<vmem>> -> memref<1x128xi32, #tpu.memory_space<vmem>>
      %dma_start3A_321 = tpu.memref_squeeze %dma_start3A_320 : memref<1x128xi32, #tpu.memory_space<vmem>> -> memref<128xi32, #tpu.memory_space<vmem>>
      %dma_start3A_322 = arith.constant 0 : i32
      %dma_start3A_323 = arith.constant 0 : i32
      %dma_start3A_324 = tpu.memref_slice %arg7[%dma_start3A_322, %dma_start3A_323] : memref<10112x128xf32, #tpu.memory_space<vmem_shared>> -> memref<10112x128xf32, #tpu.memory_space<vmem_shared>>
      tpu.enqueue_indirect_dma source(%arg10 : memref<128x128xf32, #tpu.memory_space<vmem>>) target(%dma_start3A_324 : memref<10112x128xf32, #tpu.memory_space<vmem_shared>>) offsets(%dma_start3A_321 : memref<128xi32, #tpu.memory_space<vmem>>) semaphore(%arg15 : memref<!tpu.dma_semaphore, #tpu.memory_space<semaphore_mem>>) {add = true}
      %dma_wait3A_325 = arith.constant 10 : i32
      %dma_wait3A_326 = arith.constant 0 : i32
      %dma_wait3A_327 = tpu.memref_slice %arg9[%dma_wait3A_325, %dma_wait3A_326] : memref<16x128xi32, #tpu.memory_space<vmem>> -> memref<1x128xi32, #tpu.memory_space<vmem>>
      %dma_wait3A_328 = tpu.memref_squeeze %dma_wait3A_327 : memref<1x128xi32, #tpu.memory_space<vmem>> -> memref<128xi32, #tpu.memory_space<vmem>>
      %dma_wait3A_329 = arith.constant 0 : i32
      %dma_wait3A_330 = arith.constant 0 : i32
      %dma_wait3A_331 = tpu.memref_slice %arg7[%dma_wait3A_329, %dma_wait3A_330] : memref<10112x128xf32, #tpu.memory_space<vmem_shared>> -> memref<10112x128xf32, #tpu.memory_space<vmem_shared>>
      tpu.wait_indirect_dma semaphore(%arg15 : memref<!tpu.dma_semaphore, #tpu.memory_space<semaphore_mem>>) src(%arg10 : memref<128x128xf32, #tpu.memory_space<vmem>>) dst(%dma_wait3A_331 : memref<10112x128xf32, #tpu.memory_space<vmem_shared>>)
      %dma_start3A_332 = arith.constant 12 : i32
      %dma_start3A_333 = arith.constant 0 : i32
      %dma_start3A_334 = tpu.memref_slice %arg8[%dma_start3A_332, %dma_start3A_333] : memref<16x128xi32, #tpu.memory_space<vmem>> -> memref<1x128xi32, #tpu.memory_space<vmem>>
      %dma_start3A_335 = tpu.memref_squeeze %dma_start3A_334 : memref<1x128xi32, #tpu.memory_space<vmem>> -> memref<128xi32, #tpu.memory_space<vmem>>
      %dma_start3A_336 = arith.constant 0 : i32
      %dma_start3A_337 = arith.constant 0 : i32
      %dma_start3A_338 = tpu.memref_slice %arg2[%dma_start3A_336, %dma_start3A_337] : memref<10000x128xf32, #tpu.memory_space<hbm>> -> memref<10000x128xf32, #tpu.memory_space<hbm>>
      tpu.enqueue_indirect_dma source(%dma_start3A_338 : memref<10000x128xf32, #tpu.memory_space<hbm>>) target(%arg10 : memref<128x128xf32, #tpu.memory_space<vmem>>) offsets(%dma_start3A_335 : memref<128xi32, #tpu.memory_space<vmem>>) semaphore(%arg13 : memref<!tpu.dma_semaphore, #tpu.memory_space<semaphore_mem>>)
      %dma_wait3A_339 = arith.constant 11 : i32
      %dma_wait3A_340 = arith.constant 0 : i32
      %dma_wait3A_341 = tpu.memref_slice %arg8[%dma_wait3A_339, %dma_wait3A_340] : memref<16x128xi32, #tpu.memory_space<vmem>> -> memref<1x128xi32, #tpu.memory_space<vmem>>
      %dma_wait3A_342 = tpu.memref_squeeze %dma_wait3A_341 : memref<1x128xi32, #tpu.memory_space<vmem>> -> memref<128xi32, #tpu.memory_space<vmem>>
      %dma_wait3A_343 = arith.constant 0 : i32
      %dma_wait3A_344 = arith.constant 0 : i32
      %dma_wait3A_345 = tpu.memref_slice %arg2[%dma_wait3A_343, %dma_wait3A_344] : memref<10000x128xf32, #tpu.memory_space<hbm>> -> memref<10000x128xf32, #tpu.memory_space<hbm>>
      tpu.wait_indirect_dma semaphore(%arg14 : memref<!tpu.dma_semaphore, #tpu.memory_space<semaphore_mem>>) src(%dma_wait3A_345 : memref<10000x128xf32, #tpu.memory_space<hbm>>) dst(%arg11 : memref<128x128xf32, #tpu.memory_space<vmem>>)
      %dma_start3A_346 = arith.constant 11 : i32
      %dma_start3A_347 = arith.constant 0 : i32
      %dma_start3A_348 = tpu.memref_slice %arg9[%dma_start3A_346, %dma_start3A_347] : memref<16x128xi32, #tpu.memory_space<vmem>> -> memref<1x128xi32, #tpu.memory_space<vmem>>
      %dma_start3A_349 = tpu.memref_squeeze %dma_start3A_348 : memref<1x128xi32, #tpu.memory_space<vmem>> -> memref<128xi32, #tpu.memory_space<vmem>>
      %dma_start3A_350 = arith.constant 0 : i32
      %dma_start3A_351 = arith.constant 0 : i32
      %dma_start3A_352 = tpu.memref_slice %arg7[%dma_start3A_350, %dma_start3A_351] : memref<10112x128xf32, #tpu.memory_space<vmem_shared>> -> memref<10112x128xf32, #tpu.memory_space<vmem_shared>>
      tpu.enqueue_indirect_dma source(%arg11 : memref<128x128xf32, #tpu.memory_space<vmem>>) target(%dma_start3A_352 : memref<10112x128xf32, #tpu.memory_space<vmem_shared>>) offsets(%dma_start3A_349 : memref<128xi32, #tpu.memory_space<vmem>>) semaphore(%arg16 : memref<!tpu.dma_semaphore, #tpu.memory_space<semaphore_mem>>) {add = true}
      %dma_wait3A_353 = arith.constant 11 : i32
      %dma_wait3A_354 = arith.constant 0 : i32
      %dma_wait3A_355 = tpu.memref_slice %arg9[%dma_wait3A_353, %dma_wait3A_354] : memref<16x128xi32, #tpu.memory_space<vmem>> -> memref<1x128xi32, #tpu.memory_space<vmem>>
      %dma_wait3A_356 = tpu.memref_squeeze %dma_wait3A_355 : memref<1x128xi32, #tpu.memory_space<vmem>> -> memref<128xi32, #tpu.memory_space<vmem>>
      %dma_wait3A_357 = arith.constant 0 : i32
      %dma_wait3A_358 = arith.constant 0 : i32
      %dma_wait3A_359 = tpu.memref_slice %arg7[%dma_wait3A_357, %dma_wait3A_358] : memref<10112x128xf32, #tpu.memory_space<vmem_shared>> -> memref<10112x128xf32, #tpu.memory_space<vmem_shared>>
      tpu.wait_indirect_dma semaphore(%arg16 : memref<!tpu.dma_semaphore, #tpu.memory_space<semaphore_mem>>) src(%arg11 : memref<128x128xf32, #tpu.memory_space<vmem>>) dst(%dma_wait3A_359 : memref<10112x128xf32, #tpu.memory_space<vmem_shared>>)
      %dma_start3A_360 = arith.constant 13 : i32
      %dma_start3A_361 = arith.constant 0 : i32
      %dma_start3A_362 = tpu.memref_slice %arg8[%dma_start3A_360, %dma_start3A_361] : memref<16x128xi32, #tpu.memory_space<vmem>> -> memref<1x128xi32, #tpu.memory_space<vmem>>
      %dma_start3A_363 = tpu.memref_squeeze %dma_start3A_362 : memref<1x128xi32, #tpu.memory_space<vmem>> -> memref<128xi32, #tpu.memory_space<vmem>>
      %dma_start3A_364 = arith.constant 0 : i32
      %dma_start3A_365 = arith.constant 0 : i32
      %dma_start3A_366 = tpu.memref_slice %arg2[%dma_start3A_364, %dma_start3A_365] : memref<10000x128xf32, #tpu.memory_space<hbm>> -> memref<10000x128xf32, #tpu.memory_space<hbm>>
      tpu.enqueue_indirect_dma source(%dma_start3A_366 : memref<10000x128xf32, #tpu.memory_space<hbm>>) target(%arg11 : memref<128x128xf32, #tpu.memory_space<vmem>>) offsets(%dma_start3A_363 : memref<128xi32, #tpu.memory_space<vmem>>) semaphore(%arg14 : memref<!tpu.dma_semaphore, #tpu.memory_space<semaphore_mem>>)
      %dma_wait3A_367 = arith.constant 12 : i32
      %dma_wait3A_368 = arith.constant 0 : i32
      %dma_wait3A_369 = tpu.memref_slice %arg8[%dma_wait3A_367, %dma_wait3A_368] : memref<16x128xi32, #tpu.memory_space<vmem>> -> memref<1x128xi32, #tpu.memory_space<vmem>>
      %dma_wait3A_370 = tpu.memref_squeeze %dma_wait3A_369 : memref<1x128xi32, #tpu.memory_space<vmem>> -> memref<128xi32, #tpu.memory_space<vmem>>
      %dma_wait3A_371 = arith.constant 0 : i32
      %dma_wait3A_372 = arith.constant 0 : i32
      %dma_wait3A_373 = tpu.memref_slice %arg2[%dma_wait3A_371, %dma_wait3A_372] : memref<10000x128xf32, #tpu.memory_space<hbm>> -> memref<10000x128xf32, #tpu.memory_space<hbm>>
      tpu.wait_indirect_dma semaphore(%arg13 : memref<!tpu.dma_semaphore, #tpu.memory_space<semaphore_mem>>) src(%dma_wait3A_373 : memref<10000x128xf32, #tpu.memory_space<hbm>>) dst(%arg10 : memref<128x128xf32, #tpu.memory_space<vmem>>)
      %dma_start3A_374 = arith.constant 12 : i32
      %dma_start3A_375 = arith.constant 0 : i32
      %dma_start3A_376 = tpu.memref_slice %arg9[%dma_start3A_374, %dma_start3A_375] : memref<16x128xi32, #tpu.memory_space<vmem>> -> memref<1x128xi32, #tpu.memory_space<vmem>>
      %dma_start3A_377 = tpu.memref_squeeze %dma_start3A_376 : memref<1x128xi32, #tpu.memory_space<vmem>> -> memref<128xi32, #tpu.memory_space<vmem>>
      %dma_start3A_378 = arith.constant 0 : i32
      %dma_start3A_379 = arith.constant 0 : i32
      %dma_start3A_380 = tpu.memref_slice %arg7[%dma_start3A_378, %dma_start3A_379] : memref<10112x128xf32, #tpu.memory_space<vmem_shared>> -> memref<10112x128xf32, #tpu.memory_space<vmem_shared>>
      tpu.enqueue_indirect_dma source(%arg10 : memref<128x128xf32, #tpu.memory_space<vmem>>) target(%dma_start3A_380 : memref<10112x128xf32, #tpu.memory_space<vmem_shared>>) offsets(%dma_start3A_377 : memref<128xi32, #tpu.memory_space<vmem>>) semaphore(%arg15 : memref<!tpu.dma_semaphore, #tpu.memory_space<semaphore_mem>>) {add = true}
      %dma_wait3A_381 = arith.constant 12 : i32
      %dma_wait3A_382 = arith.constant 0 : i32
      %dma_wait3A_383 = tpu.memref_slice %arg9[%dma_wait3A_381, %dma_wait3A_382] : memref<16x128xi32, #tpu.memory_space<vmem>> -> memref<1x128xi32, #tpu.memory_space<vmem>>
      %dma_wait3A_384 = tpu.memref_squeeze %dma_wait3A_383 : memref<1x128xi32, #tpu.memory_space<vmem>> -> memref<128xi32, #tpu.memory_space<vmem>>
      %dma_wait3A_385 = arith.constant 0 : i32
      %dma_wait3A_386 = arith.constant 0 : i32
      %dma_wait3A_387 = tpu.memref_slice %arg7[%dma_wait3A_385, %dma_wait3A_386] : memref<10112x128xf32, #tpu.memory_space<vmem_shared>> -> memref<10112x128xf32, #tpu.memory_space<vmem_shared>>
      tpu.wait_indirect_dma semaphore(%arg15 : memref<!tpu.dma_semaphore, #tpu.memory_space<semaphore_mem>>) src(%arg10 : memref<128x128xf32, #tpu.memory_space<vmem>>) dst(%dma_wait3A_387 : memref<10112x128xf32, #tpu.memory_space<vmem_shared>>)
      %dma_start3A_388 = arith.constant 14 : i32
      %dma_start3A_389 = arith.constant 0 : i32
      %dma_start3A_390 = tpu.memref_slice %arg8[%dma_start3A_388, %dma_start3A_389] : memref<16x128xi32, #tpu.memory_space<vmem>> -> memref<1x128xi32, #tpu.memory_space<vmem>>
      %dma_start3A_391 = tpu.memref_squeeze %dma_start3A_390 : memref<1x128xi32, #tpu.memory_space<vmem>> -> memref<128xi32, #tpu.memory_space<vmem>>
      %dma_start3A_392 = arith.constant 0 : i32
      %dma_start3A_393 = arith.constant 0 : i32
      %dma_start3A_394 = tpu.memref_slice %arg2[%dma_start3A_392, %dma_start3A_393] : memref<10000x128xf32, #tpu.memory_space<hbm>> -> memref<10000x128xf32, #tpu.memory_space<hbm>>
      tpu.enqueue_indirect_dma source(%dma_start3A_394 : memref<10000x128xf32, #tpu.memory_space<hbm>>) target(%arg10 : memref<128x128xf32, #tpu.memory_space<vmem>>) offsets(%dma_start3A_391 : memref<128xi32, #tpu.memory_space<vmem>>) semaphore(%arg13 : memref<!tpu.dma_semaphore, #tpu.memory_space<semaphore_mem>>)
      %dma_wait3A_395 = arith.constant 13 : i32
      %dma_wait3A_396 = arith.constant 0 : i32
      %dma_wait3A_397 = tpu.memref_slice %arg8[%dma_wait3A_395, %dma_wait3A_396] : memref<16x128xi32, #tpu.memory_space<vmem>> -> memref<1x128xi32, #tpu.memory_space<vmem>>
      %dma_wait3A_398 = tpu.memref_squeeze %dma_wait3A_397 : memref<1x128xi32, #tpu.memory_space<vmem>> -> memref<128xi32, #tpu.memory_space<vmem>>
      %dma_wait3A_399 = arith.constant 0 : i32
      %dma_wait3A_400 = arith.constant 0 : i32
      %dma_wait3A_401 = tpu.memref_slice %arg2[%dma_wait3A_399, %dma_wait3A_400] : memref<10000x128xf32, #tpu.memory_space<hbm>> -> memref<10000x128xf32, #tpu.memory_space<hbm>>
      tpu.wait_indirect_dma semaphore(%arg14 : memref<!tpu.dma_semaphore, #tpu.memory_space<semaphore_mem>>) src(%dma_wait3A_401 : memref<10000x128xf32, #tpu.memory_space<hbm>>) dst(%arg11 : memref<128x128xf32, #tpu.memory_space<vmem>>)
      %dma_start3A_402 = arith.constant 13 : i32
      %dma_start3A_403 = arith.constant 0 : i32
      %dma_start3A_404 = tpu.memref_slice %arg9[%dma_start3A_402, %dma_start3A_403] : memref<16x128xi32, #tpu.memory_space<vmem>> -> memref<1x128xi32, #tpu.memory_space<vmem>>
      %dma_start3A_405 = tpu.memref_squeeze %dma_start3A_404 : memref<1x128xi32, #tpu.memory_space<vmem>> -> memref<128xi32, #tpu.memory_space<vmem>>
      %dma_start3A_406 = arith.constant 0 : i32
      %dma_start3A_407 = arith.constant 0 : i32
      %dma_start3A_408 = tpu.memref_slice %arg7[%dma_start3A_406, %dma_start3A_407] : memref<10112x128xf32, #tpu.memory_space<vmem_shared>> -> memref<10112x128xf32, #tpu.memory_space<vmem_shared>>
      tpu.enqueue_indirect_dma source(%arg11 : memref<128x128xf32, #tpu.memory_space<vmem>>) target(%dma_start3A_408 : memref<10112x128xf32, #tpu.memory_space<vmem_shared>>) offsets(%dma_start3A_405 : memref<128xi32, #tpu.memory_space<vmem>>) semaphore(%arg16 : memref<!tpu.dma_semaphore, #tpu.memory_space<semaphore_mem>>) {add = true}
      %dma_wait3A_409 = arith.constant 13 : i32
      %dma_wait3A_410 = arith.constant 0 : i32
      %dma_wait3A_411 = tpu.memref_slice %arg9[%dma_wait3A_409, %dma_wait3A_410] : memref<16x128xi32, #tpu.memory_space<vmem>> -> memref<1x128xi32, #tpu.memory_space<vmem>>
      %dma_wait3A_412 = tpu.memref_squeeze %dma_wait3A_411 : memref<1x128xi32, #tpu.memory_space<vmem>> -> memref<128xi32, #tpu.memory_space<vmem>>
      %dma_wait3A_413 = arith.constant 0 : i32
      %dma_wait3A_414 = arith.constant 0 : i32
      %dma_wait3A_415 = tpu.memref_slice %arg7[%dma_wait3A_413, %dma_wait3A_414] : memref<10112x128xf32, #tpu.memory_space<vmem_shared>> -> memref<10112x128xf32, #tpu.memory_space<vmem_shared>>
      tpu.wait_indirect_dma semaphore(%arg16 : memref<!tpu.dma_semaphore, #tpu.memory_space<semaphore_mem>>) src(%arg11 : memref<128x128xf32, #tpu.memory_space<vmem>>) dst(%dma_wait3A_415 : memref<10112x128xf32, #tpu.memory_space<vmem_shared>>)
      %dma_start3A_416 = arith.constant 15 : i32
      %dma_start3A_417 = arith.constant 0 : i32
      %dma_start3A_418 = tpu.memref_slice %arg8[%dma_start3A_416, %dma_start3A_417] : memref<16x128xi32, #tpu.memory_space<vmem>> -> memref<1x128xi32, #tpu.memory_space<vmem>>
      %dma_start3A_419 = tpu.memref_squeeze %dma_start3A_418 : memref<1x128xi32, #tpu.memory_space<vmem>> -> memref<128xi32, #tpu.memory_space<vmem>>
      %dma_start3A_420 = arith.constant 0 : i32
      %dma_start3A_421 = arith.constant 0 : i32
      %dma_start3A_422 = tpu.memref_slice %arg2[%dma_start3A_420, %dma_start3A_421] : memref<10000x128xf32, #tpu.memory_space<hbm>> -> memref<10000x128xf32, #tpu.memory_space<hbm>>
      tpu.enqueue_indirect_dma source(%dma_start3A_422 : memref<10000x128xf32, #tpu.memory_space<hbm>>) target(%arg11 : memref<128x128xf32, #tpu.memory_space<vmem>>) offsets(%dma_start3A_419 : memref<128xi32, #tpu.memory_space<vmem>>) semaphore(%arg14 : memref<!tpu.dma_semaphore, #tpu.memory_space<semaphore_mem>>)
      %dma_wait3A_423 = arith.constant 14 : i32
      %dma_wait3A_424 = arith.constant 0 : i32
      %dma_wait3A_425 = tpu.memref_slice %arg8[%dma_wait3A_423, %dma_wait3A_424] : memref<16x128xi32, #tpu.memory_space<vmem>> -> memref<1x128xi32, #tpu.memory_space<vmem>>
      %dma_wait3A_426 = tpu.memref_squeeze %dma_wait3A_425 : memref<1x128xi32, #tpu.memory_space<vmem>> -> memref<128xi32, #tpu.memory_space<vmem>>
      %dma_wait3A_427 = arith.constant 0 : i32
      %dma_wait3A_428 = arith.constant 0 : i32
      %dma_wait3A_429 = tpu.memref_slice %arg2[%dma_wait3A_427, %dma_wait3A_428] : memref<10000x128xf32, #tpu.memory_space<hbm>> -> memref<10000x128xf32, #tpu.memory_space<hbm>>
      tpu.wait_indirect_dma semaphore(%arg13 : memref<!tpu.dma_semaphore, #tpu.memory_space<semaphore_mem>>) src(%dma_wait3A_429 : memref<10000x128xf32, #tpu.memory_space<hbm>>) dst(%arg10 : memref<128x128xf32, #tpu.memory_space<vmem>>)
      %dma_start3A_430 = arith.constant 14 : i32
      %dma_start3A_431 = arith.constant 0 : i32
      %dma_start3A_432 = tpu.memref_slice %arg9[%dma_start3A_430, %dma_start3A_431] : memref<16x128xi32, #tpu.memory_space<vmem>> -> memref<1x128xi32, #tpu.memory_space<vmem>>
      %dma_start3A_433 = tpu.memref_squeeze %dma_start3A_432 : memref<1x128xi32, #tpu.memory_space<vmem>> -> memref<128xi32, #tpu.memory_space<vmem>>
      %dma_start3A_434 = arith.constant 0 : i32
      %dma_start3A_435 = arith.constant 0 : i32
      %dma_start3A_436 = tpu.memref_slice %arg7[%dma_start3A_434, %dma_start3A_435] : memref<10112x128xf32, #tpu.memory_space<vmem_shared>> -> memref<10112x128xf32, #tpu.memory_space<vmem_shared>>
      tpu.enqueue_indirect_dma source(%arg10 : memref<128x128xf32, #tpu.memory_space<vmem>>) target(%dma_start3A_436 : memref<10112x128xf32, #tpu.memory_space<vmem_shared>>) offsets(%dma_start3A_433 : memref<128xi32, #tpu.memory_space<vmem>>) semaphore(%arg15 : memref<!tpu.dma_semaphore, #tpu.memory_space<semaphore_mem>>) {add = true}
      %dma_wait3A_437 = arith.constant 14 : i32
      %dma_wait3A_438 = arith.constant 0 : i32
      %dma_wait3A_439 = tpu.memref_slice %arg9[%dma_wait3A_437, %dma_wait3A_438] : memref<16x128xi32, #tpu.memory_space<vmem>> -> memref<1x128xi32, #tpu.memory_space<vmem>>
      %dma_wait3A_440 = tpu.memref_squeeze %dma_wait3A_439 : memref<1x128xi32, #tpu.memory_space<vmem>> -> memref<128xi32, #tpu.memory_space<vmem>>
      %dma_wait3A_441 = arith.constant 0 : i32
      %dma_wait3A_442 = arith.constant 0 : i32
      %dma_wait3A_443 = tpu.memref_slice %arg7[%dma_wait3A_441, %dma_wait3A_442] : memref<10112x128xf32, #tpu.memory_space<vmem_shared>> -> memref<10112x128xf32, #tpu.memory_space<vmem_shared>>
      tpu.wait_indirect_dma semaphore(%arg15 : memref<!tpu.dma_semaphore, #tpu.memory_space<semaphore_mem>>) src(%arg10 : memref<128x128xf32, #tpu.memory_space<vmem>>) dst(%dma_wait3A_443 : memref<10112x128xf32, #tpu.memory_space<vmem_shared>>)
      %dma_wait3A_444 = arith.constant 15 : i32
      %dma_wait3A_445 = arith.constant 0 : i32
      %dma_wait3A_446 = tpu.memref_slice %arg8[%dma_wait3A_444, %dma_wait3A_445] : memref<16x128xi32, #tpu.memory_space<vmem>> -> memref<1x128xi32, #tpu.memory_space<vmem>>
      %dma_wait3A_447 = tpu.memref_squeeze %dma_wait3A_446 : memref<1x128xi32, #tpu.memory_space<vmem>> -> memref<128xi32, #tpu.memory_space<vmem>>
      %dma_wait3A_448 = arith.constant 0 : i32
      %dma_wait3A_449 = arith.constant 0 : i32
      %dma_wait3A_450 = tpu.memref_slice %arg2[%dma_wait3A_448, %dma_wait3A_449] : memref<10000x128xf32, #tpu.memory_space<hbm>> -> memref<10000x128xf32, #tpu.memory_space<hbm>>
      tpu.wait_indirect_dma semaphore(%arg14 : memref<!tpu.dma_semaphore, #tpu.memory_space<semaphore_mem>>) src(%dma_wait3A_450 : memref<10000x128xf32, #tpu.memory_space<hbm>>) dst(%arg11 : memref<128x128xf32, #tpu.memory_space<vmem>>)
      %dma_start3A_451 = arith.constant 15 : i32
      %dma_start3A_452 = arith.constant 0 : i32
      %dma_start3A_453 = tpu.memref_slice %arg9[%dma_start3A_451, %dma_start3A_452] : memref<16x128xi32, #tpu.memory_space<vmem>> -> memref<1x128xi32, #tpu.memory_space<vmem>>
      %dma_start3A_454 = tpu.memref_squeeze %dma_start3A_453 : memref<1x128xi32, #tpu.memory_space<vmem>> -> memref<128xi32, #tpu.memory_space<vmem>>
      %dma_start3A_455 = arith.constant 0 : i32
      %dma_start3A_456 = arith.constant 0 : i32
      %dma_start3A_457 = tpu.memref_slice %arg7[%dma_start3A_455, %dma_start3A_456] : memref<10112x128xf32, #tpu.memory_space<vmem_shared>> -> memref<10112x128xf32, #tpu.memory_space<vmem_shared>>
      tpu.enqueue_indirect_dma source(%arg11 : memref<128x128xf32, #tpu.memory_space<vmem>>) target(%dma_start3A_457 : memref<10112x128xf32, #tpu.memory_space<vmem_shared>>) offsets(%dma_start3A_454 : memref<128xi32, #tpu.memory_space<vmem>>) semaphore(%arg16 : memref<!tpu.dma_semaphore, #tpu.memory_space<semaphore_mem>>) {add = true}
      %dma_wait3A_458 = arith.constant 15 : i32
      %dma_wait3A_459 = arith.constant 0 : i32
      %dma_wait3A_460 = tpu.memref_slice %arg9[%dma_wait3A_458, %dma_wait3A_459] : memref<16x128xi32, #tpu.memory_space<vmem>> -> memref<1x128xi32, #tpu.memory_space<vmem>>
      %dma_wait3A_461 = tpu.memref_squeeze %dma_wait3A_460 : memref<1x128xi32, #tpu.memory_space<vmem>> -> memref<128xi32, #tpu.memory_space<vmem>>
      %dma_wait3A_462 = arith.constant 0 : i32
      %dma_wait3A_463 = arith.constant 0 : i32
      %dma_wait3A_464 = tpu.memref_slice %arg7[%dma_wait3A_462, %dma_wait3A_463] : memref<10112x128xf32, #tpu.memory_space<vmem_shared>> -> memref<10112x128xf32, #tpu.memory_space<vmem_shared>>
      tpu.wait_indirect_dma semaphore(%arg16 : memref<!tpu.dma_semaphore, #tpu.memory_space<semaphore_mem>>) src(%arg11 : memref<128x128xf32, #tpu.memory_space<vmem>>) dst(%dma_wait3A_464 : memref<10112x128xf32, #tpu.memory_space<vmem_shared>>)
    }
    %scan3A_13 = arith.constant 5 : i32
    %barrier3A_14 = arith.constant 0 : index
    tpu.barrier barrier_id(%barrier3A_14)
    "tpu.region"() ({
      %run_scoped3A = tpu.sem_alloc : memref<!tpu.dma_semaphore, #tpu.memory_space<semaphore_mem>>
      %dma_start3A = arith.constant 0 : i32
      %dma_start3A_15 = tpu.memref_slice %arg6[%arg0, %multiple_of3A, %dma_start3A] : memref<2x10112x128xf32, #tpu.memory_space<hbm>> -> memref<1x632x128xf32, #tpu.memory_space<hbm>>
      %dma_start3A_16 = tpu.memref_squeeze %dma_start3A_15 : memref<1x632x128xf32, #tpu.memory_space<hbm>> -> memref<632x128xf32, #tpu.memory_space<hbm>>
      %dma_start3A_17 = arith.constant 0 : i32
      %dma_start3A_18 = tpu.memref_slice %arg7[%multiple_of3A, %dma_start3A_17] : memref<10112x128xf32, #tpu.memory_space<vmem_shared>> -> memref<632x128xf32, #tpu.memory_space<vmem_shared>>
      tpu.enqueue_dma source(%dma_start3A_18 : memref<632x128xf32, #tpu.memory_space<vmem_shared>>) target(%dma_start3A_16 : memref<632x128xf32, #tpu.memory_space<hbm>>) target_semaphore(%run_scoped3A : memref<!tpu.dma_semaphore, #tpu.memory_space<semaphore_mem>>)
      %dma_wait3A = arith.constant 0 : i32
      %dma_wait3A_19 = tpu.memref_slice %arg6[%arg0, %multiple_of3A, %dma_wait3A] : memref<2x10112x128xf32, #tpu.memory_space<hbm>> -> memref<1x632x128xf32, #tpu.memory_space<hbm>>
      %dma_wait3A_20 = tpu.memref_squeeze %dma_wait3A_19 : memref<1x632x128xf32, #tpu.memory_space<hbm>> -> memref<632x128xf32, #tpu.memory_space<hbm>>
      %dma_wait3A_21 = arith.constant 0 : i32
      %dma_wait3A_22 = tpu.memref_slice %arg7[%multiple_of3A, %dma_wait3A_21] : memref<10112x128xf32, #tpu.memory_space<vmem_shared>> -> memref<632x128xf32, #tpu.memory_space<vmem_shared>>
      tpu.wait_dma2 semaphore(%run_scoped3A : memref<!tpu.dma_semaphore, #tpu.memory_space<semaphore_mem>>) src(%dma_wait3A_22 : memref<632x128xf32, #tpu.memory_space<vmem_shared>>) dst(%dma_wait3A_20 : memref<632x128xf32, #tpu.memory_space<hbm>>)
      tpu.yield
    }) : () -> ()
    return
  }
}

#map = affine_map<(d0, d1) -> (0, 0)>
#map1 = affine_map<(d0, d1) -> (0, 0, 0)>
module attributes {stable_mosaic.version = 14 : i64} {
  func.func @_sc_agg_body(%arg0: i32, %arg1: i32, %arg2: memref<10000x128xf32, #tpu.memory_space<hbm>>, %arg3: memref<32x80x128xi32, #tpu.memory_space<hbm>>, %arg4: memref<32x80x128xi32, #tpu.memory_space<hbm>>, %arg5: memref<8x128xf32, #tpu.memory_space<hbm>>, %arg6: memref<2x10112x128xf32, #tpu.memory_space<hbm>>, %arg7: memref<10112x128xf32, #tpu.memory_space<vmem_shared>>, %arg8: memref<16x128xi32, #tpu.memory_space<vmem>>, %arg9: memref<16x128xi32, #tpu.memory_space<vmem>>, %arg10: memref<128x128xf32, #tpu.memory_space<vmem>>, %arg11: memref<128x128xf32, #tpu.memory_space<vmem>>, %arg12: memref<8x128xf32, #tpu.memory_space<vmem>>, %arg13: memref<!tpu.dma_semaphore, #tpu.memory_space<semaphore_mem>>, %arg14: memref<!tpu.dma_semaphore, #tpu.memory_space<semaphore_mem>>, %arg15: memref<!tpu.dma_semaphore, #tpu.memory_space<semaphore_mem>>, %arg16: memref<!tpu.dma_semaphore, #tpu.memory_space<semaphore_mem>>) attributes {dimension_semantics = [#tpu.dimension_semantics<core_parallel>, #tpu.dimension_semantics<subcore_parallel>], iteration_bounds = array<i64: 2, 16>, scalar_prefetch = 0 : i64, scratch_operands = 10 : i64, tpu.core_type = #tpu.core_type<sc_vector_subcore>, window_params = [{transform_indices = #map}, {transform_indices = #map1}, {transform_indices = #map1}, {transform_indices = #map}, {transform_indices = #map1}]} {
    %mul3A = arith.constant 16 : i32
    %mul3A_0 = arith.muli %arg0, %mul3A : i32
    %add3A = arith.addi %mul3A_0, %arg1 : i32
    %mul3A_1 = arith.constant 632 : i32
    %mul3A_2 = arith.muli %arg1, %mul3A_1 : i32
    %multiple_of3A = tpu.assume_multiple %mul3A_2, 8 : i32
    "tpu.region"() ({
      %run_scoped3A = tpu.sem_alloc : memref<!tpu.dma_semaphore, #tpu.memory_space<semaphore_mem>>
      tpu.enqueue_dma source(%arg5 : memref<8x128xf32, #tpu.memory_space<hbm>>) target(%arg12 : memref<8x128xf32, #tpu.memory_space<vmem>>) target_semaphore(%run_scoped3A : memref<!tpu.dma_semaphore, #tpu.memory_space<semaphore_mem>>)
      tpu.wait_dma2 semaphore(%run_scoped3A : memref<!tpu.dma_semaphore, #tpu.memory_space<semaphore_mem>>) src(%arg5 : memref<8x128xf32, #tpu.memory_space<hbm>>) dst(%arg12 : memref<8x128xf32, #tpu.memory_space<vmem>>)
      tpu.yield
    }) : () -> ()
    %scan3A = arith.constant 0 : i32
    %scan3A_3 = arith.constant 0 : i32
    %scan3A_4 = arith.constant 79 : i32
    %scan3A_5 = arith.addi %scan3A_3, %scan3A_4 : i32
    %scan3A_6 = arith.constant 1 : i32
    scf.for %scan3A_15 = %scan3A_3 to %scan3A_5 step %scan3A_6  : i32 {
      %mul3A_16 = arith.constant 8 : i32
      %mul3A_17 = arith.muli %scan3A_15, %mul3A_16 : i32
      %add3A_18 = arith.addi %multiple_of3A, %mul3A_17 : i32
      %multiple_of3A_19 = tpu.assume_multiple %add3A_18, 8 : i32
      "tpu.region"() ({
        %run_scoped3A = tpu.sem_alloc : memref<!tpu.dma_semaphore, #tpu.memory_space<semaphore_mem>>
        %dma_start3A = arith.constant 0 : i32
        %dma_start3A_20 = tpu.memref_slice %arg7[%multiple_of3A_19, %dma_start3A] : memref<10112x128xf32, #tpu.memory_space<vmem_shared>> -> memref<8x128xf32, #tpu.memory_space<vmem_shared>>
        %dma_start3A_21 = arith.constant 0 : i32
        %dma_start3A_22 = tpu.memref_slice %arg7[%multiple_of3A_19, %dma_start3A_21] : memref<10112x128xf32, #tpu.memory_space<vmem_shared>> -> memref<8x128xf32, #tpu.memory_space<vmem_shared>>
        tpu.enqueue_dma source(%arg12 : memref<8x128xf32, #tpu.memory_space<vmem>>) target(%dma_start3A_22 : memref<8x128xf32, #tpu.memory_space<vmem_shared>>) target_semaphore(%run_scoped3A : memref<!tpu.dma_semaphore, #tpu.memory_space<semaphore_mem>>)
        %dma_wait3A = arith.constant 0 : i32
        %dma_wait3A_23 = tpu.memref_slice %arg7[%multiple_of3A_19, %dma_wait3A] : memref<10112x128xf32, #tpu.memory_space<vmem_shared>> -> memref<8x128xf32, #tpu.memory_space<vmem_shared>>
        %dma_wait3A_24 = arith.constant 0 : i32
        %dma_wait3A_25 = tpu.memref_slice %arg7[%multiple_of3A_19, %dma_wait3A_24] : memref<10112x128xf32, #tpu.memory_space<vmem_shared>> -> memref<8x128xf32, #tpu.memory_space<vmem_shared>>
        tpu.wait_dma2 semaphore(%run_scoped3A : memref<!tpu.dma_semaphore, #tpu.memory_space<semaphore_mem>>) src(%arg12 : memref<8x128xf32, #tpu.memory_space<vmem>>) dst(%dma_wait3A_25 : memref<8x128xf32, #tpu.memory_space<vmem_shared>>)
        tpu.yield
      }) : () -> ()
    }
    %scan3A_7 = arith.constant 79 : i32
    %barrier3A = arith.constant 0 : index
    tpu.barrier barrier_id(%barrier3A)
    %scan3A_8 = arith.constant 0 : i32
    %scan3A_9 = arith.constant 0 : i32
    %scan3A_10 = arith.constant 5 : i32
    %scan3A_11 = arith.addi %scan3A_9, %scan3A_10 : i32
    %scan3A_12 = arith.constant 1 : i32
    scf.for %scan3A_15 = %scan3A_9 to %scan3A_11 step %scan3A_12  : i32 {
      %mul3A_16 = arith.constant 16 : i32
      %mul3A_17 = arith.muli %scan3A_15, %mul3A_16 : i32
      %multiple_of3A_18 = tpu.assume_multiple %mul3A_17, 16 : i32
      "tpu.region"() ({
        %run_scoped3A = tpu.sem_alloc : memref<!tpu.dma_semaphore, #tpu.memory_space<semaphore_mem>>
        %dma_start3A_465 = arith.constant 0 : i32
        %dma_start3A_466 = tpu.memref_slice %arg3[%add3A, %multiple_of3A_18, %dma_start3A_465] : memref<32x80x128xi32, #tpu.memory_space<hbm>> -> memref<1x16x128xi32, #tpu.memory_space<hbm>>
        %dma_start3A_467 = tpu.memref_squeeze %dma_start3A_466 : memref<1x16x128xi32, #tpu.memory_space<hbm>> -> memref<16x128xi32, #tpu.memory_space<hbm>>
        %dma_start3A_468 = arith.constant 0 : i32
        %dma_start3A_469 = tpu.memref_slice %arg3[%add3A, %multiple_of3A_18, %dma_start3A_468] : memref<32x80x128xi32, #tpu.memory_space<hbm>> -> memref<1x16x128xi32, #tpu.memory_space<hbm>>
        %dma_start3A_470 = tpu.memref_squeeze %dma_start3A_469 : memref<1x16x128xi32, #tpu.memory_space<hbm>> -> memref<16x128xi32, #tpu.memory_space<hbm>>
        tpu.enqueue_dma source(%dma_start3A_470 : memref<16x128xi32, #tpu.memory_space<hbm>>) target(%arg8 : memref<16x128xi32, #tpu.memory_space<vmem>>) target_semaphore(%run_scoped3A : memref<!tpu.dma_semaphore, #tpu.memory_space<semaphore_mem>>)
        %dma_wait3A_471 = arith.constant 0 : i32
        %dma_wait3A_472 = tpu.memref_slice %arg3[%add3A, %multiple_of3A_18, %dma_wait3A_471] : memref<32x80x128xi32, #tpu.memory_space<hbm>> -> memref<1x16x128xi32, #tpu.memory_space<hbm>>
        %dma_wait3A_473 = tpu.memref_squeeze %dma_wait3A_472 : memref<1x16x128xi32, #tpu.memory_space<hbm>> -> memref<16x128xi32, #tpu.memory_space<hbm>>
        %dma_wait3A_474 = arith.constant 0 : i32
        %dma_wait3A_475 = tpu.memref_slice %arg3[%add3A, %multiple_of3A_18, %dma_wait3A_474] : memref<32x80x128xi32, #tpu.memory_space<hbm>> -> memref<1x16x128xi32, #tpu.memory_space<hbm>>
        %dma_wait3A_476 = tpu.memref_squeeze %dma_wait3A_475 : memref<1x16x128xi32, #tpu.memory_space<hbm>> -> memref<16x128xi32, #tpu.memory_space<hbm>>
        tpu.wait_dma2 semaphore(%run_scoped3A : memref<!tpu.dma_semaphore, #tpu.memory_space<semaphore_mem>>) src(%dma_wait3A_476 : memref<16x128xi32, #tpu.memory_space<hbm>>) dst(%arg8 : memref<16x128xi32, #tpu.memory_space<vmem>>)
        tpu.yield
      }) : () -> ()
      "tpu.region"() ({
        %run_scoped3A = tpu.sem_alloc : memref<!tpu.dma_semaphore, #tpu.memory_space<semaphore_mem>>
        %dma_start3A_465 = arith.constant 0 : i32
        %dma_start3A_466 = tpu.memref_slice %arg4[%add3A, %multiple_of3A_18, %dma_start3A_465] : memref<32x80x128xi32, #tpu.memory_space<hbm>> -> memref<1x16x128xi32, #tpu.memory_space<hbm>>
        %dma_start3A_467 = tpu.memref_squeeze %dma_start3A_466 : memref<1x16x128xi32, #tpu.memory_space<hbm>> -> memref<16x128xi32, #tpu.memory_space<hbm>>
        %dma_start3A_468 = arith.constant 0 : i32
        %dma_start3A_469 = tpu.memref_slice %arg4[%add3A, %multiple_of3A_18, %dma_start3A_468] : memref<32x80x128xi32, #tpu.memory_space<hbm>> -> memref<1x16x128xi32, #tpu.memory_space<hbm>>
        %dma_start3A_470 = tpu.memref_squeeze %dma_start3A_469 : memref<1x16x128xi32, #tpu.memory_space<hbm>> -> memref<16x128xi32, #tpu.memory_space<hbm>>
        tpu.enqueue_dma source(%dma_start3A_470 : memref<16x128xi32, #tpu.memory_space<hbm>>) target(%arg9 : memref<16x128xi32, #tpu.memory_space<vmem>>) target_semaphore(%run_scoped3A : memref<!tpu.dma_semaphore, #tpu.memory_space<semaphore_mem>>)
        %dma_wait3A_471 = arith.constant 0 : i32
        %dma_wait3A_472 = tpu.memref_slice %arg4[%add3A, %multiple_of3A_18, %dma_wait3A_471] : memref<32x80x128xi32, #tpu.memory_space<hbm>> -> memref<1x16x128xi32, #tpu.memory_space<hbm>>
        %dma_wait3A_473 = tpu.memref_squeeze %dma_wait3A_472 : memref<1x16x128xi32, #tpu.memory_space<hbm>> -> memref<16x128xi32, #tpu.memory_space<hbm>>
        %dma_wait3A_474 = arith.constant 0 : i32
        %dma_wait3A_475 = tpu.memref_slice %arg4[%add3A, %multiple_of3A_18, %dma_wait3A_474] : memref<32x80x128xi32, #tpu.memory_space<hbm>> -> memref<1x16x128xi32, #tpu.memory_space<hbm>>
        %dma_wait3A_476 = tpu.memref_squeeze %dma_wait3A_475 : memref<1x16x128xi32, #tpu.memory_space<hbm>> -> memref<16x128xi32, #tpu.memory_space<hbm>>
        tpu.wait_dma2 semaphore(%run_scoped3A : memref<!tpu.dma_semaphore, #tpu.memory_space<semaphore_mem>>) src(%dma_wait3A_476 : memref<16x128xi32, #tpu.memory_space<hbm>>) dst(%arg9 : memref<16x128xi32, #tpu.memory_space<vmem>>)
        tpu.yield
      }) : () -> ()
      %dma_start3A = arith.constant 0 : i32
      %dma_start3A_19 = arith.constant 0 : i32
      %dma_start3A_20 = tpu.memref_slice %arg8[%dma_start3A, %dma_start3A_19] : memref<16x128xi32, #tpu.memory_space<vmem>> -> memref<1x128xi32, #tpu.memory_space<vmem>>
      %dma_start3A_21 = tpu.memref_squeeze %dma_start3A_20 : memref<1x128xi32, #tpu.memory_space<vmem>> -> memref<128xi32, #tpu.memory_space<vmem>>
      %dma_start3A_22 = arith.constant 0 : i32
      %dma_start3A_23 = arith.constant 0 : i32
      %dma_start3A_24 = tpu.memref_slice %arg2[%dma_start3A_22, %dma_start3A_23] : memref<10000x128xf32, #tpu.memory_space<hbm>> -> memref<10000x128xf32, #tpu.memory_space<hbm>>
      tpu.enqueue_indirect_dma source(%dma_start3A_24 : memref<10000x128xf32, #tpu.memory_space<hbm>>) target(%arg10 : memref<128x128xf32, #tpu.memory_space<vmem>>) offsets(%dma_start3A_21 : memref<128xi32, #tpu.memory_space<vmem>>) semaphore(%arg13 : memref<!tpu.dma_semaphore, #tpu.memory_space<semaphore_mem>>)
      %dma_start3A_25 = arith.constant 1 : i32
      %dma_start3A_26 = arith.constant 0 : i32
      %dma_start3A_27 = tpu.memref_slice %arg8[%dma_start3A_25, %dma_start3A_26] : memref<16x128xi32, #tpu.memory_space<vmem>> -> memref<1x128xi32, #tpu.memory_space<vmem>>
      %dma_start3A_28 = tpu.memref_squeeze %dma_start3A_27 : memref<1x128xi32, #tpu.memory_space<vmem>> -> memref<128xi32, #tpu.memory_space<vmem>>
      %dma_start3A_29 = arith.constant 0 : i32
      %dma_start3A_30 = arith.constant 0 : i32
      %dma_start3A_31 = tpu.memref_slice %arg2[%dma_start3A_29, %dma_start3A_30] : memref<10000x128xf32, #tpu.memory_space<hbm>> -> memref<10000x128xf32, #tpu.memory_space<hbm>>
      tpu.enqueue_indirect_dma source(%dma_start3A_31 : memref<10000x128xf32, #tpu.memory_space<hbm>>) target(%arg11 : memref<128x128xf32, #tpu.memory_space<vmem>>) offsets(%dma_start3A_28 : memref<128xi32, #tpu.memory_space<vmem>>) semaphore(%arg14 : memref<!tpu.dma_semaphore, #tpu.memory_space<semaphore_mem>>)
      %dma_wait3A = arith.constant 0 : i32
      %dma_wait3A_32 = arith.constant 0 : i32
      %dma_wait3A_33 = tpu.memref_slice %arg8[%dma_wait3A, %dma_wait3A_32] : memref<16x128xi32, #tpu.memory_space<vmem>> -> memref<1x128xi32, #tpu.memory_space<vmem>>
      %dma_wait3A_34 = tpu.memref_squeeze %dma_wait3A_33 : memref<1x128xi32, #tpu.memory_space<vmem>> -> memref<128xi32, #tpu.memory_space<vmem>>
      %dma_wait3A_35 = arith.constant 0 : i32
      %dma_wait3A_36 = arith.constant 0 : i32
      %dma_wait3A_37 = tpu.memref_slice %arg2[%dma_wait3A_35, %dma_wait3A_36] : memref<10000x128xf32, #tpu.memory_space<hbm>> -> memref<10000x128xf32, #tpu.memory_space<hbm>>
      tpu.wait_indirect_dma semaphore(%arg13 : memref<!tpu.dma_semaphore, #tpu.memory_space<semaphore_mem>>) src(%dma_wait3A_37 : memref<10000x128xf32, #tpu.memory_space<hbm>>) dst(%arg10 : memref<128x128xf32, #tpu.memory_space<vmem>>)
      %dma_start3A_38 = arith.constant 0 : i32
      %dma_start3A_39 = arith.constant 0 : i32
      %dma_start3A_40 = tpu.memref_slice %arg9[%dma_start3A_38, %dma_start3A_39] : memref<16x128xi32, #tpu.memory_space<vmem>> -> memref<1x128xi32, #tpu.memory_space<vmem>>
      %dma_start3A_41 = tpu.memref_squeeze %dma_start3A_40 : memref<1x128xi32, #tpu.memory_space<vmem>> -> memref<128xi32, #tpu.memory_space<vmem>>
      %dma_start3A_42 = arith.constant 0 : i32
      %dma_start3A_43 = arith.constant 0 : i32
      %dma_start3A_44 = tpu.memref_slice %arg7[%dma_start3A_42, %dma_start3A_43] : memref<10112x128xf32, #tpu.memory_space<vmem_shared>> -> memref<10112x128xf32, #tpu.memory_space<vmem_shared>>
      tpu.enqueue_indirect_dma source(%arg10 : memref<128x128xf32, #tpu.memory_space<vmem>>) target(%dma_start3A_44 : memref<10112x128xf32, #tpu.memory_space<vmem_shared>>) offsets(%dma_start3A_41 : memref<128xi32, #tpu.memory_space<vmem>>) semaphore(%arg15 : memref<!tpu.dma_semaphore, #tpu.memory_space<semaphore_mem>>) {add = true}
      %dma_wait3A_45 = arith.constant 0 : i32
      %dma_wait3A_46 = arith.constant 0 : i32
      %dma_wait3A_47 = tpu.memref_slice %arg9[%dma_wait3A_45, %dma_wait3A_46] : memref<16x128xi32, #tpu.memory_space<vmem>> -> memref<1x128xi32, #tpu.memory_space<vmem>>
      %dma_wait3A_48 = tpu.memref_squeeze %dma_wait3A_47 : memref<1x128xi32, #tpu.memory_space<vmem>> -> memref<128xi32, #tpu.memory_space<vmem>>
      %dma_wait3A_49 = arith.constant 0 : i32
      %dma_wait3A_50 = arith.constant 0 : i32
      %dma_wait3A_51 = tpu.memref_slice %arg7[%dma_wait3A_49, %dma_wait3A_50] : memref<10112x128xf32, #tpu.memory_space<vmem_shared>> -> memref<10112x128xf32, #tpu.memory_space<vmem_shared>>
      tpu.wait_indirect_dma semaphore(%arg15 : memref<!tpu.dma_semaphore, #tpu.memory_space<semaphore_mem>>) src(%arg10 : memref<128x128xf32, #tpu.memory_space<vmem>>) dst(%dma_wait3A_51 : memref<10112x128xf32, #tpu.memory_space<vmem_shared>>)
      %dma_start3A_52 = arith.constant 2 : i32
      %dma_start3A_53 = arith.constant 0 : i32
      %dma_start3A_54 = tpu.memref_slice %arg8[%dma_start3A_52, %dma_start3A_53] : memref<16x128xi32, #tpu.memory_space<vmem>> -> memref<1x128xi32, #tpu.memory_space<vmem>>
      %dma_start3A_55 = tpu.memref_squeeze %dma_start3A_54 : memref<1x128xi32, #tpu.memory_space<vmem>> -> memref<128xi32, #tpu.memory_space<vmem>>
      %dma_start3A_56 = arith.constant 0 : i32
      %dma_start3A_57 = arith.constant 0 : i32
      %dma_start3A_58 = tpu.memref_slice %arg2[%dma_start3A_56, %dma_start3A_57] : memref<10000x128xf32, #tpu.memory_space<hbm>> -> memref<10000x128xf32, #tpu.memory_space<hbm>>
      tpu.enqueue_indirect_dma source(%dma_start3A_58 : memref<10000x128xf32, #tpu.memory_space<hbm>>) target(%arg10 : memref<128x128xf32, #tpu.memory_space<vmem>>) offsets(%dma_start3A_55 : memref<128xi32, #tpu.memory_space<vmem>>) semaphore(%arg13 : memref<!tpu.dma_semaphore, #tpu.memory_space<semaphore_mem>>)
      %dma_wait3A_59 = arith.constant 1 : i32
      %dma_wait3A_60 = arith.constant 0 : i32
      %dma_wait3A_61 = tpu.memref_slice %arg8[%dma_wait3A_59, %dma_wait3A_60] : memref<16x128xi32, #tpu.memory_space<vmem>> -> memref<1x128xi32, #tpu.memory_space<vmem>>
      %dma_wait3A_62 = tpu.memref_squeeze %dma_wait3A_61 : memref<1x128xi32, #tpu.memory_space<vmem>> -> memref<128xi32, #tpu.memory_space<vmem>>
      %dma_wait3A_63 = arith.constant 0 : i32
      %dma_wait3A_64 = arith.constant 0 : i32
      %dma_wait3A_65 = tpu.memref_slice %arg2[%dma_wait3A_63, %dma_wait3A_64] : memref<10000x128xf32, #tpu.memory_space<hbm>> -> memref<10000x128xf32, #tpu.memory_space<hbm>>
      tpu.wait_indirect_dma semaphore(%arg14 : memref<!tpu.dma_semaphore, #tpu.memory_space<semaphore_mem>>) src(%dma_wait3A_65 : memref<10000x128xf32, #tpu.memory_space<hbm>>) dst(%arg11 : memref<128x128xf32, #tpu.memory_space<vmem>>)
      %dma_start3A_66 = arith.constant 1 : i32
      %dma_start3A_67 = arith.constant 0 : i32
      %dma_start3A_68 = tpu.memref_slice %arg9[%dma_start3A_66, %dma_start3A_67] : memref<16x128xi32, #tpu.memory_space<vmem>> -> memref<1x128xi32, #tpu.memory_space<vmem>>
      %dma_start3A_69 = tpu.memref_squeeze %dma_start3A_68 : memref<1x128xi32, #tpu.memory_space<vmem>> -> memref<128xi32, #tpu.memory_space<vmem>>
      %dma_start3A_70 = arith.constant 0 : i32
      %dma_start3A_71 = arith.constant 0 : i32
      %dma_start3A_72 = tpu.memref_slice %arg7[%dma_start3A_70, %dma_start3A_71] : memref<10112x128xf32, #tpu.memory_space<vmem_shared>> -> memref<10112x128xf32, #tpu.memory_space<vmem_shared>>
      tpu.enqueue_indirect_dma source(%arg11 : memref<128x128xf32, #tpu.memory_space<vmem>>) target(%dma_start3A_72 : memref<10112x128xf32, #tpu.memory_space<vmem_shared>>) offsets(%dma_start3A_69 : memref<128xi32, #tpu.memory_space<vmem>>) semaphore(%arg16 : memref<!tpu.dma_semaphore, #tpu.memory_space<semaphore_mem>>) {add = true}
      %dma_wait3A_73 = arith.constant 1 : i32
      %dma_wait3A_74 = arith.constant 0 : i32
      %dma_wait3A_75 = tpu.memref_slice %arg9[%dma_wait3A_73, %dma_wait3A_74] : memref<16x128xi32, #tpu.memory_space<vmem>> -> memref<1x128xi32, #tpu.memory_space<vmem>>
      %dma_wait3A_76 = tpu.memref_squeeze %dma_wait3A_75 : memref<1x128xi32, #tpu.memory_space<vmem>> -> memref<128xi32, #tpu.memory_space<vmem>>
      %dma_wait3A_77 = arith.constant 0 : i32
      %dma_wait3A_78 = arith.constant 0 : i32
      %dma_wait3A_79 = tpu.memref_slice %arg7[%dma_wait3A_77, %dma_wait3A_78] : memref<10112x128xf32, #tpu.memory_space<vmem_shared>> -> memref<10112x128xf32, #tpu.memory_space<vmem_shared>>
      tpu.wait_indirect_dma semaphore(%arg16 : memref<!tpu.dma_semaphore, #tpu.memory_space<semaphore_mem>>) src(%arg11 : memref<128x128xf32, #tpu.memory_space<vmem>>) dst(%dma_wait3A_79 : memref<10112x128xf32, #tpu.memory_space<vmem_shared>>)
      %dma_start3A_80 = arith.constant 3 : i32
      %dma_start3A_81 = arith.constant 0 : i32
      %dma_start3A_82 = tpu.memref_slice %arg8[%dma_start3A_80, %dma_start3A_81] : memref<16x128xi32, #tpu.memory_space<vmem>> -> memref<1x128xi32, #tpu.memory_space<vmem>>
      %dma_start3A_83 = tpu.memref_squeeze %dma_start3A_82 : memref<1x128xi32, #tpu.memory_space<vmem>> -> memref<128xi32, #tpu.memory_space<vmem>>
      %dma_start3A_84 = arith.constant 0 : i32
      %dma_start3A_85 = arith.constant 0 : i32
      %dma_start3A_86 = tpu.memref_slice %arg2[%dma_start3A_84, %dma_start3A_85] : memref<10000x128xf32, #tpu.memory_space<hbm>> -> memref<10000x128xf32, #tpu.memory_space<hbm>>
      tpu.enqueue_indirect_dma source(%dma_start3A_86 : memref<10000x128xf32, #tpu.memory_space<hbm>>) target(%arg11 : memref<128x128xf32, #tpu.memory_space<vmem>>) offsets(%dma_start3A_83 : memref<128xi32, #tpu.memory_space<vmem>>) semaphore(%arg14 : memref<!tpu.dma_semaphore, #tpu.memory_space<semaphore_mem>>)
      %dma_wait3A_87 = arith.constant 2 : i32
      %dma_wait3A_88 = arith.constant 0 : i32
      %dma_wait3A_89 = tpu.memref_slice %arg8[%dma_wait3A_87, %dma_wait3A_88] : memref<16x128xi32, #tpu.memory_space<vmem>> -> memref<1x128xi32, #tpu.memory_space<vmem>>
      %dma_wait3A_90 = tpu.memref_squeeze %dma_wait3A_89 : memref<1x128xi32, #tpu.memory_space<vmem>> -> memref<128xi32, #tpu.memory_space<vmem>>
      %dma_wait3A_91 = arith.constant 0 : i32
      %dma_wait3A_92 = arith.constant 0 : i32
      %dma_wait3A_93 = tpu.memref_slice %arg2[%dma_wait3A_91, %dma_wait3A_92] : memref<10000x128xf32, #tpu.memory_space<hbm>> -> memref<10000x128xf32, #tpu.memory_space<hbm>>
      tpu.wait_indirect_dma semaphore(%arg13 : memref<!tpu.dma_semaphore, #tpu.memory_space<semaphore_mem>>) src(%dma_wait3A_93 : memref<10000x128xf32, #tpu.memory_space<hbm>>) dst(%arg10 : memref<128x128xf32, #tpu.memory_space<vmem>>)
      %dma_start3A_94 = arith.constant 2 : i32
      %dma_start3A_95 = arith.constant 0 : i32
      %dma_start3A_96 = tpu.memref_slice %arg9[%dma_start3A_94, %dma_start3A_95] : memref<16x128xi32, #tpu.memory_space<vmem>> -> memref<1x128xi32, #tpu.memory_space<vmem>>
      %dma_start3A_97 = tpu.memref_squeeze %dma_start3A_96 : memref<1x128xi32, #tpu.memory_space<vmem>> -> memref<128xi32, #tpu.memory_space<vmem>>
      %dma_start3A_98 = arith.constant 0 : i32
      %dma_start3A_99 = arith.constant 0 : i32
      %dma_start3A_100 = tpu.memref_slice %arg7[%dma_start3A_98, %dma_start3A_99] : memref<10112x128xf32, #tpu.memory_space<vmem_shared>> -> memref<10112x128xf32, #tpu.memory_space<vmem_shared>>
      tpu.enqueue_indirect_dma source(%arg10 : memref<128x128xf32, #tpu.memory_space<vmem>>) target(%dma_start3A_100 : memref<10112x128xf32, #tpu.memory_space<vmem_shared>>) offsets(%dma_start3A_97 : memref<128xi32, #tpu.memory_space<vmem>>) semaphore(%arg15 : memref<!tpu.dma_semaphore, #tpu.memory_space<semaphore_mem>>) {add = true}
      %dma_wait3A_101 = arith.constant 2 : i32
      %dma_wait3A_102 = arith.constant 0 : i32
      %dma_wait3A_103 = tpu.memref_slice %arg9[%dma_wait3A_101, %dma_wait3A_102] : memref<16x128xi32, #tpu.memory_space<vmem>> -> memref<1x128xi32, #tpu.memory_space<vmem>>
      %dma_wait3A_104 = tpu.memref_squeeze %dma_wait3A_103 : memref<1x128xi32, #tpu.memory_space<vmem>> -> memref<128xi32, #tpu.memory_space<vmem>>
      %dma_wait3A_105 = arith.constant 0 : i32
      %dma_wait3A_106 = arith.constant 0 : i32
      %dma_wait3A_107 = tpu.memref_slice %arg7[%dma_wait3A_105, %dma_wait3A_106] : memref<10112x128xf32, #tpu.memory_space<vmem_shared>> -> memref<10112x128xf32, #tpu.memory_space<vmem_shared>>
      tpu.wait_indirect_dma semaphore(%arg15 : memref<!tpu.dma_semaphore, #tpu.memory_space<semaphore_mem>>) src(%arg10 : memref<128x128xf32, #tpu.memory_space<vmem>>) dst(%dma_wait3A_107 : memref<10112x128xf32, #tpu.memory_space<vmem_shared>>)
      %dma_start3A_108 = arith.constant 4 : i32
      %dma_start3A_109 = arith.constant 0 : i32
      %dma_start3A_110 = tpu.memref_slice %arg8[%dma_start3A_108, %dma_start3A_109] : memref<16x128xi32, #tpu.memory_space<vmem>> -> memref<1x128xi32, #tpu.memory_space<vmem>>
      %dma_start3A_111 = tpu.memref_squeeze %dma_start3A_110 : memref<1x128xi32, #tpu.memory_space<vmem>> -> memref<128xi32, #tpu.memory_space<vmem>>
      %dma_start3A_112 = arith.constant 0 : i32
      %dma_start3A_113 = arith.constant 0 : i32
      %dma_start3A_114 = tpu.memref_slice %arg2[%dma_start3A_112, %dma_start3A_113] : memref<10000x128xf32, #tpu.memory_space<hbm>> -> memref<10000x128xf32, #tpu.memory_space<hbm>>
      tpu.enqueue_indirect_dma source(%dma_start3A_114 : memref<10000x128xf32, #tpu.memory_space<hbm>>) target(%arg10 : memref<128x128xf32, #tpu.memory_space<vmem>>) offsets(%dma_start3A_111 : memref<128xi32, #tpu.memory_space<vmem>>) semaphore(%arg13 : memref<!tpu.dma_semaphore, #tpu.memory_space<semaphore_mem>>)
      %dma_wait3A_115 = arith.constant 3 : i32
      %dma_wait3A_116 = arith.constant 0 : i32
      %dma_wait3A_117 = tpu.memref_slice %arg8[%dma_wait3A_115, %dma_wait3A_116] : memref<16x128xi32, #tpu.memory_space<vmem>> -> memref<1x128xi32, #tpu.memory_space<vmem>>
      %dma_wait3A_118 = tpu.memref_squeeze %dma_wait3A_117 : memref<1x128xi32, #tpu.memory_space<vmem>> -> memref<128xi32, #tpu.memory_space<vmem>>
      %dma_wait3A_119 = arith.constant 0 : i32
      %dma_wait3A_120 = arith.constant 0 : i32
      %dma_wait3A_121 = tpu.memref_slice %arg2[%dma_wait3A_119, %dma_wait3A_120] : memref<10000x128xf32, #tpu.memory_space<hbm>> -> memref<10000x128xf32, #tpu.memory_space<hbm>>
      tpu.wait_indirect_dma semaphore(%arg14 : memref<!tpu.dma_semaphore, #tpu.memory_space<semaphore_mem>>) src(%dma_wait3A_121 : memref<10000x128xf32, #tpu.memory_space<hbm>>) dst(%arg11 : memref<128x128xf32, #tpu.memory_space<vmem>>)
      %dma_start3A_122 = arith.constant 3 : i32
      %dma_start3A_123 = arith.constant 0 : i32
      %dma_start3A_124 = tpu.memref_slice %arg9[%dma_start3A_122, %dma_start3A_123] : memref<16x128xi32, #tpu.memory_space<vmem>> -> memref<1x128xi32, #tpu.memory_space<vmem>>
      %dma_start3A_125 = tpu.memref_squeeze %dma_start3A_124 : memref<1x128xi32, #tpu.memory_space<vmem>> -> memref<128xi32, #tpu.memory_space<vmem>>
      %dma_start3A_126 = arith.constant 0 : i32
      %dma_start3A_127 = arith.constant 0 : i32
      %dma_start3A_128 = tpu.memref_slice %arg7[%dma_start3A_126, %dma_start3A_127] : memref<10112x128xf32, #tpu.memory_space<vmem_shared>> -> memref<10112x128xf32, #tpu.memory_space<vmem_shared>>
      tpu.enqueue_indirect_dma source(%arg11 : memref<128x128xf32, #tpu.memory_space<vmem>>) target(%dma_start3A_128 : memref<10112x128xf32, #tpu.memory_space<vmem_shared>>) offsets(%dma_start3A_125 : memref<128xi32, #tpu.memory_space<vmem>>) semaphore(%arg16 : memref<!tpu.dma_semaphore, #tpu.memory_space<semaphore_mem>>) {add = true}
      %dma_wait3A_129 = arith.constant 3 : i32
      %dma_wait3A_130 = arith.constant 0 : i32
      %dma_wait3A_131 = tpu.memref_slice %arg9[%dma_wait3A_129, %dma_wait3A_130] : memref<16x128xi32, #tpu.memory_space<vmem>> -> memref<1x128xi32, #tpu.memory_space<vmem>>
      %dma_wait3A_132 = tpu.memref_squeeze %dma_wait3A_131 : memref<1x128xi32, #tpu.memory_space<vmem>> -> memref<128xi32, #tpu.memory_space<vmem>>
      %dma_wait3A_133 = arith.constant 0 : i32
      %dma_wait3A_134 = arith.constant 0 : i32
      %dma_wait3A_135 = tpu.memref_slice %arg7[%dma_wait3A_133, %dma_wait3A_134] : memref<10112x128xf32, #tpu.memory_space<vmem_shared>> -> memref<10112x128xf32, #tpu.memory_space<vmem_shared>>
      tpu.wait_indirect_dma semaphore(%arg16 : memref<!tpu.dma_semaphore, #tpu.memory_space<semaphore_mem>>) src(%arg11 : memref<128x128xf32, #tpu.memory_space<vmem>>) dst(%dma_wait3A_135 : memref<10112x128xf32, #tpu.memory_space<vmem_shared>>)
      %dma_start3A_136 = arith.constant 5 : i32
      %dma_start3A_137 = arith.constant 0 : i32
      %dma_start3A_138 = tpu.memref_slice %arg8[%dma_start3A_136, %dma_start3A_137] : memref<16x128xi32, #tpu.memory_space<vmem>> -> memref<1x128xi32, #tpu.memory_space<vmem>>
      %dma_start3A_139 = tpu.memref_squeeze %dma_start3A_138 : memref<1x128xi32, #tpu.memory_space<vmem>> -> memref<128xi32, #tpu.memory_space<vmem>>
      %dma_start3A_140 = arith.constant 0 : i32
      %dma_start3A_141 = arith.constant 0 : i32
      %dma_start3A_142 = tpu.memref_slice %arg2[%dma_start3A_140, %dma_start3A_141] : memref<10000x128xf32, #tpu.memory_space<hbm>> -> memref<10000x128xf32, #tpu.memory_space<hbm>>
      tpu.enqueue_indirect_dma source(%dma_start3A_142 : memref<10000x128xf32, #tpu.memory_space<hbm>>) target(%arg11 : memref<128x128xf32, #tpu.memory_space<vmem>>) offsets(%dma_start3A_139 : memref<128xi32, #tpu.memory_space<vmem>>) semaphore(%arg14 : memref<!tpu.dma_semaphore, #tpu.memory_space<semaphore_mem>>)
      %dma_wait3A_143 = arith.constant 4 : i32
      %dma_wait3A_144 = arith.constant 0 : i32
      %dma_wait3A_145 = tpu.memref_slice %arg8[%dma_wait3A_143, %dma_wait3A_144] : memref<16x128xi32, #tpu.memory_space<vmem>> -> memref<1x128xi32, #tpu.memory_space<vmem>>
      %dma_wait3A_146 = tpu.memref_squeeze %dma_wait3A_145 : memref<1x128xi32, #tpu.memory_space<vmem>> -> memref<128xi32, #tpu.memory_space<vmem>>
      %dma_wait3A_147 = arith.constant 0 : i32
      %dma_wait3A_148 = arith.constant 0 : i32
      %dma_wait3A_149 = tpu.memref_slice %arg2[%dma_wait3A_147, %dma_wait3A_148] : memref<10000x128xf32, #tpu.memory_space<hbm>> -> memref<10000x128xf32, #tpu.memory_space<hbm>>
      tpu.wait_indirect_dma semaphore(%arg13 : memref<!tpu.dma_semaphore, #tpu.memory_space<semaphore_mem>>) src(%dma_wait3A_149 : memref<10000x128xf32, #tpu.memory_space<hbm>>) dst(%arg10 : memref<128x128xf32, #tpu.memory_space<vmem>>)
      %dma_start3A_150 = arith.constant 4 : i32
      %dma_start3A_151 = arith.constant 0 : i32
      %dma_start3A_152 = tpu.memref_slice %arg9[%dma_start3A_150, %dma_start3A_151] : memref<16x128xi32, #tpu.memory_space<vmem>> -> memref<1x128xi32, #tpu.memory_space<vmem>>
      %dma_start3A_153 = tpu.memref_squeeze %dma_start3A_152 : memref<1x128xi32, #tpu.memory_space<vmem>> -> memref<128xi32, #tpu.memory_space<vmem>>
      %dma_start3A_154 = arith.constant 0 : i32
      %dma_start3A_155 = arith.constant 0 : i32
      %dma_start3A_156 = tpu.memref_slice %arg7[%dma_start3A_154, %dma_start3A_155] : memref<10112x128xf32, #tpu.memory_space<vmem_shared>> -> memref<10112x128xf32, #tpu.memory_space<vmem_shared>>
      tpu.enqueue_indirect_dma source(%arg10 : memref<128x128xf32, #tpu.memory_space<vmem>>) target(%dma_start3A_156 : memref<10112x128xf32, #tpu.memory_space<vmem_shared>>) offsets(%dma_start3A_153 : memref<128xi32, #tpu.memory_space<vmem>>) semaphore(%arg15 : memref<!tpu.dma_semaphore, #tpu.memory_space<semaphore_mem>>) {add = true}
      %dma_wait3A_157 = arith.constant 4 : i32
      %dma_wait3A_158 = arith.constant 0 : i32
      %dma_wait3A_159 = tpu.memref_slice %arg9[%dma_wait3A_157, %dma_wait3A_158] : memref<16x128xi32, #tpu.memory_space<vmem>> -> memref<1x128xi32, #tpu.memory_space<vmem>>
      %dma_wait3A_160 = tpu.memref_squeeze %dma_wait3A_159 : memref<1x128xi32, #tpu.memory_space<vmem>> -> memref<128xi32, #tpu.memory_space<vmem>>
      %dma_wait3A_161 = arith.constant 0 : i32
      %dma_wait3A_162 = arith.constant 0 : i32
      %dma_wait3A_163 = tpu.memref_slice %arg7[%dma_wait3A_161, %dma_wait3A_162] : memref<10112x128xf32, #tpu.memory_space<vmem_shared>> -> memref<10112x128xf32, #tpu.memory_space<vmem_shared>>
      tpu.wait_indirect_dma semaphore(%arg15 : memref<!tpu.dma_semaphore, #tpu.memory_space<semaphore_mem>>) src(%arg10 : memref<128x128xf32, #tpu.memory_space<vmem>>) dst(%dma_wait3A_163 : memref<10112x128xf32, #tpu.memory_space<vmem_shared>>)
      %dma_start3A_164 = arith.constant 6 : i32
      %dma_start3A_165 = arith.constant 0 : i32
      %dma_start3A_166 = tpu.memref_slice %arg8[%dma_start3A_164, %dma_start3A_165] : memref<16x128xi32, #tpu.memory_space<vmem>> -> memref<1x128xi32, #tpu.memory_space<vmem>>
      %dma_start3A_167 = tpu.memref_squeeze %dma_start3A_166 : memref<1x128xi32, #tpu.memory_space<vmem>> -> memref<128xi32, #tpu.memory_space<vmem>>
      %dma_start3A_168 = arith.constant 0 : i32
      %dma_start3A_169 = arith.constant 0 : i32
      %dma_start3A_170 = tpu.memref_slice %arg2[%dma_start3A_168, %dma_start3A_169] : memref<10000x128xf32, #tpu.memory_space<hbm>> -> memref<10000x128xf32, #tpu.memory_space<hbm>>
      tpu.enqueue_indirect_dma source(%dma_start3A_170 : memref<10000x128xf32, #tpu.memory_space<hbm>>) target(%arg10 : memref<128x128xf32, #tpu.memory_space<vmem>>) offsets(%dma_start3A_167 : memref<128xi32, #tpu.memory_space<vmem>>) semaphore(%arg13 : memref<!tpu.dma_semaphore, #tpu.memory_space<semaphore_mem>>)
      %dma_wait3A_171 = arith.constant 5 : i32
      %dma_wait3A_172 = arith.constant 0 : i32
      %dma_wait3A_173 = tpu.memref_slice %arg8[%dma_wait3A_171, %dma_wait3A_172] : memref<16x128xi32, #tpu.memory_space<vmem>> -> memref<1x128xi32, #tpu.memory_space<vmem>>
      %dma_wait3A_174 = tpu.memref_squeeze %dma_wait3A_173 : memref<1x128xi32, #tpu.memory_space<vmem>> -> memref<128xi32, #tpu.memory_space<vmem>>
      %dma_wait3A_175 = arith.constant 0 : i32
      %dma_wait3A_176 = arith.constant 0 : i32
      %dma_wait3A_177 = tpu.memref_slice %arg2[%dma_wait3A_175, %dma_wait3A_176] : memref<10000x128xf32, #tpu.memory_space<hbm>> -> memref<10000x128xf32, #tpu.memory_space<hbm>>
      tpu.wait_indirect_dma semaphore(%arg14 : memref<!tpu.dma_semaphore, #tpu.memory_space<semaphore_mem>>) src(%dma_wait3A_177 : memref<10000x128xf32, #tpu.memory_space<hbm>>) dst(%arg11 : memref<128x128xf32, #tpu.memory_space<vmem>>)
      %dma_start3A_178 = arith.constant 5 : i32
      %dma_start3A_179 = arith.constant 0 : i32
      %dma_start3A_180 = tpu.memref_slice %arg9[%dma_start3A_178, %dma_start3A_179] : memref<16x128xi32, #tpu.memory_space<vmem>> -> memref<1x128xi32, #tpu.memory_space<vmem>>
      %dma_start3A_181 = tpu.memref_squeeze %dma_start3A_180 : memref<1x128xi32, #tpu.memory_space<vmem>> -> memref<128xi32, #tpu.memory_space<vmem>>
      %dma_start3A_182 = arith.constant 0 : i32
      %dma_start3A_183 = arith.constant 0 : i32
      %dma_start3A_184 = tpu.memref_slice %arg7[%dma_start3A_182, %dma_start3A_183] : memref<10112x128xf32, #tpu.memory_space<vmem_shared>> -> memref<10112x128xf32, #tpu.memory_space<vmem_shared>>
      tpu.enqueue_indirect_dma source(%arg11 : memref<128x128xf32, #tpu.memory_space<vmem>>) target(%dma_start3A_184 : memref<10112x128xf32, #tpu.memory_space<vmem_shared>>) offsets(%dma_start3A_181 : memref<128xi32, #tpu.memory_space<vmem>>) semaphore(%arg16 : memref<!tpu.dma_semaphore, #tpu.memory_space<semaphore_mem>>) {add = true}
      %dma_wait3A_185 = arith.constant 5 : i32
      %dma_wait3A_186 = arith.constant 0 : i32
      %dma_wait3A_187 = tpu.memref_slice %arg9[%dma_wait3A_185, %dma_wait3A_186] : memref<16x128xi32, #tpu.memory_space<vmem>> -> memref<1x128xi32, #tpu.memory_space<vmem>>
      %dma_wait3A_188 = tpu.memref_squeeze %dma_wait3A_187 : memref<1x128xi32, #tpu.memory_space<vmem>> -> memref<128xi32, #tpu.memory_space<vmem>>
      %dma_wait3A_189 = arith.constant 0 : i32
      %dma_wait3A_190 = arith.constant 0 : i32
      %dma_wait3A_191 = tpu.memref_slice %arg7[%dma_wait3A_189, %dma_wait3A_190] : memref<10112x128xf32, #tpu.memory_space<vmem_shared>> -> memref<10112x128xf32, #tpu.memory_space<vmem_shared>>
      tpu.wait_indirect_dma semaphore(%arg16 : memref<!tpu.dma_semaphore, #tpu.memory_space<semaphore_mem>>) src(%arg11 : memref<128x128xf32, #tpu.memory_space<vmem>>) dst(%dma_wait3A_191 : memref<10112x128xf32, #tpu.memory_space<vmem_shared>>)
      %dma_start3A_192 = arith.constant 7 : i32
      %dma_start3A_193 = arith.constant 0 : i32
      %dma_start3A_194 = tpu.memref_slice %arg8[%dma_start3A_192, %dma_start3A_193] : memref<16x128xi32, #tpu.memory_space<vmem>> -> memref<1x128xi32, #tpu.memory_space<vmem>>
      %dma_start3A_195 = tpu.memref_squeeze %dma_start3A_194 : memref<1x128xi32, #tpu.memory_space<vmem>> -> memref<128xi32, #tpu.memory_space<vmem>>
      %dma_start3A_196 = arith.constant 0 : i32
      %dma_start3A_197 = arith.constant 0 : i32
      %dma_start3A_198 = tpu.memref_slice %arg2[%dma_start3A_196, %dma_start3A_197] : memref<10000x128xf32, #tpu.memory_space<hbm>> -> memref<10000x128xf32, #tpu.memory_space<hbm>>
      tpu.enqueue_indirect_dma source(%dma_start3A_198 : memref<10000x128xf32, #tpu.memory_space<hbm>>) target(%arg11 : memref<128x128xf32, #tpu.memory_space<vmem>>) offsets(%dma_start3A_195 : memref<128xi32, #tpu.memory_space<vmem>>) semaphore(%arg14 : memref<!tpu.dma_semaphore, #tpu.memory_space<semaphore_mem>>)
      %dma_wait3A_199 = arith.constant 6 : i32
      %dma_wait3A_200 = arith.constant 0 : i32
      %dma_wait3A_201 = tpu.memref_slice %arg8[%dma_wait3A_199, %dma_wait3A_200] : memref<16x128xi32, #tpu.memory_space<vmem>> -> memref<1x128xi32, #tpu.memory_space<vmem>>
      %dma_wait3A_202 = tpu.memref_squeeze %dma_wait3A_201 : memref<1x128xi32, #tpu.memory_space<vmem>> -> memref<128xi32, #tpu.memory_space<vmem>>
      %dma_wait3A_203 = arith.constant 0 : i32
      %dma_wait3A_204 = arith.constant 0 : i32
      %dma_wait3A_205 = tpu.memref_slice %arg2[%dma_wait3A_203, %dma_wait3A_204] : memref<10000x128xf32, #tpu.memory_space<hbm>> -> memref<10000x128xf32, #tpu.memory_space<hbm>>
      tpu.wait_indirect_dma semaphore(%arg13 : memref<!tpu.dma_semaphore, #tpu.memory_space<semaphore_mem>>) src(%dma_wait3A_205 : memref<10000x128xf32, #tpu.memory_space<hbm>>) dst(%arg10 : memref<128x128xf32, #tpu.memory_space<vmem>>)
      %dma_start3A_206 = arith.constant 6 : i32
      %dma_start3A_207 = arith.constant 0 : i32
      %dma_start3A_208 = tpu.memref_slice %arg9[%dma_start3A_206, %dma_start3A_207] : memref<16x128xi32, #tpu.memory_space<vmem>> -> memref<1x128xi32, #tpu.memory_space<vmem>>
      %dma_start3A_209 = tpu.memref_squeeze %dma_start3A_208 : memref<1x128xi32, #tpu.memory_space<vmem>> -> memref<128xi32, #tpu.memory_space<vmem>>
      %dma_start3A_210 = arith.constant 0 : i32
      %dma_start3A_211 = arith.constant 0 : i32
      %dma_start3A_212 = tpu.memref_slice %arg7[%dma_start3A_210, %dma_start3A_211] : memref<10112x128xf32, #tpu.memory_space<vmem_shared>> -> memref<10112x128xf32, #tpu.memory_space<vmem_shared>>
      tpu.enqueue_indirect_dma source(%arg10 : memref<128x128xf32, #tpu.memory_space<vmem>>) target(%dma_start3A_212 : memref<10112x128xf32, #tpu.memory_space<vmem_shared>>) offsets(%dma_start3A_209 : memref<128xi32, #tpu.memory_space<vmem>>) semaphore(%arg15 : memref<!tpu.dma_semaphore, #tpu.memory_space<semaphore_mem>>) {add = true}
      %dma_wait3A_213 = arith.constant 6 : i32
      %dma_wait3A_214 = arith.constant 0 : i32
      %dma_wait3A_215 = tpu.memref_slice %arg9[%dma_wait3A_213, %dma_wait3A_214] : memref<16x128xi32, #tpu.memory_space<vmem>> -> memref<1x128xi32, #tpu.memory_space<vmem>>
      %dma_wait3A_216 = tpu.memref_squeeze %dma_wait3A_215 : memref<1x128xi32, #tpu.memory_space<vmem>> -> memref<128xi32, #tpu.memory_space<vmem>>
      %dma_wait3A_217 = arith.constant 0 : i32
      %dma_wait3A_218 = arith.constant 0 : i32
      %dma_wait3A_219 = tpu.memref_slice %arg7[%dma_wait3A_217, %dma_wait3A_218] : memref<10112x128xf32, #tpu.memory_space<vmem_shared>> -> memref<10112x128xf32, #tpu.memory_space<vmem_shared>>
      tpu.wait_indirect_dma semaphore(%arg15 : memref<!tpu.dma_semaphore, #tpu.memory_space<semaphore_mem>>) src(%arg10 : memref<128x128xf32, #tpu.memory_space<vmem>>) dst(%dma_wait3A_219 : memref<10112x128xf32, #tpu.memory_space<vmem_shared>>)
      %dma_start3A_220 = arith.constant 8 : i32
      %dma_start3A_221 = arith.constant 0 : i32
      %dma_start3A_222 = tpu.memref_slice %arg8[%dma_start3A_220, %dma_start3A_221] : memref<16x128xi32, #tpu.memory_space<vmem>> -> memref<1x128xi32, #tpu.memory_space<vmem>>
      %dma_start3A_223 = tpu.memref_squeeze %dma_start3A_222 : memref<1x128xi32, #tpu.memory_space<vmem>> -> memref<128xi32, #tpu.memory_space<vmem>>
      %dma_start3A_224 = arith.constant 0 : i32
      %dma_start3A_225 = arith.constant 0 : i32
      %dma_start3A_226 = tpu.memref_slice %arg2[%dma_start3A_224, %dma_start3A_225] : memref<10000x128xf32, #tpu.memory_space<hbm>> -> memref<10000x128xf32, #tpu.memory_space<hbm>>
      tpu.enqueue_indirect_dma source(%dma_start3A_226 : memref<10000x128xf32, #tpu.memory_space<hbm>>) target(%arg10 : memref<128x128xf32, #tpu.memory_space<vmem>>) offsets(%dma_start3A_223 : memref<128xi32, #tpu.memory_space<vmem>>) semaphore(%arg13 : memref<!tpu.dma_semaphore, #tpu.memory_space<semaphore_mem>>)
      %dma_wait3A_227 = arith.constant 7 : i32
      %dma_wait3A_228 = arith.constant 0 : i32
      %dma_wait3A_229 = tpu.memref_slice %arg8[%dma_wait3A_227, %dma_wait3A_228] : memref<16x128xi32, #tpu.memory_space<vmem>> -> memref<1x128xi32, #tpu.memory_space<vmem>>
      %dma_wait3A_230 = tpu.memref_squeeze %dma_wait3A_229 : memref<1x128xi32, #tpu.memory_space<vmem>> -> memref<128xi32, #tpu.memory_space<vmem>>
      %dma_wait3A_231 = arith.constant 0 : i32
      %dma_wait3A_232 = arith.constant 0 : i32
      %dma_wait3A_233 = tpu.memref_slice %arg2[%dma_wait3A_231, %dma_wait3A_232] : memref<10000x128xf32, #tpu.memory_space<hbm>> -> memref<10000x128xf32, #tpu.memory_space<hbm>>
      tpu.wait_indirect_dma semaphore(%arg14 : memref<!tpu.dma_semaphore, #tpu.memory_space<semaphore_mem>>) src(%dma_wait3A_233 : memref<10000x128xf32, #tpu.memory_space<hbm>>) dst(%arg11 : memref<128x128xf32, #tpu.memory_space<vmem>>)
      %dma_start3A_234 = arith.constant 7 : i32
      %dma_start3A_235 = arith.constant 0 : i32
      %dma_start3A_236 = tpu.memref_slice %arg9[%dma_start3A_234, %dma_start3A_235] : memref<16x128xi32, #tpu.memory_space<vmem>> -> memref<1x128xi32, #tpu.memory_space<vmem>>
      %dma_start3A_237 = tpu.memref_squeeze %dma_start3A_236 : memref<1x128xi32, #tpu.memory_space<vmem>> -> memref<128xi32, #tpu.memory_space<vmem>>
      %dma_start3A_238 = arith.constant 0 : i32
      %dma_start3A_239 = arith.constant 0 : i32
      %dma_start3A_240 = tpu.memref_slice %arg7[%dma_start3A_238, %dma_start3A_239] : memref<10112x128xf32, #tpu.memory_space<vmem_shared>> -> memref<10112x128xf32, #tpu.memory_space<vmem_shared>>
      tpu.enqueue_indirect_dma source(%arg11 : memref<128x128xf32, #tpu.memory_space<vmem>>) target(%dma_start3A_240 : memref<10112x128xf32, #tpu.memory_space<vmem_shared>>) offsets(%dma_start3A_237 : memref<128xi32, #tpu.memory_space<vmem>>) semaphore(%arg16 : memref<!tpu.dma_semaphore, #tpu.memory_space<semaphore_mem>>) {add = true}
      %dma_wait3A_241 = arith.constant 7 : i32
      %dma_wait3A_242 = arith.constant 0 : i32
      %dma_wait3A_243 = tpu.memref_slice %arg9[%dma_wait3A_241, %dma_wait3A_242] : memref<16x128xi32, #tpu.memory_space<vmem>> -> memref<1x128xi32, #tpu.memory_space<vmem>>
      %dma_wait3A_244 = tpu.memref_squeeze %dma_wait3A_243 : memref<1x128xi32, #tpu.memory_space<vmem>> -> memref<128xi32, #tpu.memory_space<vmem>>
      %dma_wait3A_245 = arith.constant 0 : i32
      %dma_wait3A_246 = arith.constant 0 : i32
      %dma_wait3A_247 = tpu.memref_slice %arg7[%dma_wait3A_245, %dma_wait3A_246] : memref<10112x128xf32, #tpu.memory_space<vmem_shared>> -> memref<10112x128xf32, #tpu.memory_space<vmem_shared>>
      tpu.wait_indirect_dma semaphore(%arg16 : memref<!tpu.dma_semaphore, #tpu.memory_space<semaphore_mem>>) src(%arg11 : memref<128x128xf32, #tpu.memory_space<vmem>>) dst(%dma_wait3A_247 : memref<10112x128xf32, #tpu.memory_space<vmem_shared>>)
      %dma_start3A_248 = arith.constant 9 : i32
      %dma_start3A_249 = arith.constant 0 : i32
      %dma_start3A_250 = tpu.memref_slice %arg8[%dma_start3A_248, %dma_start3A_249] : memref<16x128xi32, #tpu.memory_space<vmem>> -> memref<1x128xi32, #tpu.memory_space<vmem>>
      %dma_start3A_251 = tpu.memref_squeeze %dma_start3A_250 : memref<1x128xi32, #tpu.memory_space<vmem>> -> memref<128xi32, #tpu.memory_space<vmem>>
      %dma_start3A_252 = arith.constant 0 : i32
      %dma_start3A_253 = arith.constant 0 : i32
      %dma_start3A_254 = tpu.memref_slice %arg2[%dma_start3A_252, %dma_start3A_253] : memref<10000x128xf32, #tpu.memory_space<hbm>> -> memref<10000x128xf32, #tpu.memory_space<hbm>>
      tpu.enqueue_indirect_dma source(%dma_start3A_254 : memref<10000x128xf32, #tpu.memory_space<hbm>>) target(%arg11 : memref<128x128xf32, #tpu.memory_space<vmem>>) offsets(%dma_start3A_251 : memref<128xi32, #tpu.memory_space<vmem>>) semaphore(%arg14 : memref<!tpu.dma_semaphore, #tpu.memory_space<semaphore_mem>>)
      %dma_wait3A_255 = arith.constant 8 : i32
      %dma_wait3A_256 = arith.constant 0 : i32
      %dma_wait3A_257 = tpu.memref_slice %arg8[%dma_wait3A_255, %dma_wait3A_256] : memref<16x128xi32, #tpu.memory_space<vmem>> -> memref<1x128xi32, #tpu.memory_space<vmem>>
      %dma_wait3A_258 = tpu.memref_squeeze %dma_wait3A_257 : memref<1x128xi32, #tpu.memory_space<vmem>> -> memref<128xi32, #tpu.memory_space<vmem>>
      %dma_wait3A_259 = arith.constant 0 : i32
      %dma_wait3A_260 = arith.constant 0 : i32
      %dma_wait3A_261 = tpu.memref_slice %arg2[%dma_wait3A_259, %dma_wait3A_260] : memref<10000x128xf32, #tpu.memory_space<hbm>> -> memref<10000x128xf32, #tpu.memory_space<hbm>>
      tpu.wait_indirect_dma semaphore(%arg13 : memref<!tpu.dma_semaphore, #tpu.memory_space<semaphore_mem>>) src(%dma_wait3A_261 : memref<10000x128xf32, #tpu.memory_space<hbm>>) dst(%arg10 : memref<128x128xf32, #tpu.memory_space<vmem>>)
      %dma_start3A_262 = arith.constant 8 : i32
      %dma_start3A_263 = arith.constant 0 : i32
      %dma_start3A_264 = tpu.memref_slice %arg9[%dma_start3A_262, %dma_start3A_263] : memref<16x128xi32, #tpu.memory_space<vmem>> -> memref<1x128xi32, #tpu.memory_space<vmem>>
      %dma_start3A_265 = tpu.memref_squeeze %dma_start3A_264 : memref<1x128xi32, #tpu.memory_space<vmem>> -> memref<128xi32, #tpu.memory_space<vmem>>
      %dma_start3A_266 = arith.constant 0 : i32
      %dma_start3A_267 = arith.constant 0 : i32
      %dma_start3A_268 = tpu.memref_slice %arg7[%dma_start3A_266, %dma_start3A_267] : memref<10112x128xf32, #tpu.memory_space<vmem_shared>> -> memref<10112x128xf32, #tpu.memory_space<vmem_shared>>
      tpu.enqueue_indirect_dma source(%arg10 : memref<128x128xf32, #tpu.memory_space<vmem>>) target(%dma_start3A_268 : memref<10112x128xf32, #tpu.memory_space<vmem_shared>>) offsets(%dma_start3A_265 : memref<128xi32, #tpu.memory_space<vmem>>) semaphore(%arg15 : memref<!tpu.dma_semaphore, #tpu.memory_space<semaphore_mem>>) {add = true}
      %dma_wait3A_269 = arith.constant 8 : i32
      %dma_wait3A_270 = arith.constant 0 : i32
      %dma_wait3A_271 = tpu.memref_slice %arg9[%dma_wait3A_269, %dma_wait3A_270] : memref<16x128xi32, #tpu.memory_space<vmem>> -> memref<1x128xi32, #tpu.memory_space<vmem>>
      %dma_wait3A_272 = tpu.memref_squeeze %dma_wait3A_271 : memref<1x128xi32, #tpu.memory_space<vmem>> -> memref<128xi32, #tpu.memory_space<vmem>>
      %dma_wait3A_273 = arith.constant 0 : i32
      %dma_wait3A_274 = arith.constant 0 : i32
      %dma_wait3A_275 = tpu.memref_slice %arg7[%dma_wait3A_273, %dma_wait3A_274] : memref<10112x128xf32, #tpu.memory_space<vmem_shared>> -> memref<10112x128xf32, #tpu.memory_space<vmem_shared>>
      tpu.wait_indirect_dma semaphore(%arg15 : memref<!tpu.dma_semaphore, #tpu.memory_space<semaphore_mem>>) src(%arg10 : memref<128x128xf32, #tpu.memory_space<vmem>>) dst(%dma_wait3A_275 : memref<10112x128xf32, #tpu.memory_space<vmem_shared>>)
      %dma_start3A_276 = arith.constant 10 : i32
      %dma_start3A_277 = arith.constant 0 : i32
      %dma_start3A_278 = tpu.memref_slice %arg8[%dma_start3A_276, %dma_start3A_277] : memref<16x128xi32, #tpu.memory_space<vmem>> -> memref<1x128xi32, #tpu.memory_space<vmem>>
      %dma_start3A_279 = tpu.memref_squeeze %dma_start3A_278 : memref<1x128xi32, #tpu.memory_space<vmem>> -> memref<128xi32, #tpu.memory_space<vmem>>
      %dma_start3A_280 = arith.constant 0 : i32
      %dma_start3A_281 = arith.constant 0 : i32
      %dma_start3A_282 = tpu.memref_slice %arg2[%dma_start3A_280, %dma_start3A_281] : memref<10000x128xf32, #tpu.memory_space<hbm>> -> memref<10000x128xf32, #tpu.memory_space<hbm>>
      tpu.enqueue_indirect_dma source(%dma_start3A_282 : memref<10000x128xf32, #tpu.memory_space<hbm>>) target(%arg10 : memref<128x128xf32, #tpu.memory_space<vmem>>) offsets(%dma_start3A_279 : memref<128xi32, #tpu.memory_space<vmem>>) semaphore(%arg13 : memref<!tpu.dma_semaphore, #tpu.memory_space<semaphore_mem>>)
      %dma_wait3A_283 = arith.constant 9 : i32
      %dma_wait3A_284 = arith.constant 0 : i32
      %dma_wait3A_285 = tpu.memref_slice %arg8[%dma_wait3A_283, %dma_wait3A_284] : memref<16x128xi32, #tpu.memory_space<vmem>> -> memref<1x128xi32, #tpu.memory_space<vmem>>
      %dma_wait3A_286 = tpu.memref_squeeze %dma_wait3A_285 : memref<1x128xi32, #tpu.memory_space<vmem>> -> memref<128xi32, #tpu.memory_space<vmem>>
      %dma_wait3A_287 = arith.constant 0 : i32
      %dma_wait3A_288 = arith.constant 0 : i32
      %dma_wait3A_289 = tpu.memref_slice %arg2[%dma_wait3A_287, %dma_wait3A_288] : memref<10000x128xf32, #tpu.memory_space<hbm>> -> memref<10000x128xf32, #tpu.memory_space<hbm>>
      tpu.wait_indirect_dma semaphore(%arg14 : memref<!tpu.dma_semaphore, #tpu.memory_space<semaphore_mem>>) src(%dma_wait3A_289 : memref<10000x128xf32, #tpu.memory_space<hbm>>) dst(%arg11 : memref<128x128xf32, #tpu.memory_space<vmem>>)
      %dma_start3A_290 = arith.constant 9 : i32
      %dma_start3A_291 = arith.constant 0 : i32
      %dma_start3A_292 = tpu.memref_slice %arg9[%dma_start3A_290, %dma_start3A_291] : memref<16x128xi32, #tpu.memory_space<vmem>> -> memref<1x128xi32, #tpu.memory_space<vmem>>
      %dma_start3A_293 = tpu.memref_squeeze %dma_start3A_292 : memref<1x128xi32, #tpu.memory_space<vmem>> -> memref<128xi32, #tpu.memory_space<vmem>>
      %dma_start3A_294 = arith.constant 0 : i32
      %dma_start3A_295 = arith.constant 0 : i32
      %dma_start3A_296 = tpu.memref_slice %arg7[%dma_start3A_294, %dma_start3A_295] : memref<10112x128xf32, #tpu.memory_space<vmem_shared>> -> memref<10112x128xf32, #tpu.memory_space<vmem_shared>>
      tpu.enqueue_indirect_dma source(%arg11 : memref<128x128xf32, #tpu.memory_space<vmem>>) target(%dma_start3A_296 : memref<10112x128xf32, #tpu.memory_space<vmem_shared>>) offsets(%dma_start3A_293 : memref<128xi32, #tpu.memory_space<vmem>>) semaphore(%arg16 : memref<!tpu.dma_semaphore, #tpu.memory_space<semaphore_mem>>) {add = true}
      %dma_wait3A_297 = arith.constant 9 : i32
      %dma_wait3A_298 = arith.constant 0 : i32
      %dma_wait3A_299 = tpu.memref_slice %arg9[%dma_wait3A_297, %dma_wait3A_298] : memref<16x128xi32, #tpu.memory_space<vmem>> -> memref<1x128xi32, #tpu.memory_space<vmem>>
      %dma_wait3A_300 = tpu.memref_squeeze %dma_wait3A_299 : memref<1x128xi32, #tpu.memory_space<vmem>> -> memref<128xi32, #tpu.memory_space<vmem>>
      %dma_wait3A_301 = arith.constant 0 : i32
      %dma_wait3A_302 = arith.constant 0 : i32
      %dma_wait3A_303 = tpu.memref_slice %arg7[%dma_wait3A_301, %dma_wait3A_302] : memref<10112x128xf32, #tpu.memory_space<vmem_shared>> -> memref<10112x128xf32, #tpu.memory_space<vmem_shared>>
      tpu.wait_indirect_dma semaphore(%arg16 : memref<!tpu.dma_semaphore, #tpu.memory_space<semaphore_mem>>) src(%arg11 : memref<128x128xf32, #tpu.memory_space<vmem>>) dst(%dma_wait3A_303 : memref<10112x128xf32, #tpu.memory_space<vmem_shared>>)
      %dma_start3A_304 = arith.constant 11 : i32
      %dma_start3A_305 = arith.constant 0 : i32
      %dma_start3A_306 = tpu.memref_slice %arg8[%dma_start3A_304, %dma_start3A_305] : memref<16x128xi32, #tpu.memory_space<vmem>> -> memref<1x128xi32, #tpu.memory_space<vmem>>
      %dma_start3A_307 = tpu.memref_squeeze %dma_start3A_306 : memref<1x128xi32, #tpu.memory_space<vmem>> -> memref<128xi32, #tpu.memory_space<vmem>>
      %dma_start3A_308 = arith.constant 0 : i32
      %dma_start3A_309 = arith.constant 0 : i32
      %dma_start3A_310 = tpu.memref_slice %arg2[%dma_start3A_308, %dma_start3A_309] : memref<10000x128xf32, #tpu.memory_space<hbm>> -> memref<10000x128xf32, #tpu.memory_space<hbm>>
      tpu.enqueue_indirect_dma source(%dma_start3A_310 : memref<10000x128xf32, #tpu.memory_space<hbm>>) target(%arg11 : memref<128x128xf32, #tpu.memory_space<vmem>>) offsets(%dma_start3A_307 : memref<128xi32, #tpu.memory_space<vmem>>) semaphore(%arg14 : memref<!tpu.dma_semaphore, #tpu.memory_space<semaphore_mem>>)
      %dma_wait3A_311 = arith.constant 10 : i32
      %dma_wait3A_312 = arith.constant 0 : i32
      %dma_wait3A_313 = tpu.memref_slice %arg8[%dma_wait3A_311, %dma_wait3A_312] : memref<16x128xi32, #tpu.memory_space<vmem>> -> memref<1x128xi32, #tpu.memory_space<vmem>>
      %dma_wait3A_314 = tpu.memref_squeeze %dma_wait3A_313 : memref<1x128xi32, #tpu.memory_space<vmem>> -> memref<128xi32, #tpu.memory_space<vmem>>
      %dma_wait3A_315 = arith.constant 0 : i32
      %dma_wait3A_316 = arith.constant 0 : i32
      %dma_wait3A_317 = tpu.memref_slice %arg2[%dma_wait3A_315, %dma_wait3A_316] : memref<10000x128xf32, #tpu.memory_space<hbm>> -> memref<10000x128xf32, #tpu.memory_space<hbm>>
      tpu.wait_indirect_dma semaphore(%arg13 : memref<!tpu.dma_semaphore, #tpu.memory_space<semaphore_mem>>) src(%dma_wait3A_317 : memref<10000x128xf32, #tpu.memory_space<hbm>>) dst(%arg10 : memref<128x128xf32, #tpu.memory_space<vmem>>)
      %dma_start3A_318 = arith.constant 10 : i32
      %dma_start3A_319 = arith.constant 0 : i32
      %dma_start3A_320 = tpu.memref_slice %arg9[%dma_start3A_318, %dma_start3A_319] : memref<16x128xi32, #tpu.memory_space<vmem>> -> memref<1x128xi32, #tpu.memory_space<vmem>>
      %dma_start3A_321 = tpu.memref_squeeze %dma_start3A_320 : memref<1x128xi32, #tpu.memory_space<vmem>> -> memref<128xi32, #tpu.memory_space<vmem>>
      %dma_start3A_322 = arith.constant 0 : i32
      %dma_start3A_323 = arith.constant 0 : i32
      %dma_start3A_324 = tpu.memref_slice %arg7[%dma_start3A_322, %dma_start3A_323] : memref<10112x128xf32, #tpu.memory_space<vmem_shared>> -> memref<10112x128xf32, #tpu.memory_space<vmem_shared>>
      tpu.enqueue_indirect_dma source(%arg10 : memref<128x128xf32, #tpu.memory_space<vmem>>) target(%dma_start3A_324 : memref<10112x128xf32, #tpu.memory_space<vmem_shared>>) offsets(%dma_start3A_321 : memref<128xi32, #tpu.memory_space<vmem>>) semaphore(%arg15 : memref<!tpu.dma_semaphore, #tpu.memory_space<semaphore_mem>>) {add = true}
      %dma_wait3A_325 = arith.constant 10 : i32
      %dma_wait3A_326 = arith.constant 0 : i32
      %dma_wait3A_327 = tpu.memref_slice %arg9[%dma_wait3A_325, %dma_wait3A_326] : memref<16x128xi32, #tpu.memory_space<vmem>> -> memref<1x128xi32, #tpu.memory_space<vmem>>
      %dma_wait3A_328 = tpu.memref_squeeze %dma_wait3A_327 : memref<1x128xi32, #tpu.memory_space<vmem>> -> memref<128xi32, #tpu.memory_space<vmem>>
      %dma_wait3A_329 = arith.constant 0 : i32
      %dma_wait3A_330 = arith.constant 0 : i32
      %dma_wait3A_331 = tpu.memref_slice %arg7[%dma_wait3A_329, %dma_wait3A_330] : memref<10112x128xf32, #tpu.memory_space<vmem_shared>> -> memref<10112x128xf32, #tpu.memory_space<vmem_shared>>
      tpu.wait_indirect_dma semaphore(%arg15 : memref<!tpu.dma_semaphore, #tpu.memory_space<semaphore_mem>>) src(%arg10 : memref<128x128xf32, #tpu.memory_space<vmem>>) dst(%dma_wait3A_331 : memref<10112x128xf32, #tpu.memory_space<vmem_shared>>)
      %dma_start3A_332 = arith.constant 12 : i32
      %dma_start3A_333 = arith.constant 0 : i32
      %dma_start3A_334 = tpu.memref_slice %arg8[%dma_start3A_332, %dma_start3A_333] : memref<16x128xi32, #tpu.memory_space<vmem>> -> memref<1x128xi32, #tpu.memory_space<vmem>>
      %dma_start3A_335 = tpu.memref_squeeze %dma_start3A_334 : memref<1x128xi32, #tpu.memory_space<vmem>> -> memref<128xi32, #tpu.memory_space<vmem>>
      %dma_start3A_336 = arith.constant 0 : i32
      %dma_start3A_337 = arith.constant 0 : i32
      %dma_start3A_338 = tpu.memref_slice %arg2[%dma_start3A_336, %dma_start3A_337] : memref<10000x128xf32, #tpu.memory_space<hbm>> -> memref<10000x128xf32, #tpu.memory_space<hbm>>
      tpu.enqueue_indirect_dma source(%dma_start3A_338 : memref<10000x128xf32, #tpu.memory_space<hbm>>) target(%arg10 : memref<128x128xf32, #tpu.memory_space<vmem>>) offsets(%dma_start3A_335 : memref<128xi32, #tpu.memory_space<vmem>>) semaphore(%arg13 : memref<!tpu.dma_semaphore, #tpu.memory_space<semaphore_mem>>)
      %dma_wait3A_339 = arith.constant 11 : i32
      %dma_wait3A_340 = arith.constant 0 : i32
      %dma_wait3A_341 = tpu.memref_slice %arg8[%dma_wait3A_339, %dma_wait3A_340] : memref<16x128xi32, #tpu.memory_space<vmem>> -> memref<1x128xi32, #tpu.memory_space<vmem>>
      %dma_wait3A_342 = tpu.memref_squeeze %dma_wait3A_341 : memref<1x128xi32, #tpu.memory_space<vmem>> -> memref<128xi32, #tpu.memory_space<vmem>>
      %dma_wait3A_343 = arith.constant 0 : i32
      %dma_wait3A_344 = arith.constant 0 : i32
      %dma_wait3A_345 = tpu.memref_slice %arg2[%dma_wait3A_343, %dma_wait3A_344] : memref<10000x128xf32, #tpu.memory_space<hbm>> -> memref<10000x128xf32, #tpu.memory_space<hbm>>
      tpu.wait_indirect_dma semaphore(%arg14 : memref<!tpu.dma_semaphore, #tpu.memory_space<semaphore_mem>>) src(%dma_wait3A_345 : memref<10000x128xf32, #tpu.memory_space<hbm>>) dst(%arg11 : memref<128x128xf32, #tpu.memory_space<vmem>>)
      %dma_start3A_346 = arith.constant 11 : i32
      %dma_start3A_347 = arith.constant 0 : i32
      %dma_start3A_348 = tpu.memref_slice %arg9[%dma_start3A_346, %dma_start3A_347] : memref<16x128xi32, #tpu.memory_space<vmem>> -> memref<1x128xi32, #tpu.memory_space<vmem>>
      %dma_start3A_349 = tpu.memref_squeeze %dma_start3A_348 : memref<1x128xi32, #tpu.memory_space<vmem>> -> memref<128xi32, #tpu.memory_space<vmem>>
      %dma_start3A_350 = arith.constant 0 : i32
      %dma_start3A_351 = arith.constant 0 : i32
      %dma_start3A_352 = tpu.memref_slice %arg7[%dma_start3A_350, %dma_start3A_351] : memref<10112x128xf32, #tpu.memory_space<vmem_shared>> -> memref<10112x128xf32, #tpu.memory_space<vmem_shared>>
      tpu.enqueue_indirect_dma source(%arg11 : memref<128x128xf32, #tpu.memory_space<vmem>>) target(%dma_start3A_352 : memref<10112x128xf32, #tpu.memory_space<vmem_shared>>) offsets(%dma_start3A_349 : memref<128xi32, #tpu.memory_space<vmem>>) semaphore(%arg16 : memref<!tpu.dma_semaphore, #tpu.memory_space<semaphore_mem>>) {add = true}
      %dma_wait3A_353 = arith.constant 11 : i32
      %dma_wait3A_354 = arith.constant 0 : i32
      %dma_wait3A_355 = tpu.memref_slice %arg9[%dma_wait3A_353, %dma_wait3A_354] : memref<16x128xi32, #tpu.memory_space<vmem>> -> memref<1x128xi32, #tpu.memory_space<vmem>>
      %dma_wait3A_356 = tpu.memref_squeeze %dma_wait3A_355 : memref<1x128xi32, #tpu.memory_space<vmem>> -> memref<128xi32, #tpu.memory_space<vmem>>
      %dma_wait3A_357 = arith.constant 0 : i32
      %dma_wait3A_358 = arith.constant 0 : i32
      %dma_wait3A_359 = tpu.memref_slice %arg7[%dma_wait3A_357, %dma_wait3A_358] : memref<10112x128xf32, #tpu.memory_space<vmem_shared>> -> memref<10112x128xf32, #tpu.memory_space<vmem_shared>>
      tpu.wait_indirect_dma semaphore(%arg16 : memref<!tpu.dma_semaphore, #tpu.memory_space<semaphore_mem>>) src(%arg11 : memref<128x128xf32, #tpu.memory_space<vmem>>) dst(%dma_wait3A_359 : memref<10112x128xf32, #tpu.memory_space<vmem_shared>>)
      %dma_start3A_360 = arith.constant 13 : i32
      %dma_start3A_361 = arith.constant 0 : i32
      %dma_start3A_362 = tpu.memref_slice %arg8[%dma_start3A_360, %dma_start3A_361] : memref<16x128xi32, #tpu.memory_space<vmem>> -> memref<1x128xi32, #tpu.memory_space<vmem>>
      %dma_start3A_363 = tpu.memref_squeeze %dma_start3A_362 : memref<1x128xi32, #tpu.memory_space<vmem>> -> memref<128xi32, #tpu.memory_space<vmem>>
      %dma_start3A_364 = arith.constant 0 : i32
      %dma_start3A_365 = arith.constant 0 : i32
      %dma_start3A_366 = tpu.memref_slice %arg2[%dma_start3A_364, %dma_start3A_365] : memref<10000x128xf32, #tpu.memory_space<hbm>> -> memref<10000x128xf32, #tpu.memory_space<hbm>>
      tpu.enqueue_indirect_dma source(%dma_start3A_366 : memref<10000x128xf32, #tpu.memory_space<hbm>>) target(%arg11 : memref<128x128xf32, #tpu.memory_space<vmem>>) offsets(%dma_start3A_363 : memref<128xi32, #tpu.memory_space<vmem>>) semaphore(%arg14 : memref<!tpu.dma_semaphore, #tpu.memory_space<semaphore_mem>>)
      %dma_wait3A_367 = arith.constant 12 : i32
      %dma_wait3A_368 = arith.constant 0 : i32
      %dma_wait3A_369 = tpu.memref_slice %arg8[%dma_wait3A_367, %dma_wait3A_368] : memref<16x128xi32, #tpu.memory_space<vmem>> -> memref<1x128xi32, #tpu.memory_space<vmem>>
      %dma_wait3A_370 = tpu.memref_squeeze %dma_wait3A_369 : memref<1x128xi32, #tpu.memory_space<vmem>> -> memref<128xi32, #tpu.memory_space<vmem>>
      %dma_wait3A_371 = arith.constant 0 : i32
      %dma_wait3A_372 = arith.constant 0 : i32
      %dma_wait3A_373 = tpu.memref_slice %arg2[%dma_wait3A_371, %dma_wait3A_372] : memref<10000x128xf32, #tpu.memory_space<hbm>> -> memref<10000x128xf32, #tpu.memory_space<hbm>>
      tpu.wait_indirect_dma semaphore(%arg13 : memref<!tpu.dma_semaphore, #tpu.memory_space<semaphore_mem>>) src(%dma_wait3A_373 : memref<10000x128xf32, #tpu.memory_space<hbm>>) dst(%arg10 : memref<128x128xf32, #tpu.memory_space<vmem>>)
      %dma_start3A_374 = arith.constant 12 : i32
      %dma_start3A_375 = arith.constant 0 : i32
      %dma_start3A_376 = tpu.memref_slice %arg9[%dma_start3A_374, %dma_start3A_375] : memref<16x128xi32, #tpu.memory_space<vmem>> -> memref<1x128xi32, #tpu.memory_space<vmem>>
      %dma_start3A_377 = tpu.memref_squeeze %dma_start3A_376 : memref<1x128xi32, #tpu.memory_space<vmem>> -> memref<128xi32, #tpu.memory_space<vmem>>
      %dma_start3A_378 = arith.constant 0 : i32
      %dma_start3A_379 = arith.constant 0 : i32
      %dma_start3A_380 = tpu.memref_slice %arg7[%dma_start3A_378, %dma_start3A_379] : memref<10112x128xf32, #tpu.memory_space<vmem_shared>> -> memref<10112x128xf32, #tpu.memory_space<vmem_shared>>
      tpu.enqueue_indirect_dma source(%arg10 : memref<128x128xf32, #tpu.memory_space<vmem>>) target(%dma_start3A_380 : memref<10112x128xf32, #tpu.memory_space<vmem_shared>>) offsets(%dma_start3A_377 : memref<128xi32, #tpu.memory_space<vmem>>) semaphore(%arg15 : memref<!tpu.dma_semaphore, #tpu.memory_space<semaphore_mem>>) {add = true}
      %dma_wait3A_381 = arith.constant 12 : i32
      %dma_wait3A_382 = arith.constant 0 : i32
      %dma_wait3A_383 = tpu.memref_slice %arg9[%dma_wait3A_381, %dma_wait3A_382] : memref<16x128xi32, #tpu.memory_space<vmem>> -> memref<1x128xi32, #tpu.memory_space<vmem>>
      %dma_wait3A_384 = tpu.memref_squeeze %dma_wait3A_383 : memref<1x128xi32, #tpu.memory_space<vmem>> -> memref<128xi32, #tpu.memory_space<vmem>>
      %dma_wait3A_385 = arith.constant 0 : i32
      %dma_wait3A_386 = arith.constant 0 : i32
      %dma_wait3A_387 = tpu.memref_slice %arg7[%dma_wait3A_385, %dma_wait3A_386] : memref<10112x128xf32, #tpu.memory_space<vmem_shared>> -> memref<10112x128xf32, #tpu.memory_space<vmem_shared>>
      tpu.wait_indirect_dma semaphore(%arg15 : memref<!tpu.dma_semaphore, #tpu.memory_space<semaphore_mem>>) src(%arg10 : memref<128x128xf32, #tpu.memory_space<vmem>>) dst(%dma_wait3A_387 : memref<10112x128xf32, #tpu.memory_space<vmem_shared>>)
      %dma_start3A_388 = arith.constant 14 : i32
      %dma_start3A_389 = arith.constant 0 : i32
      %dma_start3A_390 = tpu.memref_slice %arg8[%dma_start3A_388, %dma_start3A_389] : memref<16x128xi32, #tpu.memory_space<vmem>> -> memref<1x128xi32, #tpu.memory_space<vmem>>
      %dma_start3A_391 = tpu.memref_squeeze %dma_start3A_390 : memref<1x128xi32, #tpu.memory_space<vmem>> -> memref<128xi32, #tpu.memory_space<vmem>>
      %dma_start3A_392 = arith.constant 0 : i32
      %dma_start3A_393 = arith.constant 0 : i32
      %dma_start3A_394 = tpu.memref_slice %arg2[%dma_start3A_392, %dma_start3A_393] : memref<10000x128xf32, #tpu.memory_space<hbm>> -> memref<10000x128xf32, #tpu.memory_space<hbm>>
      tpu.enqueue_indirect_dma source(%dma_start3A_394 : memref<10000x128xf32, #tpu.memory_space<hbm>>) target(%arg10 : memref<128x128xf32, #tpu.memory_space<vmem>>) offsets(%dma_start3A_391 : memref<128xi32, #tpu.memory_space<vmem>>) semaphore(%arg13 : memref<!tpu.dma_semaphore, #tpu.memory_space<semaphore_mem>>)
      %dma_wait3A_395 = arith.constant 13 : i32
      %dma_wait3A_396 = arith.constant 0 : i32
      %dma_wait3A_397 = tpu.memref_slice %arg8[%dma_wait3A_395, %dma_wait3A_396] : memref<16x128xi32, #tpu.memory_space<vmem>> -> memref<1x128xi32, #tpu.memory_space<vmem>>
      %dma_wait3A_398 = tpu.memref_squeeze %dma_wait3A_397 : memref<1x128xi32, #tpu.memory_space<vmem>> -> memref<128xi32, #tpu.memory_space<vmem>>
      %dma_wait3A_399 = arith.constant 0 : i32
      %dma_wait3A_400 = arith.constant 0 : i32
      %dma_wait3A_401 = tpu.memref_slice %arg2[%dma_wait3A_399, %dma_wait3A_400] : memref<10000x128xf32, #tpu.memory_space<hbm>> -> memref<10000x128xf32, #tpu.memory_space<hbm>>
      tpu.wait_indirect_dma semaphore(%arg14 : memref<!tpu.dma_semaphore, #tpu.memory_space<semaphore_mem>>) src(%dma_wait3A_401 : memref<10000x128xf32, #tpu.memory_space<hbm>>) dst(%arg11 : memref<128x128xf32, #tpu.memory_space<vmem>>)
      %dma_start3A_402 = arith.constant 13 : i32
      %dma_start3A_403 = arith.constant 0 : i32
      %dma_start3A_404 = tpu.memref_slice %arg9[%dma_start3A_402, %dma_start3A_403] : memref<16x128xi32, #tpu.memory_space<vmem>> -> memref<1x128xi32, #tpu.memory_space<vmem>>
      %dma_start3A_405 = tpu.memref_squeeze %dma_start3A_404 : memref<1x128xi32, #tpu.memory_space<vmem>> -> memref<128xi32, #tpu.memory_space<vmem>>
      %dma_start3A_406 = arith.constant 0 : i32
      %dma_start3A_407 = arith.constant 0 : i32
      %dma_start3A_408 = tpu.memref_slice %arg7[%dma_start3A_406, %dma_start3A_407] : memref<10112x128xf32, #tpu.memory_space<vmem_shared>> -> memref<10112x128xf32, #tpu.memory_space<vmem_shared>>
      tpu.enqueue_indirect_dma source(%arg11 : memref<128x128xf32, #tpu.memory_space<vmem>>) target(%dma_start3A_408 : memref<10112x128xf32, #tpu.memory_space<vmem_shared>>) offsets(%dma_start3A_405 : memref<128xi32, #tpu.memory_space<vmem>>) semaphore(%arg16 : memref<!tpu.dma_semaphore, #tpu.memory_space<semaphore_mem>>) {add = true}
      %dma_wait3A_409 = arith.constant 13 : i32
      %dma_wait3A_410 = arith.constant 0 : i32
      %dma_wait3A_411 = tpu.memref_slice %arg9[%dma_wait3A_409, %dma_wait3A_410] : memref<16x128xi32, #tpu.memory_space<vmem>> -> memref<1x128xi32, #tpu.memory_space<vmem>>
      %dma_wait3A_412 = tpu.memref_squeeze %dma_wait3A_411 : memref<1x128xi32, #tpu.memory_space<vmem>> -> memref<128xi32, #tpu.memory_space<vmem>>
      %dma_wait3A_413 = arith.constant 0 : i32
      %dma_wait3A_414 = arith.constant 0 : i32
      %dma_wait3A_415 = tpu.memref_slice %arg7[%dma_wait3A_413, %dma_wait3A_414] : memref<10112x128xf32, #tpu.memory_space<vmem_shared>> -> memref<10112x128xf32, #tpu.memory_space<vmem_shared>>
      tpu.wait_indirect_dma semaphore(%arg16 : memref<!tpu.dma_semaphore, #tpu.memory_space<semaphore_mem>>) src(%arg11 : memref<128x128xf32, #tpu.memory_space<vmem>>) dst(%dma_wait3A_415 : memref<10112x128xf32, #tpu.memory_space<vmem_shared>>)
      %dma_start3A_416 = arith.constant 15 : i32
      %dma_start3A_417 = arith.constant 0 : i32
      %dma_start3A_418 = tpu.memref_slice %arg8[%dma_start3A_416, %dma_start3A_417] : memref<16x128xi32, #tpu.memory_space<vmem>> -> memref<1x128xi32, #tpu.memory_space<vmem>>
      %dma_start3A_419 = tpu.memref_squeeze %dma_start3A_418 : memref<1x128xi32, #tpu.memory_space<vmem>> -> memref<128xi32, #tpu.memory_space<vmem>>
      %dma_start3A_420 = arith.constant 0 : i32
      %dma_start3A_421 = arith.constant 0 : i32
      %dma_start3A_422 = tpu.memref_slice %arg2[%dma_start3A_420, %dma_start3A_421] : memref<10000x128xf32, #tpu.memory_space<hbm>> -> memref<10000x128xf32, #tpu.memory_space<hbm>>
      tpu.enqueue_indirect_dma source(%dma_start3A_422 : memref<10000x128xf32, #tpu.memory_space<hbm>>) target(%arg11 : memref<128x128xf32, #tpu.memory_space<vmem>>) offsets(%dma_start3A_419 : memref<128xi32, #tpu.memory_space<vmem>>) semaphore(%arg14 : memref<!tpu.dma_semaphore, #tpu.memory_space<semaphore_mem>>)
      %dma_wait3A_423 = arith.constant 14 : i32
      %dma_wait3A_424 = arith.constant 0 : i32
      %dma_wait3A_425 = tpu.memref_slice %arg8[%dma_wait3A_423, %dma_wait3A_424] : memref<16x128xi32, #tpu.memory_space<vmem>> -> memref<1x128xi32, #tpu.memory_space<vmem>>
      %dma_wait3A_426 = tpu.memref_squeeze %dma_wait3A_425 : memref<1x128xi32, #tpu.memory_space<vmem>> -> memref<128xi32, #tpu.memory_space<vmem>>
      %dma_wait3A_427 = arith.constant 0 : i32
      %dma_wait3A_428 = arith.constant 0 : i32
      %dma_wait3A_429 = tpu.memref_slice %arg2[%dma_wait3A_427, %dma_wait3A_428] : memref<10000x128xf32, #tpu.memory_space<hbm>> -> memref<10000x128xf32, #tpu.memory_space<hbm>>
      tpu.wait_indirect_dma semaphore(%arg13 : memref<!tpu.dma_semaphore, #tpu.memory_space<semaphore_mem>>) src(%dma_wait3A_429 : memref<10000x128xf32, #tpu.memory_space<hbm>>) dst(%arg10 : memref<128x128xf32, #tpu.memory_space<vmem>>)
      %dma_start3A_430 = arith.constant 14 : i32
      %dma_start3A_431 = arith.constant 0 : i32
      %dma_start3A_432 = tpu.memref_slice %arg9[%dma_start3A_430, %dma_start3A_431] : memref<16x128xi32, #tpu.memory_space<vmem>> -> memref<1x128xi32, #tpu.memory_space<vmem>>
      %dma_start3A_433 = tpu.memref_squeeze %dma_start3A_432 : memref<1x128xi32, #tpu.memory_space<vmem>> -> memref<128xi32, #tpu.memory_space<vmem>>
      %dma_start3A_434 = arith.constant 0 : i32
      %dma_start3A_435 = arith.constant 0 : i32
      %dma_start3A_436 = tpu.memref_slice %arg7[%dma_start3A_434, %dma_start3A_435] : memref<10112x128xf32, #tpu.memory_space<vmem_shared>> -> memref<10112x128xf32, #tpu.memory_space<vmem_shared>>
      tpu.enqueue_indirect_dma source(%arg10 : memref<128x128xf32, #tpu.memory_space<vmem>>) target(%dma_start3A_436 : memref<10112x128xf32, #tpu.memory_space<vmem_shared>>) offsets(%dma_start3A_433 : memref<128xi32, #tpu.memory_space<vmem>>) semaphore(%arg15 : memref<!tpu.dma_semaphore, #tpu.memory_space<semaphore_mem>>) {add = true}
      %dma_wait3A_437 = arith.constant 14 : i32
      %dma_wait3A_438 = arith.constant 0 : i32
      %dma_wait3A_439 = tpu.memref_slice %arg9[%dma_wait3A_437, %dma_wait3A_438] : memref<16x128xi32, #tpu.memory_space<vmem>> -> memref<1x128xi32, #tpu.memory_space<vmem>>
      %dma_wait3A_440 = tpu.memref_squeeze %dma_wait3A_439 : memref<1x128xi32, #tpu.memory_space<vmem>> -> memref<128xi32, #tpu.memory_space<vmem>>
      %dma_wait3A_441 = arith.constant 0 : i32
      %dma_wait3A_442 = arith.constant 0 : i32
      %dma_wait3A_443 = tpu.memref_slice %arg7[%dma_wait3A_441, %dma_wait3A_442] : memref<10112x128xf32, #tpu.memory_space<vmem_shared>> -> memref<10112x128xf32, #tpu.memory_space<vmem_shared>>
      tpu.wait_indirect_dma semaphore(%arg15 : memref<!tpu.dma_semaphore, #tpu.memory_space<semaphore_mem>>) src(%arg10 : memref<128x128xf32, #tpu.memory_space<vmem>>) dst(%dma_wait3A_443 : memref<10112x128xf32, #tpu.memory_space<vmem_shared>>)
      %dma_wait3A_444 = arith.constant 15 : i32
      %dma_wait3A_445 = arith.constant 0 : i32
      %dma_wait3A_446 = tpu.memref_slice %arg8[%dma_wait3A_444, %dma_wait3A_445] : memref<16x128xi32, #tpu.memory_space<vmem>> -> memref<1x128xi32, #tpu.memory_space<vmem>>
      %dma_wait3A_447 = tpu.memref_squeeze %dma_wait3A_446 : memref<1x128xi32, #tpu.memory_space<vmem>> -> memref<128xi32, #tpu.memory_space<vmem>>
      %dma_wait3A_448 = arith.constant 0 : i32
      %dma_wait3A_449 = arith.constant 0 : i32
      %dma_wait3A_450 = tpu.memref_slice %arg2[%dma_wait3A_448, %dma_wait3A_449] : memref<10000x128xf32, #tpu.memory_space<hbm>> -> memref<10000x128xf32, #tpu.memory_space<hbm>>
      tpu.wait_indirect_dma semaphore(%arg14 : memref<!tpu.dma_semaphore, #tpu.memory_space<semaphore_mem>>) src(%dma_wait3A_450 : memref<10000x128xf32, #tpu.memory_space<hbm>>) dst(%arg11 : memref<128x128xf32, #tpu.memory_space<vmem>>)
      %dma_start3A_451 = arith.constant 15 : i32
      %dma_start3A_452 = arith.constant 0 : i32
      %dma_start3A_453 = tpu.memref_slice %arg9[%dma_start3A_451, %dma_start3A_452] : memref<16x128xi32, #tpu.memory_space<vmem>> -> memref<1x128xi32, #tpu.memory_space<vmem>>
      %dma_start3A_454 = tpu.memref_squeeze %dma_start3A_453 : memref<1x128xi32, #tpu.memory_space<vmem>> -> memref<128xi32, #tpu.memory_space<vmem>>
      %dma_start3A_455 = arith.constant 0 : i32
      %dma_start3A_456 = arith.constant 0 : i32
      %dma_start3A_457 = tpu.memref_slice %arg7[%dma_start3A_455, %dma_start3A_456] : memref<10112x128xf32, #tpu.memory_space<vmem_shared>> -> memref<10112x128xf32, #tpu.memory_space<vmem_shared>>
      tpu.enqueue_indirect_dma source(%arg11 : memref<128x128xf32, #tpu.memory_space<vmem>>) target(%dma_start3A_457 : memref<10112x128xf32, #tpu.memory_space<vmem_shared>>) offsets(%dma_start3A_454 : memref<128xi32, #tpu.memory_space<vmem>>) semaphore(%arg16 : memref<!tpu.dma_semaphore, #tpu.memory_space<semaphore_mem>>) {add = true}
      %dma_wait3A_458 = arith.constant 15 : i32
      %dma_wait3A_459 = arith.constant 0 : i32
      %dma_wait3A_460 = tpu.memref_slice %arg9[%dma_wait3A_458, %dma_wait3A_459] : memref<16x128xi32, #tpu.memory_space<vmem>> -> memref<1x128xi32, #tpu.memory_space<vmem>>
      %dma_wait3A_461 = tpu.memref_squeeze %dma_wait3A_460 : memref<1x128xi32, #tpu.memory_space<vmem>> -> memref<128xi32, #tpu.memory_space<vmem>>
      %dma_wait3A_462 = arith.constant 0 : i32
      %dma_wait3A_463 = arith.constant 0 : i32
      %dma_wait3A_464 = tpu.memref_slice %arg7[%dma_wait3A_462, %dma_wait3A_463] : memref<10112x128xf32, #tpu.memory_space<vmem_shared>> -> memref<10112x128xf32, #tpu.memory_space<vmem_shared>>
      tpu.wait_indirect_dma semaphore(%arg16 : memref<!tpu.dma_semaphore, #tpu.memory_space<semaphore_mem>>) src(%arg11 : memref<128x128xf32, #tpu.memory_space<vmem>>) dst(%dma_wait3A_464 : memref<10112x128xf32, #tpu.memory_space<vmem_shared>>)
    }
    %scan3A_13 = arith.constant 5 : i32
    %barrier3A_14 = arith.constant 0 : index
    tpu.barrier barrier_id(%barrier3A_14)
    "tpu.region"() ({
      %run_scoped3A = tpu.sem_alloc : memref<!tpu.dma_semaphore, #tpu.memory_space<semaphore_mem>>
      %dma_start3A = arith.constant 0 : i32
      %dma_start3A_15 = tpu.memref_slice %arg6[%arg0, %multiple_of3A, %dma_start3A] : memref<2x10112x128xf32, #tpu.memory_space<hbm>> -> memref<1x632x128xf32, #tpu.memory_space<hbm>>
      %dma_start3A_16 = tpu.memref_squeeze %dma_start3A_15 : memref<1x632x128xf32, #tpu.memory_space<hbm>> -> memref<632x128xf32, #tpu.memory_space<hbm>>
      %dma_start3A_17 = arith.constant 0 : i32
      %dma_start3A_18 = tpu.memref_slice %arg7[%multiple_of3A, %dma_start3A_17] : memref<10112x128xf32, #tpu.memory_space<vmem_shared>> -> memref<632x128xf32, #tpu.memory_space<vmem_shared>>
      tpu.enqueue_dma source(%dma_start3A_18 : memref<632x128xf32, #tpu.memory_space<vmem_shared>>) target(%dma_start3A_16 : memref<632x128xf32, #tpu.memory_space<hbm>>) target_semaphore(%run_scoped3A : memref<!tpu.dma_semaphore, #tpu.memory_space<semaphore_mem>>)
      %dma_wait3A = arith.constant 0 : i32
      %dma_wait3A_19 = tpu.memref_slice %arg6[%arg0, %multiple_of3A, %dma_wait3A] : memref<2x10112x128xf32, #tpu.memory_space<hbm>> -> memref<1x632x128xf32, #tpu.memory_space<hbm>>
      %dma_wait3A_20 = tpu.memref_squeeze %dma_wait3A_19 : memref<1x632x128xf32, #tpu.memory_space<hbm>> -> memref<632x128xf32, #tpu.memory_space<hbm>>
      %dma_wait3A_21 = arith.constant 0 : i32
      %dma_wait3A_22 = tpu.memref_slice %arg7[%multiple_of3A, %dma_wait3A_21] : memref<10112x128xf32, #tpu.memory_space<vmem_shared>> -> memref<632x128xf32, #tpu.memory_space<vmem_shared>>
      tpu.wait_dma2 semaphore(%run_scoped3A : memref<!tpu.dma_semaphore, #tpu.memory_space<semaphore_mem>>) src(%dma_wait3A_22 : memref<632x128xf32, #tpu.memory_space<vmem_shared>>) dst(%dma_wait3A_20 : memref<632x128xf32, #tpu.memory_space<hbm>>)
      tpu.yield
    }) : () -> ()
    return
  }
}

module attributes {stable_mosaic.version = 14 : i64} {
  func.func @_tc_layer_body(%arg0: i32, %arg1: memref<2000x128xf32, #tpu.memory_space<vmem>>, %arg2: memref<2x2000x128xf32, #tpu.memory_space<vmem>>, %arg3: memref<2x2000x128xf32, #tpu.memory_space<vmem>>, %arg4: memref<128x128xf32, #tpu.memory_space<vmem>>, %arg5: memref<128x128xf32, #tpu.memory_space<vmem>>, %arg6: memref<1x128xf32, #tpu.memory_space<vmem>>, %arg7: memref<2000x128xf32, #tpu.memory_space<vmem>>) attributes {dimension_semantics = [#tpu.dimension_semantics<arbitrary>], iteration_bounds = array<i64: 5>, scalar_prefetch = 0 : i64, scratch_operands = 0 : i64, tpu.core_type = #tpu.core_type<tc>, window_params = [{transform_indices = @transform_0, window_bounds = array<i64: 2000, 128>}, {transform_indices = @transform_1, window_bounds = array<i64: 2, 2000, 128>}, {transform_indices = @transform_2, window_bounds = array<i64: 2, 2000, 128>}, {pipeline_mode = #tpu.pipeline_mode<synchronous>, transform_indices = @transform_3, window_bounds = array<i64: 128, 128>}, {pipeline_mode = #tpu.pipeline_mode<synchronous>, transform_indices = @transform_4, window_bounds = array<i64: 128, 128>}, {pipeline_mode = #tpu.pipeline_mode<synchronous>, transform_indices = @transform_5, window_bounds = array<i64: 1, 128>}, {transform_indices = @transform_6, window_bounds = array<i64: 2000, 128>}]} {
    %get3A = arith.constant 0 : index
    %get3A_0 = arith.constant 0 : index
    %get3A_1 = arith.constant 0 : index
    %get3A_2 = vector.load %arg2[%get3A, %get3A_0, %get3A_1] : memref<2x2000x128xf32, #tpu.memory_space<vmem>>, vector<1x2000x128xf32>
    %get3A_3 = vector.shape_cast %get3A_2 : vector<1x2000x128xf32> to vector<2000x128xf32>
    %get3A_4 = arith.constant 1 : index
    %get3A_5 = arith.constant 0 : index
    %get3A_6 = arith.constant 0 : index
    %get3A_7 = vector.load %arg2[%get3A_4, %get3A_5, %get3A_6] : memref<2x2000x128xf32, #tpu.memory_space<vmem>>, vector<1x2000x128xf32>
    %get3A_8 = vector.shape_cast %get3A_7 : vector<1x2000x128xf32> to vector<2000x128xf32>
    %add3A = arith.addf %get3A_3, %get3A_8 : vector<2000x128xf32>
    %get3A_9 = arith.constant 0 : index
    %get3A_10 = arith.constant 0 : index
    %get3A_11 = arith.constant 0 : index
    %get3A_12 = vector.load %arg3[%get3A_9, %get3A_10, %get3A_11] : memref<2x2000x128xf32, #tpu.memory_space<vmem>>, vector<1x2000x128xf32>
    %get3A_13 = vector.shape_cast %get3A_12 : vector<1x2000x128xf32> to vector<2000x128xf32>
    %slice3A = vector.extract_strided_slice %get3A_13 {offsets = [0, 0], sizes = [2000, 1], strides = [1, 1]} : vector<2000x128xf32> to vector<2000x1xf32>
    %get3A_14 = arith.constant 1 : index
    %get3A_15 = arith.constant 0 : index
    %get3A_16 = arith.constant 0 : index
    %get3A_17 = vector.load %arg3[%get3A_14, %get3A_15, %get3A_16] : memref<2x2000x128xf32, #tpu.memory_space<vmem>>, vector<1x2000x128xf32>
    %get3A_18 = vector.shape_cast %get3A_17 : vector<1x2000x128xf32> to vector<2000x128xf32>
    %slice3A_19 = vector.extract_strided_slice %get3A_18 {offsets = [0, 0], sizes = [2000, 1], strides = [1, 1]} : vector<2000x128xf32> to vector<2000x1xf32>
    %add3A_20 = arith.addf %slice3A, %slice3A_19 : vector<2000x1xf32>
    %max3A = arith.constant 1.000000e+00 : f32
    %max3A_21 = vector.broadcast %max3A : f32 to vector<2000x1xf32>
    %max3A_22 = arith.maximumf %add3A_20, %max3A_21 : vector<2000x1xf32>
    %div3A = vector.broadcast %max3A_22 : vector<2000x1xf32> to vector<2000x128xf32>
    %div3A_23 = arith.divf %add3A, %div3A : vector<2000x128xf32>
    %get3A_24 = arith.constant 0 : index
    %get3A_25 = arith.constant 0 : index
    %get3A_26 = vector.load %arg1[%get3A_24, %get3A_25] : memref<2000x128xf32, #tpu.memory_space<vmem>>, vector<2000x128xf32>
    %get3A_27 = arith.constant 0 : index
    %get3A_28 = arith.constant 0 : index
    %get3A_29 = vector.load %arg4[%get3A_27, %get3A_28] : memref<128x128xf32, #tpu.memory_space<vmem>>, vector<128x128xf32>
    %dot_general3A = arith.constant dense<0.000000e+00> : vector<2000x128xf32>
    %dot_general3A_30 = tpu.matmul %get3A_26, %get3A_29, %dot_general3A {dimension_numbers = #tpu.dot_dimension_numbers<[1], [0], [0], [1], [0, 0, 1, 1], [], []>, transpose_lhs_hint = false} : vector<2000x128xf32>, vector<128x128xf32>, vector<2000x128xf32> -> vector<2000x128xf32>
    %get3A_31 = arith.constant 0 : index
    %get3A_32 = arith.constant 0 : index
    %get3A_33 = vector.load %arg5[%get3A_31, %get3A_32] : memref<128x128xf32, #tpu.memory_space<vmem>>, vector<128x128xf32>
    %dot_general3A_34 = arith.constant dense<0.000000e+00> : vector<2000x128xf32>
    %dot_general3A_35 = tpu.matmul %div3A_23, %get3A_33, %dot_general3A_34 {dimension_numbers = #tpu.dot_dimension_numbers<[1], [0], [0], [1], [0, 0, 1, 1], [], []>, transpose_lhs_hint = false} : vector<2000x128xf32>, vector<128x128xf32>, vector<2000x128xf32> -> vector<2000x128xf32>
    %add3A_36 = arith.addf %dot_general3A_30, %dot_general3A_35 : vector<2000x128xf32>
    %get3A_37 = arith.constant 0 : index
    %get3A_38 = arith.constant 0 : index
    %get3A_39 = vector.load %arg6[%get3A_37, %get3A_38] : memref<1x128xf32, #tpu.memory_space<vmem>>, vector<1x128xf32>
    %add3A_40 = vector.broadcast %get3A_39 : vector<1x128xf32> to vector<2000x128xf32>
    %add3A_41 = arith.addf %add3A_36, %add3A_40 : vector<2000x128xf32>
    %max3A_42 = arith.constant 0.000000e+00 : f32
    %max3A_43 = vector.broadcast %max3A_42 : f32 to vector<2000x128xf32>
    %max3A_44 = arith.maximumf %add3A_41, %max3A_43 : vector<2000x128xf32>
    %swap3A = arith.constant 0 : index
    %swap3A_45 = arith.constant 0 : index
    %swap3A_46 = vector.load %arg7[%swap3A, %swap3A_45] : memref<2000x128xf32, #tpu.memory_space<vmem>>, vector<2000x128xf32>
    tpu.vector_store %arg7[%swap3A, %swap3A_45], %max3A_44 {strides = array<i32>} : memref<2000x128xf32, #tpu.memory_space<vmem>>, vector<2000x128xf32>,
    return
  }
  func.func @transform_0(%arg0: i32) -> (i32, i32) {
    %c0_i32 = arith.constant 0 : i32
    %c0_i32_0 = arith.constant 0 : i32
    return %arg0, %c0_i32 : i32, i32
  }
  func.func @transform_1(%arg0: i32) -> (i32, i32, i32) {
    %c0_i32 = arith.constant 0 : i32
    %c0_i32_0 = arith.constant 0 : i32
    %c0_i32_1 = arith.constant 0 : i32
    return %c0_i32, %arg0, %c0_i32_0 : i32, i32, i32
  }
  func.func @transform_2(%arg0: i32) -> (i32, i32, i32) {
    %c0_i32 = arith.constant 0 : i32
    %c0_i32_0 = arith.constant 0 : i32
    %c0_i32_1 = arith.constant 0 : i32
    return %c0_i32, %arg0, %c0_i32_0 : i32, i32, i32
  }
  func.func @transform_3(%arg0: i32) -> (i32, i32) {
    %c0_i32 = arith.constant 0 : i32
    %c0_i32_0 = arith.constant 0 : i32
    %c0_i32_1 = arith.constant 0 : i32
    return %c0_i32, %c0_i32_0 : i32, i32
  }
  func.func @transform_4(%arg0: i32) -> (i32, i32) {
    %c0_i32 = arith.constant 0 : i32
    %c0_i32_0 = arith.constant 0 : i32
    %c0_i32_1 = arith.constant 0 : i32
    return %c0_i32, %c0_i32_0 : i32, i32
  }
  func.func @transform_5(%arg0: i32) -> (i32, i32) {
    %c0_i32 = arith.constant 0 : i32
    %c0_i32_0 = arith.constant 0 : i32
    %c0_i32_1 = arith.constant 0 : i32
    return %c0_i32, %c0_i32_0 : i32, i32
  }
  func.func @transform_6(%arg0: i32) -> (i32, i32) {
    %c0_i32 = arith.constant 0 : i32
    %c0_i32_0 = arith.constant 0 : i32
    return %arg0, %c0_i32 : i32, i32
  }
}

module attributes {stable_mosaic.version = 14 : i64} {
  func.func @_tc_layer_body(%arg0: i32, %arg1: memref<2000x128xf32, #tpu.memory_space<vmem>>, %arg2: memref<2x2000x128xf32, #tpu.memory_space<vmem>>, %arg3: memref<2x2000x128xf32, #tpu.memory_space<vmem>>, %arg4: memref<128x128xf32, #tpu.memory_space<vmem>>, %arg5: memref<128x128xf32, #tpu.memory_space<vmem>>, %arg6: memref<1x128xf32, #tpu.memory_space<vmem>>, %arg7: memref<2000x128xf32, #tpu.memory_space<vmem>>) attributes {dimension_semantics = [#tpu.dimension_semantics<arbitrary>], iteration_bounds = array<i64: 5>, scalar_prefetch = 0 : i64, scratch_operands = 0 : i64, tpu.core_type = #tpu.core_type<tc>, window_params = [{transform_indices = @transform_0, window_bounds = array<i64: 2000, 128>}, {transform_indices = @transform_1, window_bounds = array<i64: 2, 2000, 128>}, {transform_indices = @transform_2, window_bounds = array<i64: 2, 2000, 128>}, {pipeline_mode = #tpu.pipeline_mode<synchronous>, transform_indices = @transform_3, window_bounds = array<i64: 128, 128>}, {pipeline_mode = #tpu.pipeline_mode<synchronous>, transform_indices = @transform_4, window_bounds = array<i64: 128, 128>}, {pipeline_mode = #tpu.pipeline_mode<synchronous>, transform_indices = @transform_5, window_bounds = array<i64: 1, 128>}, {transform_indices = @transform_6, window_bounds = array<i64: 2000, 128>}]} {
    %get3A = arith.constant 0 : index
    %get3A_0 = arith.constant 0 : index
    %get3A_1 = arith.constant 0 : index
    %get3A_2 = vector.load %arg2[%get3A, %get3A_0, %get3A_1] : memref<2x2000x128xf32, #tpu.memory_space<vmem>>, vector<1x2000x128xf32>
    %get3A_3 = vector.shape_cast %get3A_2 : vector<1x2000x128xf32> to vector<2000x128xf32>
    %get3A_4 = arith.constant 1 : index
    %get3A_5 = arith.constant 0 : index
    %get3A_6 = arith.constant 0 : index
    %get3A_7 = vector.load %arg2[%get3A_4, %get3A_5, %get3A_6] : memref<2x2000x128xf32, #tpu.memory_space<vmem>>, vector<1x2000x128xf32>
    %get3A_8 = vector.shape_cast %get3A_7 : vector<1x2000x128xf32> to vector<2000x128xf32>
    %add3A = arith.addf %get3A_3, %get3A_8 : vector<2000x128xf32>
    %get3A_9 = arith.constant 0 : index
    %get3A_10 = arith.constant 0 : index
    %get3A_11 = arith.constant 0 : index
    %get3A_12 = vector.load %arg3[%get3A_9, %get3A_10, %get3A_11] : memref<2x2000x128xf32, #tpu.memory_space<vmem>>, vector<1x2000x128xf32>
    %get3A_13 = vector.shape_cast %get3A_12 : vector<1x2000x128xf32> to vector<2000x128xf32>
    %slice3A = vector.extract_strided_slice %get3A_13 {offsets = [0, 0], sizes = [2000, 1], strides = [1, 1]} : vector<2000x128xf32> to vector<2000x1xf32>
    %get3A_14 = arith.constant 1 : index
    %get3A_15 = arith.constant 0 : index
    %get3A_16 = arith.constant 0 : index
    %get3A_17 = vector.load %arg3[%get3A_14, %get3A_15, %get3A_16] : memref<2x2000x128xf32, #tpu.memory_space<vmem>>, vector<1x2000x128xf32>
    %get3A_18 = vector.shape_cast %get3A_17 : vector<1x2000x128xf32> to vector<2000x128xf32>
    %slice3A_19 = vector.extract_strided_slice %get3A_18 {offsets = [0, 0], sizes = [2000, 1], strides = [1, 1]} : vector<2000x128xf32> to vector<2000x1xf32>
    %add3A_20 = arith.addf %slice3A, %slice3A_19 : vector<2000x1xf32>
    %max3A = arith.constant 1.000000e+00 : f32
    %max3A_21 = vector.broadcast %max3A : f32 to vector<2000x1xf32>
    %max3A_22 = arith.maximumf %add3A_20, %max3A_21 : vector<2000x1xf32>
    %div3A = vector.broadcast %max3A_22 : vector<2000x1xf32> to vector<2000x128xf32>
    %div3A_23 = arith.divf %add3A, %div3A : vector<2000x128xf32>
    %get3A_24 = arith.constant 0 : index
    %get3A_25 = arith.constant 0 : index
    %get3A_26 = vector.load %arg1[%get3A_24, %get3A_25] : memref<2000x128xf32, #tpu.memory_space<vmem>>, vector<2000x128xf32>
    %get3A_27 = arith.constant 0 : index
    %get3A_28 = arith.constant 0 : index
    %get3A_29 = vector.load %arg4[%get3A_27, %get3A_28] : memref<128x128xf32, #tpu.memory_space<vmem>>, vector<128x128xf32>
    %dot_general3A = arith.constant dense<0.000000e+00> : vector<2000x128xf32>
    %dot_general3A_30 = tpu.matmul %get3A_26, %get3A_29, %dot_general3A {dimension_numbers = #tpu.dot_dimension_numbers<[1], [0], [0], [1], [0, 0, 1, 1], [], []>, transpose_lhs_hint = false} : vector<2000x128xf32>, vector<128x128xf32>, vector<2000x128xf32> -> vector<2000x128xf32>
    %get3A_31 = arith.constant 0 : index
    %get3A_32 = arith.constant 0 : index
    %get3A_33 = vector.load %arg5[%get3A_31, %get3A_32] : memref<128x128xf32, #tpu.memory_space<vmem>>, vector<128x128xf32>
    %dot_general3A_34 = arith.constant dense<0.000000e+00> : vector<2000x128xf32>
    %dot_general3A_35 = tpu.matmul %div3A_23, %get3A_33, %dot_general3A_34 {dimension_numbers = #tpu.dot_dimension_numbers<[1], [0], [0], [1], [0, 0, 1, 1], [], []>, transpose_lhs_hint = false} : vector<2000x128xf32>, vector<128x128xf32>, vector<2000x128xf32> -> vector<2000x128xf32>
    %add3A_36 = arith.addf %dot_general3A_30, %dot_general3A_35 : vector<2000x128xf32>
    %get3A_37 = arith.constant 0 : index
    %get3A_38 = arith.constant 0 : index
    %get3A_39 = vector.load %arg6[%get3A_37, %get3A_38] : memref<1x128xf32, #tpu.memory_space<vmem>>, vector<1x128xf32>
    %add3A_40 = vector.broadcast %get3A_39 : vector<1x128xf32> to vector<2000x128xf32>
    %add3A_41 = arith.addf %add3A_36, %add3A_40 : vector<2000x128xf32>
    %swap3A = arith.constant 0 : index
    %swap3A_42 = arith.constant 0 : index
    %swap3A_43 = vector.load %arg7[%swap3A, %swap3A_42] : memref<2000x128xf32, #tpu.memory_space<vmem>>, vector<2000x128xf32>
    tpu.vector_store %arg7[%swap3A, %swap3A_42], %add3A_41 {strides = array<i32>} : memref<2000x128xf32, #tpu.memory_space<vmem>>, vector<2000x128xf32>,
    return
  }
  func.func @transform_0(%arg0: i32) -> (i32, i32) {
    %c0_i32 = arith.constant 0 : i32
    %c0_i32_0 = arith.constant 0 : i32
    return %arg0, %c0_i32 : i32, i32
  }
  func.func @transform_1(%arg0: i32) -> (i32, i32, i32) {
    %c0_i32 = arith.constant 0 : i32
    %c0_i32_0 = arith.constant 0 : i32
    %c0_i32_1 = arith.constant 0 : i32
    return %c0_i32, %arg0, %c0_i32_0 : i32, i32, i32
  }
  func.func @transform_2(%arg0: i32) -> (i32, i32, i32) {
    %c0_i32 = arith.constant 0 : i32
    %c0_i32_0 = arith.constant 0 : i32
    %c0_i32_1 = arith.constant 0 : i32
    return %c0_i32, %arg0, %c0_i32_0 : i32, i32, i32
  }
  func.func @transform_3(%arg0: i32) -> (i32, i32) {
    %c0_i32 = arith.constant 0 : i32
    %c0_i32_0 = arith.constant 0 : i32
    %c0_i32_1 = arith.constant 0 : i32
    return %c0_i32, %c0_i32_0 : i32, i32
  }
  func.func @transform_4(%arg0: i32) -> (i32, i32) {
    %c0_i32 = arith.constant 0 : i32
    %c0_i32_0 = arith.constant 0 : i32
    %c0_i32_1 = arith.constant 0 : i32
    return %c0_i32, %c0_i32_0 : i32, i32
  }
  func.func @transform_5(%arg0: i32) -> (i32, i32) {
    %c0_i32 = arith.constant 0 : i32
    %c0_i32_0 = arith.constant 0 : i32
    %c0_i32_1 = arith.constant 0 : i32
    return %c0_i32, %c0_i32_0 : i32, i32
  }
  func.func @transform_6(%arg0: i32) -> (i32, i32) {
    %c0_i32 = arith.constant 0 : i32
    %c0_i32_0 = arith.constant 0 : i32
    return %arg0, %c0_i32 : i32, i32
  }
}

</mosaic_0001>

<sc_bundles>
// kernel: kernel.10.cloned.1.call-start
scs
__scs_entry_jumppad:
0x0: {  	(pc) =	sbr.rel $0x88, $3  }
0x1: {  	(tag) =	ssettag $0x0;
	lr =	simm.s32 $0x1  }
0x2: {  	[smem:$0x3F99] =	sst lr;
	_ =	strace $0xD0000000  }
0x3: {  	_ = 	snop  }
0x4: {  	_ = 	snop  }
0x5: {  	_ = 	snop  }
0x6: {  	_ = 	snop  }
0x7: {  	_ = 	snop  }
__scs_overlays_trampoline_lowered:
0x8: {  	[smem:$0x3FA8] =	sst s0  }
0x9: {  	[smem:$0x3FA9] =	sst s1  }
0xa: {  	[smem:$0x3FAA] =	sst s2  }
0xb: {  	[smem:$0x3FAB] =	sst s3  }
0xc: {  	[smem:$0x3FAC] =	sst s4  }
0xd: {  	[smem:$0x3FAD] =	sst s5  }
0xe: {  	[smem:$0x3FAE] =	sst s6  }
0xf: {  	[smem:$0x3FAF] =	sst s7  }
0x10: {  	[smem:$0x3FB0] =	sst s8  }
0x11: {  	[smem:$0x3FB1] =	sst s9;
	s0 =	simm.s32 @!p0 $0x0  }
0x12: {  	s1 =	sld [smem:$0x3F97];
	s0 =	simm.s32 @p0 $0x1  }
0x13: {  	[smem:$0x3FB2] =	sst s0;
	s0 =	simm.s32 @!p1 $0x0  }
0x14: {  	s2 =	sld [smem:$0x3F96];
	s0 =	simm.s32 @p1 $0x1  }
0x15: {  	[smem:$0x3FB3] =	sst s0;
	s0 =	simm.s32 @!p2 $0x0  }
0x16: {  	s3 =	sld [smem:$0x3FDB];
	s0 =	simm.s32 @p2 $0x1  }
0x17: {  	s4 =	simm.s32 $0x1BF5;
	[smem:$0x3FB5] =	sst s0  }
0x18: {  	s0 =	sld [smem:$0x3F98];
	_ =	swait.ge [sflag:s4], $0x0  }
0x19: {  	s7 =	sld [smem:$0x3F99]  }
0x1a: {  	s8 =	sadd.s32 $0xFFFFE003, lr  }
0x1b: {  	s9 =	sadd.s32 $0xFFFFFEF7, lr;
	s5 =	simm.s32 $0xFFFFFFFF;
	p2 =	slt.u32 s8, $0xFFFFF086  }
0x1c: {  	p1 =	slt.u32 s9, $0xF7A;
	s5 =	simm.s32 @!p2 $0x0  }
0x1d: {  	s5 =	simm.s32 @p1 $0x1;
	p0 =	seq.s32 s7, s2  }
0x1e: {  	s7 =	smul.u32 @!p0 $0xF7A, s2;
	p2 =	seq.s32 @!p0 s5, $0x0  }
0x1f: {  	s9 =	smul.u32 $0xF7A, s1;
	s8 =	simm.s32 @!p0 $0x1BF5;
	p2 =	por !p2, p0  }
0x20: {  	[sflag:s8] =	ssyncset.s32 @!p0 $0xFFFFF086;
	s6 =	sadd.s32 @!p0 s3, s7;
	s7 =	simm.s32 @!p0 $0x108  }
0x21: {  	s3 =	sadd.s32 s3, s9;
	s6 =	sadd.s32 @!p0 $0x88, s6;
	s7 =	simm.s32 @p2 $0x1082  }
0x22: {  	[simem:s7], [sflag:s8] =	dma.local @!p0 [hbm:s6], $0xF7A  }
0x23: {  	s9 =	sor.u32 $0xD0000000, s2;
	s6 =	simm.s32 $0x108;
	_ =	swait.ge @!p0 [sflag:s8], $0x0  }
0x24: {  	s3 =	sadd.s32 $0x88, s3;
	s6 =	simm.s32 @!p1 $0x1082;
	[sflag:s4] =	ssyncset.s32 $0xFFFFF086  }
0x25: {  	[simem:s6], [sflag:s4] =	dma.local [hbm:s3], $0xF7A  }
0x26: {  	[smem:$0x3F99] =	sst s1;
	(tag) =	ssettag s2;
	_ =	strace s9  }
0x27: {  	s1 =	sld [smem:$0x3FA9]  }
0x28: {  	s2 =	sld [smem:$0x3FAA]  }
0x29: {  	s4 =	sld [smem:$0x3FAC]  }
0x2a: {  	p0 =	seq.s32 s5, $0x0;
	s5 =	sld [smem:$0x3FAD]  }
0x2b: {  	s6 =	sld [smem:$0x3FAE]  }
0x2c: {  	s7 =	sld [smem:$0x3FAF]  }
0x2d: {  	s3 =	simm.s32 $0x108;
	s8 =	sld [smem:$0x3FB0]  }
0x2e: {  	s3 =	simm.s32 @!p0 $0x1082;
	s9 =	sld [smem:$0x3FB1]  }
0x2f: {  	lr =	sadd.s32 s0, s3;
	s0 =	sld [smem:$0x3FA8]  }
0x30: {  	s3 =	sld [smem:$0x3FAB]  }
0x31: {  	[smem:$0x3FB4] =	sst s10  }
0x32: {  	s10 =	sld [smem:$0x3FB2];
	_ =	sdelay $0x3  }
0x33: {  	p0 =	seq.s32 s10, $0x1;
	s10 =	sld [smem:$0x3FB4];
	_ =	sdelay $0x3  }
0x34: {  	[smem:$0x3FB4] =	sst s10  }
0x35: {  	s10 =	sld [smem:$0x3FB3];
	_ =	sdelay $0x3  }
0x36: {  	p1 =	seq.s32 s10, $0x1;
	s10 =	sld [smem:$0x3FB4];
	_ =	sdelay $0x3  }
0x37: {  	[smem:$0x3FB4] =	sst s10  }
0x38: {  	s10 =	sld [smem:$0x3FB5]  }
0x39: {  	_ = 	snop;
	(pc) =	sbr.ind lr, $3  }
0x3a: {  	_ = 	snop  }
0x3b: {  	_ = 	snop  }
0x3c: {  	p2 =	seq.s32 s10, $0x1;
	s10 =	sld [smem:$0x3FB4]  }
0x3d: {  	_ =	shalt  }
0x3e: {  	_ =	shalt  }
0x3f: {  	_ =	shalt  }
0x40: {  	_ =	shalt  }
0x41: {  	_ =	shalt  }
0x42: {  	_ =	shalt  }
0x43: {  	_ =	shalt  }
0x44: {  	_ =	shalt  }
0x45: {  	_ =	shalt  }
0x46: {  	_ =	shalt  }
0x47: {  	_ =	shalt  }
0x48: {  	_ =	shalt  }
0x49: {  	_ =	shalt  }
0x4a: {  	_ =	shalt  }
0x4b: {  	_ =	shalt  }
0x4c: {  	_ =	shalt  }
0x4d: {  	_ =	shalt  }
0x4e: {  	_ =	shalt  }
0x4f: {  	_ =	shalt  }
0x50: {  	_ =	shalt  }
0x51: {  	_ =	shalt  }
0x52: {  	_ =	shalt  }
0x53: {  	_ =	shalt  }
0x54: {  	_ =	shalt  }
0x55: {  	_ =	shalt  }
0x56: {  	_ =	shalt  }
0x57: {  	_ =	shalt  }
0x58: {  	_ =	shalt  }
0x59: {  	_ =	shalt  }
0x5a: {  	_ =	shalt  }
0x5b: {  	_ =	shalt  }
0x5c: {  	_ =	shalt  }
0x5d: {  	_ =	shalt  }
0x5e: {  	_ =	shalt  }
0x5f: {  	_ =	shalt  }
0x60: {  	_ =	shalt  }
0x61: {  	_ =	shalt  }
0x62: {  	_ =	shalt  }
0x63: {  	_ =	shalt  }
0x64: {  	_ =	shalt  }
0x65: {  	_ =	shalt  }
0x66: {  	_ =	shalt  }
0x67: {  	_ =	shalt  }
0x68: {  	_ =	shalt  }
0x69: {  	_ =	shalt  }
0x6a: {  	_ =	shalt  }
0x6b: {  	_ =	shalt  }
0x6c: {  	_ =	shalt  }
0x6d: {  	_ =	shalt  }
0x6e: {  	_ =	shalt  }
0x6f: {  	_ =	shalt  }
0x70: {  	_ =	shalt  }
0x71: {  	_ =	shalt  }
0x72: {  	_ =	shalt  }
0x73: {  	_ =	shalt  }
0x74: {  	_ =	shalt  }
0x75: {  	_ =	shalt  }
0x76: {  	_ =	shalt  }
0x77: {  	_ =	shalt  }
0x78: {  	_ =	shalt  }
0x79: {  	_ =	shalt  }
0x7a: {  	_ =	shalt  }
0x7b: {  	_ =	shalt  }
0x7c: {  	_ =	shalt  }
0x7d: {  	_ =	shalt  }
0x7e: {  	_ =	shalt  }
0x7f: {  	_ =	shalt  }
0x80: {  	_ =	shalt  }
0x81: {  	_ =	shalt  }
0x82: {  	_ =	shalt  }
0x83: {  	_ =	shalt  }
0x84: {  	_ =	shalt  }
0x85: {  	_ =	shalt  }
0x86: {  	_ =	shalt  }
0x87: {  	_ =	shalt  }
.Lfunc_end0:
.L_simem_size_0:
called_computation.1_lowered:
.L_overlay_start_0:
0x88: {  	s2 =	sld [smem:$0x3FD9]  }
0x89: {  	s3 =	sld [smem:$0x3FFE];
	_ =	sdelay $0x1  }
0x8a: {  	s1 =	srdreg.scid  }
0x8b: {  	s0 =	sand.u32 $0x1, s1  }
0x8c: {  	s17 =	sshll.u32 s0, $0xA;
	s2 =	sadd.s32 s3, s2  }
0x8d: {  	s2 =	sadd.s32 s2, s17  }
0x8e: {  	[smem:$0x3FC0] =	sst s2  }
0x8f: {  	_ = 	snop  }
0x90: {  	s2 =	sld [smem:$0x3FC9];
	(tm) =	ssettm $0x1  }
0x91: {  	s18 =	sld [smem:$0x3FFB];
	_ =	sdelay $0x3  }
0x92: {  	_ =	strace s18  }
0x93: {  	s3 =	sld [smem:$0x3FFC];
	_ =	sdelay $0x3  }
0x94: {  	_ =	strace s3  }
0x95: {  	s3 =	sld [smem:$0x3FFD];
	_ =	sdelay $0x3  }
0x96: {  	_ =	strace s3  }
0x97: {  	_ =	strace $0x8FFFFFFF  }
0x98: {  	s19 =	sld [smem:$0x3FDB];
	_ =	sdelay $0x1  }
0x99: {  	s4 =	simm.s32 $_scs_section_size  }
0x9a: {  	s5 =	simm.s32 $_size__tile_overlayer_lowered;
	s6 =	simm.s32 $_tile_overlayer_lowered  }
0x9b: {  	s22 =	simm.s32 $0x1BFF;
	s21 =	sshll.u32 s6, $0x1;
	s3 =	sadd.s32 s4, s19  }
0x9c: {  	s7 =	simm.s32 $0x0;
	s20 =	sshll.u32 s5, $0x1;
	s5 =	sadd.s32 s21, s3  }
0x9d: {  	[timem:s7], [sflag:s22] =	dma.local [hbm:s5], s20  }
0x9e: {  	_ =	swait.ge [sflag:s22], s20  }
0x9f: {  	s4 =	ssub.s32 $0x0, s20;
	[sflag:s22] =	ssyncset.done $0x0  }
0xa0: {  	[sflag:s22] =	ssyncadd.s32 s4;
	_ =	sdelay $0x1  }
0xa1: {  	s23 =	simm.s32 $0x1B8B  }
0xa2: {  	_ =	swait.ge [sflag:s23], $0x1  }
0xa3: {  	[sflag:s23] =	ssyncset.done $0x0  }
0xa4: {  	s25 =	simm.s32 $0x1B8E;
	s24 =	sld [smem:$0x3FFE];
	[sflag:s23] =	ssyncadd.s32 $0xFFFFFFFF  }
0xa5: {  	s26 =	simm.s32 $execute0_lowered;
	[smem:$0x3FD2] =	sst s25  }
0xa6: {  	s5 =	sshll.u32 s26, $0x1;
	_ =	strace $0x80000046;
	[dreg:$0x1] =	wrdreg $0xFFFFFFFF  }
0xa7: {  	s28 =	simm.s32 $_size_execute0_lowered;
	s3 =	sadd.s32 s3, s5;
	[dreg:$0x0] =	wrdreg $0x0  }
0xa8: {  	s5 =	sshll.u32 s28, $0x1;
	[dreg:$0x2] =	wrdreg s3  }
0xa9: {  	[dreg:$0x3] =	wrdreg s5  }
0xaa: {  	[dreg:$0x4] =	wrdreg $0xC0  }
0xab: {  	_ =	task [dreg:s7], $0x5FFFF  }
0xac: {  	[dreg:$0x1] =	wrdreg $0xFFFFFFFF  }
0xad: {  	[dreg:$0x0] =	wrdreg $0x60  }
0xae: {  	[dreg:$0x2] =	wrdreg s2  }
0xaf: {  	[dreg:$0x3] =	wrdreg s24  }
0xb0: {  	[dreg:$0x4] =	wrdreg $0x0  }
0xb1: {  	[dreg:$0x5] =	wrdreg $0xA  }
0xb2: {  	_ =	task.clear_ibuf [dreg:s7], $0x6FFFF;
	_ =	strace $0x90000046  }
0xb3: {  	s29 =	simm.s32 $0xA;
	_ =	strace $0x80000048  }
0xb4: {  	_ =	swait.ge [sflag:s29], $0x1  }
0xb5: {  	[sflag:s29] =	ssyncadd.s32 $0xFFFFFFFF  }
0xb6: {  	_ =	strace $0x90000048  }
0xb7: {  	_ =	sfence  }
0xb8: {  	s30 =	sld [smem:$0x0];
	_ =	sdelay $0x2  }
0xb9: {  	s31 =	sshll.u32 s1, $0xD;
	s1 =	sshrl.u32 s1, $0x2  }
0xba: {  	s3 =	sand.u32 $0x4000, s31;
	s1 =	sadd.s32 s1, s30  }
0xbb: {  	s0 =	sor.u32 s3, s0;
	s1 =	sshll.u32 s1, $0x11  }
0xbc: {  	s0 =	sor.u32 s1, s0  }
0xbd: {  	s0 =	sadd.s32 $0x8F2B, s0  }
0xbe: {  	[sflag:s0] =	ssyncadd.remote.s32 $0x1  }
0xbf: {  	_ =	sfence.sel $0xFFFF  }
0xc0: {  	[dreg:$0x0] =	wrdreg $0xFFFFFFFF;
	(pc) =	sbr.abs _section_cstart, $3  }
0xc1: {  	[dreg:$0x1] =	wrdreg $0xFFFFFFFF  }
0xc2: {  	_ =	task.clear_ibuf [dreg:s7], $0x2FFFF;
	_ =	strace $0x9FFFFFFF  }
0xc3: {  	(tm) =	ssettm $0x7FFFFFFF  }
tec
execute0_lowered:
.L_overlay_start_1:
0x0: {  	(tag) =	ssettag $0x1  }
0x1: {  	s2 =	rddreg [dreg:$0x0]  }
0x2: {  	s0 =	srdreg.scid;
	s6 =	rddreg [dreg:$0x1]  }
0x3: {  	s9 =	stileid.u32;
	s3 =	rddreg [dreg:$0x2];
	s4 =	simm.s32 $0x0  }
0x4: {  	s11 =	simm.s32 $0x13D00;
	s12 =	simm.s32 $0x14480;
	s14 =	simm.s32 $0x13D80  }
0x5: {  	s15 =	simm.s32 $0x14500;
	[smem:$0x7FF] =	sst s4;
	s25 =	sadd.s32 $0x16000, s6  }
0x6: {  	s16 =	simm.s32 $0x13E00;
	_ =	strace $0x80000047;
	[dreg:$0x16] =	wrdreg s25  }
0x7: {  	s17 =	simm.s32 $0x14580;
	s18 =	simm.s32 $0x13E80;
	[dreg:$0x7] =	wrdreg s11  }
0x8: {  	s19 =	simm.s32 $0x14600;
	s20 =	simm.s32 $0x13F00;
	[dreg:$0x8] =	wrdreg s12  }
0x9: {  	s21 =	simm.s32 $0x14680;
	s22 =	simm.s32 $0x13F80;
	[dreg:$0x9] =	wrdreg s14  }
0xa: {  	s23 =	simm.s32 $0x14700;
	s28 =	simm.s32 $0x14280;
	[dreg:$0xa] =	wrdreg s15  }
0xb: {  	s29 =	simm.s32 $0x14A00;
	s5 =	smul.u32 $0x2800, s9;
	[dreg:$0xb] =	wrdreg s16  }
0xc: {  	s30 =	simm.s32 $0x14300;
	s8 =	smul.u32 $0x13C00, s9;
	[dreg:$0xc] =	wrdreg s17  }
0xd: {  	s0 =	sand.u32 $0x1, s0;
	s10 =	smul.u32 $0x4F000, s9;
	[dreg:$0xd] =	wrdreg s18  }
0xe: {  	s31 =	simm.s32 $0x14A80;
	s1 =	smul.u32 $0x28000, s0;
	[dreg:$0xe] =	wrdreg s19  }
0xf: {  	s9 =	simm.s32 $0x1CC00;
	s7 =	smul.u32 $0x13C000, s0;
	[dreg:$0xf] =	wrdreg s20  }
0x10: {  	s0 =	ssub.s32 $0x2, s0;
	s11 =	simm.s32 $0x13C00;
	[dreg:$0x10] =	wrdreg s21  }
0x11: {  	s12 =	simm.s32 $0x14400;
	s14 =	simm.s32 $0x14C00;
	[dreg:$0x11] =	wrdreg s22  }
0x12: {  	s15 =	simm.s32 $0x18C00;
	[dreg:$0x12] =	wrdreg s23;
	s16 =	simm.s32 $0x1  }
0x13: {  	s25 =	simm.s32 $0x14780;
	s17 =	simm.s32 $0x3;
	s18 =	simm.s32 $0x2  }
0x14: {  	s19 =	simm.s32 $0x4;
	s20 =	simm.s32 $0x14800;
	s21 =	simm.s32 $0x14100  }
0x15: {  	s22 =	simm.s32 $0x14880;
	s23 =	simm.s32 $0x14180;
	s13 =	sshrl.u32 s10, $0x2  }
0x16: {  	s10 =	simm.s32 $0x5;
	[dreg:$0x14] =	wrdreg s25;
	s25 =	simm.s32 $0x14200  }
0x17: {  	s1 =	sadd.s32 s5, s1;
	s24 =	sadd.s32 s8, s7;
	s7 =	sshrl.u32 s0, $0x1  }
0x18: {  	s8 =	simm.s32 $0x13C80;
	s1 =	sshrl.u32 s1, $0x3;
	s5 =	sshrl.u32 s24, $0x3  }
0x19: {  	[dreg:$0x6] =	wrdreg s8;
	s0 =	ssub.s32 s0, s7;
	s24 =	simm.s32 $0x14000  }
0x1a: {  	s8 =	simm.s32 $0x0;
	s1 =	sadd.s32 s1, s6;
	s5 =	sadd.s32 s5, s6  }
0x1b: {  	s6 =	sadd.s32 s13, s3;
	s0 =	smax.u32 s0, $0x1;
	[dreg:$0x13] =	wrdreg s24  }
0x1c: {  	s13 =	simm.s32 $0x80;
	s26 =	sadd.s32 $0x2000, s1;
	[dreg:$0x18] =	wrdreg s0  }
0x1d: {  	s24 =	simm.s32 $0x14900;
	s1 =	sadd.s32 $0xC000, s1;
	[dreg:$0x4] =	wrdreg s26  }
0x1e: {  	s5 =	sadd.s32 $0x16200, s5;
	s0 =	simm.s32 $0x14B00;
	[dreg:$0x5] =	wrdreg s1  }
0x1f: {  	[dreg:$0x17] =	wrdreg s5;
	s26 =	simm.s32 $0x14080;
	s1 =	simm.s32 $0x14380  }
0x20: {  	s5 =	simm.s32 $0x14B80;
	[dreg:$0x15] =	wrdreg s26;
	s26 =	simm.s32 $0x14980  }
.LBB2_1:
0x21: {  	[dreg:$0x19] =	wrdreg s8  }
0x22: {  	s7 =	rddreg [dreg:$0x16]  }
0x23: {  	[tilespmem:s9], [sflag:$0x5] =	stream.linear.gather [hbm4b:s7+s4], $0x400, $0x38;
	[tilespmem:$0x1D000] =	vst v63  }
0x24: {  	_ =	swait.ge [sflag:s10], $0x400  }
0x25: {  	[sflag:s10] =	ssyncset.done $0x0  }
0x26: {  	s8 =	sadd.s32 $0x0, s6;
	[sflag:s10] =	ssyncadd.s32 $0xFFFFFC00  }
0x27: {  	[spmem:s8] =	stream.linear.scatter [tilespmem:s9], [sflag:$0x5], $0x400, $0x38;
	[tilespmem:$0x1D000] =	vst v63  }
0x28: {  	s7 =	simm.s32 $0x1000;
	_ =	swait.ge [sflag:s10], $0x400  }
.LBB2_2:
0x29: {  	s8 =	sshra.s32 s7, $0x2;
	[sflag:s10] =	ssyncset.done $0x0;
	p0 =	sne.s32 s7, $0x4E000  }
.Ltmp0:
0x2a: {  	s8 =	sadd.s32 s8, s6;
	[sflag:s10] =	ssyncadd.s32 $0xFFFFFC00;
	(pc) =	sbr.rel @p0 .LBB2_2-.Ltmp0, $3  }
0x2b: {  	[spmem:s8] =	stream.linear.scatter [tilespmem:s9], [sflag:$0x5], $0x400, $0x38;
	[tilespmem:$0x1D000] =	vst v63  }
0x2c: {  	s7 =	sadd.s32 $0x1000, s7;
	_ =	sdelay $0x1  }
0x2d: {  	_ =	swait.ge [sflag:s10], $0x400  }
0x2e: {  	[sflag:s10] =	ssyncset.done $0x0  }
0x2f: {  	[sflag:s10] =	ssyncadd.s32 $0xFFFFFC00  }
0x30: {  	[bflag:$0x0] =	sbarrier.arrive $0xFFFF  }
0x31: {  	s7 =	rddreg [dreg:$0x5]  }
0x32: {  	s7 =	sadd.s32 $0x0, s7  }
0x33: {  	[tilespmem:s11], [sflag:$0x5] =	stream.linear.gather [hbm4b:s7+s4], $0x800, $0x38;
	[tilespmem:$0x1D000] =	vst v63  }
0x34: {  	_ =	swait.ge [sflag:s10], $0x800  }
0x35: {  	s9 =	rddreg [dreg:$0x4];
	[sflag:s10] =	ssyncset.done $0x0  }
0x36: {  	[sflag:s10] =	ssyncadd.s32 $0xFFFFF800;
	s7 =	sadd.s32 $0x0, s9  }
0x37: {  	[tilespmem:s12], [sflag:$0x5] =	stream.linear.gather [hbm4b:s7+s4], $0x800, $0x38;
	[tilespmem:$0x1D000] =	vst v63  }
0x38: {  	_ =	swait.ge [sflag:s10], $0x800  }
0x39: {  	[sflag:s10] =	ssyncset.done $0x0  }
0x3a: {  	[sflag:s10] =	ssyncadd.s32 $0xFFFFF800  }
0x3b: {  	[tilespmem:s14], [sflag:$0x1] =	stream.indirect.gather [hbm4b:s2+s13], $0x80, s11, s13, $0xb8;
	[tilespmem:$0x1D000] =	vst v63  }
0x3c: {  	s8 =	rddreg [dreg:$0x6]  }
0x3d: {  	[tilespmem:s15], [sflag:$0x2] =	stream.indirect.gather [hbm4b:s2+s13], $0x80, s8, s13, $0xb8;
	[tilespmem:$0x1D000] =	vst v63  }
0x3e: {  	_ =	swait.ge [sflag:s16], $0x4000  }
0x3f: {  	[sflag:s16] =	ssyncset.done $0x0  }
0x40: {  	[sflag:s16] =	ssyncadd.s32 $0xFFFFC000  }
0x41: {  	[spmem:s3] =	stream.indirect.scatter.add.f32 [tilespmem:s14], [sflag:$0x3], $0x80, s12, s13, $0xb8;
	[tilespmem:$0x1D000] =	vst v63  }
0x42: {  	_ =	swait.ge [sflag:s17], $0x4000  }
0x43: {  	[sflag:s17] =	ssyncset.done $0x0  }
0x44: {  	s9 =	rddreg [dreg:$0x7];
	[sflag:s17] =	ssyncadd.s32 $0xFFFFC000  }
0x45: {  	[tilespmem:s14], [sflag:$0x1] =	stream.indirect.gather [hbm4b:s2+s13], $0x80, s9, s13, $0xb8;
	[tilespmem:$0x1D000] =	vst v63  }
0x46: {  	_ =	swait.ge [sflag:s18], $0x4000  }
0x47: {  	[sflag:s18] =	ssyncset.done $0x0  }
0x48: {  	s8 =	rddreg [dreg:$0x8];
	[sflag:s18] =	ssyncadd.s32 $0xFFFFC000  }
0x49: {  	[spmem:s3] =	stream.indirect.scatter.add.f32 [tilespmem:s15], [sflag:$0x4], $0x80, s8, s13, $0xb8;
	[tilespmem:$0x1D000] =	vst v63  }
0x4a: {  	_ =	swait.ge [sflag:s19], $0x4000  }
0x4b: {  	[sflag:s19] =	ssyncset.done $0x0  }
0x4c: {  	s9 =	rddreg [dreg:$0x9];
	[sflag:s19] =	ssyncadd.s32 $0xFFFFC000  }
0x4d: {  	[tilespmem:s15], [sflag:$0x2] =	stream.indirect.gather [hbm4b:s2+s13], $0x80, s9, s13, $0xb8;
	[tilespmem:$0x1D000] =	vst v63  }
0x4e: {  	_ =	swait.ge [sflag:s16], $0x4000  }
0x4f: {  	[sflag:s16] =	ssyncset.done $0x0  }
0x50: {  	s8 =	rddreg [dreg:$0xa];
	[sflag:s16] =	ssyncadd.s32 $0xFFFFC000  }
0x51: {  	[spmem:s3] =	stream.indirect.scatter.add.f32 [tilespmem:s14], [sflag:$0x3], $0x80, s8, s13, $0xb8;
	[tilespmem:$0x1D000] =	vst v63  }
0x52: {  	_ =	swait.ge [sflag:s17], $0x4000  }
0x53: {  	[sflag:s17] =	ssyncset.done $0x0  }
0x54: {  	s9 =	rddreg [dreg:$0xb];
	[sflag:s17] =	ssyncadd.s32 $0xFFFFC000  }
0x55: {  	[tilespmem:s14], [sflag:$0x1] =	stream.indirect.gather [hbm4b:s2+s13], $0x80, s9, s13, $0xb8;
	[tilespmem:$0x1D000] =	vst v63  }
0x56: {  	_ =	swait.ge [sflag:s18], $0x4000  }
0x57: {  	[sflag:s18] =	ssyncset.done $0x0  }
0x58: {  	s8 =	rddreg [dreg:$0xc];
	[sflag:s18] =	ssyncadd.s32 $0xFFFFC000  }
0x59: {  	[spmem:s3] =	stream.indirect.scatter.add.f32 [tilespmem:s15], [sflag:$0x4], $0x80, s8, s13, $0xb8;
	[tilespmem:$0x1D000] =	vst v63  }
0x5a: {  	_ =	swait.ge [sflag:s19], $0x4000  }
0x5b: {  	[sflag:s19] =	ssyncset.done $0x0  }
0x5c: {  	s9 =	rddreg [dreg:$0xd];
	[sflag:s19] =	ssyncadd.s32 $0xFFFFC000  }
0x5d: {  	[tilespmem:s15], [sflag:$0x2] =	stream.indirect.gather [hbm4b:s2+s13], $0x80, s9, s13, $0xb8;
	[tilespmem:$0x1D000] =	vst v63  }
0x5e: {  	_ =	swait.ge [sflag:s16], $0x4000  }
0x5f: {  	[sflag:s16] =	ssyncset.done $0x0  }
0x60: {  	s8 =	rddreg [dreg:$0xe];
	[sflag:s16] =	ssyncadd.s32 $0xFFFFC000  }
0x61: {  	[spmem:s3] =	stream.indirect.scatter.add.f32 [tilespmem:s14], [sflag:$0x3], $0x80, s8, s13, $0xb8;
	[tilespmem:$0x1D000] =	vst v63  }
0x62: {  	_ =	swait.ge [sflag:s17], $0x4000  }
0x63: {  	[sflag:s17] =	ssyncset.done $0x0  }
0x64: {  	s9 =	rddreg [dreg:$0xf];
	[sflag:s17] =	ssyncadd.s32 $0xFFFFC000  }
0x65: {  	[tilespmem:s14], [sflag:$0x1] =	stream.indirect.gather [hbm4b:s2+s13], $0x80, s9, s13, $0xb8;
	[tilespmem:$0x1D000] =	vst v63  }
0x66: {  	_ =	swait.ge [sflag:s18], $0x4000  }
0x67: {  	[sflag:s18] =	ssyncset.done $0x0  }
0x68: {  	s8 =	rddreg [dreg:$0x10];
	[sflag:s18] =	ssyncadd.s32 $0xFFFFC000  }
0x69: {  	[spmem:s3] =	stream.indirect.scatter.add.f32 [tilespmem:s15], [sflag:$0x4], $0x80, s8, s13, $0xb8;
	[tilespmem:$0x1D000] =	vst v63  }
0x6a: {  	_ =	swait.ge [sflag:s19], $0x4000  }
0x6b: {  	[sflag:s19] =	ssyncset.done $0x0  }
0x6c: {  	s9 =	rddreg [dreg:$0x11];
	[sflag:s19] =	ssyncadd.s32 $0xFFFFC000  }
0x6d: {  	[tilespmem:s15], [sflag:$0x2] =	stream.indirect.gather [hbm4b:s2+s13], $0x80, s9, s13, $0xb8;
	[tilespmem:$0x1D000] =	vst v63  }
0x6e: {  	_ =	swait.ge [sflag:s16], $0x4000  }
0x6f: {  	[sflag:s16] =	ssyncset.done $0x0  }
0x70: {  	s8 =	rddreg [dreg:$0x12];
	[sflag:s16] =	ssyncadd.s32 $0xFFFFC000  }
0x71: {  	[spmem:s3] =	stream.indirect.scatter.add.f32 [tilespmem:s14], [sflag:$0x3], $0x80, s8, s13, $0xb8;
	[tilespmem:$0x1D000] =	vst v63  }
0x72: {  	_ =	swait.ge [sflag:s17], $0x4000  }
0x73: {  	[sflag:s17] =	ssyncset.done $0x0  }
0x74: {  	s9 =	rddreg [dreg:$0x13];
	[sflag:s17] =	ssyncadd.s32 $0xFFFFC000  }
0x75: {  	[tilespmem:s14], [sflag:$0x1] =	stream.indirect.gather [hbm4b:s2+s13], $0x80, s9, s13, $0xb8;
	[tilespmem:$0x1D000] =	vst v63  }
0x76: {  	_ =	swait.ge [sflag:s18], $0x4000  }
0x77: {  	[sflag:s18] =	ssyncset.done $0x0  }
0x78: {  	s8 =	rddreg [dreg:$0x14];
	[sflag:s18] =	ssyncadd.s32 $0xFFFFC000  }
0x79: {  	[spmem:s3] =	stream.indirect.scatter.add.f32 [tilespmem:s15], [sflag:$0x4], $0x80, s8, s13, $0xb8;
	[tilespmem:$0x1D000] =	vst v63  }
0x7a: {  	_ =	swait.ge [sflag:s19], $0x4000  }
0x7b: {  	[sflag:s19] =	ssyncset.done $0x0  }
0x7c: {  	s9 =	rddreg [dreg:$0x15];
	[sflag:s19] =	ssyncadd.s32 $0xFFFFC000  }
0x7d: {  	[tilespmem:s15], [sflag:$0x2] =	stream.indirect.gather [hbm4b:s2+s13], $0x80, s9, s13, $0xb8;
	[tilespmem:$0x1D000] =	vst v63  }
0x7e: {  	_ =	swait.ge [sflag:s16], $0x4000  }
0x7f: {  	[sflag:s16] =	ssyncset.done $0x0  }
0x80: {  	[sflag:s16] =	ssyncadd.s32 $0xFFFFC000  }
0x81: {  	[spmem:s3] =	stream.indirect.scatter.add.f32 [tilespmem:s14], [sflag:$0x3], $0x80, s20, s13, $0xb8;
	[tilespmem:$0x1D000] =	vst v63  }
0x82: {  	_ =	swait.ge [sflag:s17], $0x4000  }
0x83: {  	[sflag:s17] =	ssyncset.done $0x0  }
0x84: {  	[sflag:s17] =	ssyncadd.s32 $0xFFFFC000  }
0x85: {  	[tilespmem:s14], [sflag:$0x1] =	stream.indirect.gather [hbm4b:s2+s13], $0x80, s21, s13, $0xb8;
	[tilespmem:$0x1D000] =	vst v63  }
0x86: {  	_ =	swait.ge [sflag:s18], $0x4000  }
0x87: {  	[sflag:s18] =	ssyncset.done $0x0  }
0x88: {  	[sflag:s18] =	ssyncadd.s32 $0xFFFFC000  }
0x89: {  	[spmem:s3] =	stream.indirect.scatter.add.f32 [tilespmem:s15], [sflag:$0x4], $0x80, s22, s13, $0xb8;
	[tilespmem:$0x1D000] =	vst v63  }
0x8a: {  	_ =	swait.ge [sflag:s19], $0x4000  }
0x8b: {  	[sflag:s19] =	ssyncset.done $0x0  }
0x8c: {  	[sflag:s19] =	ssyncadd.s32 $0xFFFFC000  }
0x8d: {  	[tilespmem:s15], [sflag:$0x2] =	stream.indirect.gather [hbm4b:s2+s13], $0x80, s23, s13, $0xb8;
	[tilespmem:$0x1D000] =	vst v63  }
0x8e: {  	_ =	swait.ge [sflag:s16], $0x4000  }
0x8f: {  	[sflag:s16] =	ssyncset.done $0x0  }
0x90: {  	[sflag:s16] =	ssyncadd.s32 $0xFFFFC000  }
0x91: {  	[spmem:s3] =	stream.indirect.scatter.add.f32 [tilespmem:s14], [sflag:$0x3], $0x80, s24, s13, $0xb8;
	[tilespmem:$0x1D000] =	vst v63  }
0x92: {  	_ =	swait.ge [sflag:s17], $0x4000  }
0x93: {  	[sflag:s17] =	ssyncset.done $0x0  }
0x94: {  	[sflag:s17] =	ssyncadd.s32 $0xFFFFC000  }
0x95: {  	[tilespmem:s14], [sflag:$0x1] =	stream.indirect.gather [hbm4b:s2+s13], $0x80, s25, s13, $0xb8;
	[tilespmem:$0x1D000] =	vst v63  }
0x96: {  	_ =	swait.ge [sflag:s18], $0x4000  }
0x97: {  	[sflag:s18] =	ssyncset.done $0x0  }
0x98: {  	[sflag:s18] =	ssyncadd.s32 $0xFFFFC000  }
0x99: {  	[spmem:s3] =	stream.indirect.scatter.add.f32 [tilespmem:s15], [sflag:$0x4], $0x80, s26, s13, $0xb8;
	[tilespmem:$0x1D000] =	vst v63  }
0x9a: {  	_ =	swait.ge [sflag:s19], $0x4000  }
0x9b: {  	[sflag:s19] =	ssyncset.done $0x0  }
0x9c: {  	[sflag:s19] =	ssyncadd.s32 $0xFFFFC000  }
0x9d: {  	[tilespmem:s15], [sflag:$0x2] =	stream.indirect.gather [hbm4b:s2+s13], $0x80, s28, s13, $0xb8;
	[tilespmem:$0x1D000] =	vst v63  }
0x9e: {  	_ =	swait.ge [sflag:s16], $0x4000  }
0x9f: {  	[sflag:s16] =	ssyncset.done $0x0  }
0xa0: {  	[sflag:s16] =	ssyncadd.s32 $0xFFFFC000  }
0xa1: {  	[spmem:s3] =	stream.indirect.scatter.add.f32 [tilespmem:s14], [sflag:$0x3], $0x80, s29, s13, $0xb8;
	[tilespmem:$0x1D000] =	vst v63  }
0xa2: {  	_ =	swait.ge [sflag:s17], $0x4000  }
0xa3: {  	[sflag:s17] =	ssyncset.done $0x0  }
0xa4: {  	[sflag:s17] =	ssyncadd.s32 $0xFFFFC000  }
0xa5: {  	[tilespmem:s14], [sflag:$0x1] =	stream.indirect.gather [hbm4b:s2+s13], $0x80, s30, s13, $0xb8;
	[tilespmem:$0x1D000] =	vst v63  }
0xa6: {  	_ =	swait.ge [sflag:s18], $0x4000  }
0xa7: {  	[sflag:s18] =	ssyncset.done $0x0  }
0xa8: {  	[sflag:s18] =	ssyncadd.s32 $0xFFFFC000  }
0xa9: {  	[spmem:s3] =	stream.indirect.scatter.add.f32 [tilespmem:s15], [sflag:$0x4], $0x80, s31, s13, $0xb8;
	[tilespmem:$0x1D000] =	vst v63  }
0xaa: {  	_ =	swait.ge [sflag:s19], $0x4000  }
0xab: {  	[sflag:s19] =	ssyncset.done $0x0  }
0xac: {  	[sflag:s19] =	ssyncadd.s32 $0xFFFFC000  }
0xad: {  	[tilespmem:s15], [sflag:$0x2] =	stream.indirect.gather [hbm4b:s2+s13], $0x80, s1, s13, $0xb8;
	[tilespmem:$0x1D000] =	vst v63  }
0xae: {  	_ =	swait.ge [sflag:s16], $0x4000  }
0xaf: {  	[sflag:s16] =	ssyncset.done $0x0  }
0xb0: {  	[sflag:s16] =	ssyncadd.s32 $0xFFFFC000  }
0xb1: {  	[spmem:s3] =	stream.indirect.scatter.add.f32 [tilespmem:s14], [sflag:$0x3], $0x80, s0, s13, $0xb8;
	[tilespmem:$0x1D000] =	vst v63  }
0xb2: {  	_ =	swait.ge [sflag:s17], $0x4000  }
0xb3: {  	[sflag:s17] =	ssyncset.done $0x0  }
0xb4: {  	[sflag:s17] =	ssyncadd.s32 $0xFFFFC000  }
0xb5: {  	_ =	swait.ge [sflag:s18], $0x4000  }
0xb6: {  	[sflag:s18] =	ssyncset.done $0x0  }
0xb7: {  	[sflag:s18] =	ssyncadd.s32 $0xFFFFC000  }
0xb8: {  	[spmem:s3] =	stream.indirect.scatter.add.f32 [tilespmem:s15], [sflag:$0x4], $0x80, s5, s13, $0xb8;
	[tilespmem:$0x1D000] =	vst v63  }
0xb9: {  	s7 =	simm.s32 $0x200;
	_ =	swait.ge [sflag:s19], $0x4000  }
0xba: {  	s8 =	simm.s32 $0x100;
	s9 =	rddreg [dreg:$0x5];
	[sflag:s19] =	ssyncset.done $0x0  }
.LBB2_4:
0xbb: {  	[sflag:s19] =	ssyncadd.s32 $0xFFFFC000;
	s9 =	sadd.s32 s8, s9  }
0xbc: {  	[tilespmem:s11], [sflag:$0x5] =	stream.linear.gather [hbm4b:s9+s4], $0x800, $0x38;
	[tilespmem:$0x1D000] =	vst v63  }
0xbd: {  	_ =	swait.ge [sflag:s10], $0x800  }
0xbe: {  	s9 =	rddreg [dreg:$0x4];
	[sflag:s10] =	ssyncset.done $0x0  }
0xbf: {  	[sflag:s10] =	ssyncadd.s32 $0xFFFFF800;
	s9 =	sadd.s32 s8, s9  }
0xc0: {  	[tilespmem:s12], [sflag:$0x5] =	stream.linear.gather [hbm4b:s9+s4], $0x800, $0x38;
	[tilespmem:$0x1D000] =	vst v63  }
0xc1: {  	_ =	swait.ge [sflag:s10], $0x800  }
0xc2: {  	[sflag:s10] =	ssyncset.done $0x0  }
0xc3: {  	[sflag:s10] =	ssyncadd.s32 $0xFFFFF800  }
0xc4: {  	[tilespmem:s14], [sflag:$0x1] =	stream.indirect.gather [hbm4b:s2+s13], $0x80, s11, s13, $0xb8;
	[tilespmem:$0x1D000] =	vst v63  }
0xc5: {  	s9 =	rddreg [dreg:$0x6]  }
0xc6: {  	[tilespmem:s15], [sflag:$0x2] =	stream.indirect.gather [hbm4b:s2+s13], $0x80, s9, s13, $0xb8;
	[tilespmem:$0x1D000] =	vst v63  }
0xc7: {  	_ =	swait.ge [sflag:s16], $0x4000  }
0xc8: {  	[sflag:s16] =	ssyncset.done $0x0  }
0xc9: {  	[sflag:s16] =	ssyncadd.s32 $0xFFFFC000  }
0xca: {  	[spmem:s3] =	stream.indirect.scatter.add.f32 [tilespmem:s14], [sflag:$0x3], $0x80, s12, s13, $0xb8;
	[tilespmem:$0x1D000] =	vst v63  }
0xcb: {  	_ =	swait.ge [sflag:s17], $0x4000  }
0xcc: {  	[sflag:s17] =	ssyncset.done $0x0  }
0xcd: {  	s9 =	rddreg [dreg:$0x7];
	[sflag:s17] =	ssyncadd.s32 $0xFFFFC000  }
0xce: {  	[tilespmem:s14], [sflag:$0x1] =	stream.indirect.gather [hbm4b:s2+s13], $0x80, s9, s13, $0xb8;
	[tilespmem:$0x1D000] =	vst v63  }
0xcf: {  	_ =	swait.ge [sflag:s18], $0x4000  }
0xd0: {  	[sflag:s18] =	ssyncset.done $0x0  }
0xd1: {  	s9 =	rddreg [dreg:$0x8];
	[sflag:s18] =	ssyncadd.s32 $0xFFFFC000  }
0xd2: {  	[spmem:s3] =	stream.indirect.scatter.add.f32 [tilespmem:s15], [sflag:$0x4], $0x80, s9, s13, $0xb8;
	[tilespmem:$0x1D000] =	vst v63  }
0xd3: {  	_ =	swait.ge [sflag:s19], $0x4000  }
0xd4: {  	[sflag:s19] =	ssyncset.done $0x0  }
0xd5: {  	s9 =	rddreg [dreg:$0x9];
	[sflag:s19] =	ssyncadd.s32 $0xFFFFC000  }
0xd6: {  	[tilespmem:s15], [sflag:$0x2] =	stream.indirect.gather [hbm4b:s2+s13], $0x80, s9, s13, $0xb8;
	[tilespmem:$0x1D000] =	vst v63  }
0xd7: {  	_ =	swait.ge [sflag:s16], $0x4000  }
0xd8: {  	[sflag:s16] =	ssyncset.done $0x0  }
0xd9: {  	s9 =	rddreg [dreg:$0xa];
	[sflag:s16] =	ssyncadd.s32 $0xFFFFC000  }
0xda: {  	[spmem:s3] =	stream.indirect.scatter.add.f32 [tilespmem:s14], [sflag:$0x3], $0x80, s9, s13, $0xb8;
	[tilespmem:$0x1D000] =	vst v63  }
0xdb: {  	_ =	swait.ge [sflag:s17], $0x4000  }
0xdc: {  	[sflag:s17] =	ssyncset.done $0x0  }
0xdd: {  	s9 =	rddreg [dreg:$0xb];
	[sflag:s17] =	ssyncadd.s32 $0xFFFFC000  }
0xde: {  	[tilespmem:s14], [sflag:$0x1] =	stream.indirect.gather [hbm4b:s2+s13], $0x80, s9, s13, $0xb8;
	[tilespmem:$0x1D000] =	vst v63  }
0xdf: {  	_ =	swait.ge [sflag:s18], $0x4000  }
0xe0: {  	[sflag:s18] =	ssyncset.done $0x0  }
0xe1: {  	s9 =	rddreg [dreg:$0xc];
	[sflag:s18] =	ssyncadd.s32 $0xFFFFC000  }
0xe2: {  	[spmem:s3] =	stream.indirect.scatter.add.f32 [tilespmem:s15], [sflag:$0x4], $0x80, s9, s13, $0xb8;
	[tilespmem:$0x1D000] =	vst v63  }
0xe3: {  	_ =	swait.ge [sflag:s19], $0x4000  }
0xe4: {  	[sflag:s19] =	ssyncset.done $0x0  }
0xe5: {  	s9 =	rddreg [dreg:$0xd];
	[sflag:s19] =	ssyncadd.s32 $0xFFFFC000  }
0xe6: {  	[tilespmem:s15], [sflag:$0x2] =	stream.indirect.gather [hbm4b:s2+s13], $0x80, s9, s13, $0xb8;
	[tilespmem:$0x1D000] =	vst v63  }
0xe7: {  	_ =	swait.ge [sflag:s16], $0x4000  }
0xe8: {  	[sflag:s16] =	ssyncset.done $0x0  }
0xe9: {  	s9 =	rddreg [dreg:$0xe];
	[sflag:s16] =	ssyncadd.s32 $0xFFFFC000  }
0xea: {  	[spmem:s3] =	stream.indirect.scatter.add.f32 [tilespmem:s14], [sflag:$0x3], $0x80, s9, s13, $0xb8;
	[tilespmem:$0x1D000] =	vst v63  }
0xeb: {  	_ =	swait.ge [sflag:s17], $0x4000  }
0xec: {  	[sflag:s17] =	ssyncset.done $0x0  }
0xed: {  	s9 =	rddreg [dreg:$0xf];
	[sflag:s17] =	ssyncadd.s32 $0xFFFFC000  }
0xee: {  	[tilespmem:s14], [sflag:$0x1] =	stream.indirect.gather [hbm4b:s2+s13], $0x80, s9, s13, $0xb8;
	[tilespmem:$0x1D000] =	vst v63  }
0xef: {  	_ =	swait.ge [sflag:s18], $0x4000  }
0xf0: {  	[sflag:s18] =	ssyncset.done $0x0  }
0xf1: {  	s9 =	rddreg [dreg:$0x10];
	[sflag:s18] =	ssyncadd.s32 $0xFFFFC000  }
0xf2: {  	[spmem:s3] =	stream.indirect.scatter.add.f32 [tilespmem:s15], [sflag:$0x4], $0x80, s9, s13, $0xb8;
	[tilespmem:$0x1D000] =	vst v63  }
0xf3: {  	_ =	swait.ge [sflag:s19], $0x4000  }
0xf4: {  	[sflag:s19] =	ssyncset.done $0x0  }
0xf5: {  	s9 =	rddreg [dreg:$0x11];
	[sflag:s19] =	ssyncadd.s32 $0xFFFFC000  }
0xf6: {  	[tilespmem:s15], [sflag:$0x2] =	stream.indirect.gather [hbm4b:s2+s13], $0x80, s9, s13, $0xb8;
	[tilespmem:$0x1D000] =	vst v63  }
0xf7: {  	_ =	swait.ge [sflag:s16], $0x4000  }
0xf8: {  	[sflag:s16] =	ssyncset.done $0x0  }
0xf9: {  	s9 =	rddreg [dreg:$0x12];
	[sflag:s16] =	ssyncadd.s32 $0xFFFFC000  }
0xfa: {  	[spmem:s3] =	stream.indirect.scatter.add.f32 [tilespmem:s14], [sflag:$0x3], $0x80, s9, s13, $0xb8;
	[tilespmem:$0x1D000] =	vst v63  }
0xfb: {  	_ =	swait.ge [sflag:s17], $0x4000  }
0xfc: {  	[sflag:s17] =	ssyncset.done $0x0  }
0xfd: {  	s9 =	rddreg [dreg:$0x13];
	[sflag:s17] =	ssyncadd.s32 $0xFFFFC000  }
0xfe: {  	[tilespmem:s14], [sflag:$0x1] =	stream.indirect.gather [hbm4b:s2+s13], $0x80, s9, s13, $0xb8;
	[tilespmem:$0x1D000] =	vst v63  }
0xff: {  	_ =	swait.ge [sflag:s18], $0x4000  }
0x100: {  	[sflag:s18] =	ssyncset.done $0x0  }
0x101: {  	s9 =	rddreg [dreg:$0x14];
	[sflag:s18] =	ssyncadd.s32 $0xFFFFC000  }
0x102: {  	[spmem:s3] =	stream.indirect.scatter.add.f32 [tilespmem:s15], [sflag:$0x4], $0x80, s9, s13, $0xb8;
	[tilespmem:$0x1D000] =	vst v63  }
0x103: {  	_ =	swait.ge [sflag:s19], $0x4000  }
0x104: {  	[sflag:s19] =	ssyncset.done $0x0  }
0x105: {  	s9 =	rddreg [dreg:$0x15];
	[sflag:s19] =	ssyncadd.s32 $0xFFFFC000  }
0x106: {  	[tilespmem:s15], [sflag:$0x2] =	stream.indirect.gather [hbm4b:s2+s13], $0x80, s9, s13, $0xb8;
	[tilespmem:$0x1D000] =	vst v63  }
0x107: {  	_ =	swait.ge [sflag:s16], $0x4000  }
0x108: {  	s20 =	smov.u32 s7;
	[sflag:s16] =	ssyncset.done $0x0  }
0x109: {  	s8 =	smov.u32 s20;
	s20 =	simm.s32 $0x14800;
	[sflag:s16] =	ssyncadd.s32 $0xFFFFC000  }
0x10a: {  	[spmem:s3] =	stream.indirect.scatter.add.f32 [tilespmem:s14], [sflag:$0x3], $0x80, s20, s13, $0xb8;
	[tilespmem:$0x1D000] =	vst v63  }
0x10b: {  	_ =	swait.ge [sflag:s17], $0x4000  }
0x10c: {  	[sflag:s17] =	ssyncset.done $0x0  }
0x10d: {  	[sflag:s17] =	ssyncadd.s32 $0xFFFFC000  }
0x10e: {  	[tilespmem:s14], [sflag:$0x1] =	stream.indirect.gather [hbm4b:s2+s13], $0x80, s21, s13, $0xb8;
	[tilespmem:$0x1D000] =	vst v63  }
0x10f: {  	_ =	swait.ge [sflag:s18], $0x4000  }
0x110: {  	[sflag:s18] =	ssyncset.done $0x0  }
0x111: {  	[sflag:s18] =	ssyncadd.s32 $0xFFFFC000  }
0x112: {  	[spmem:s3] =	stream.indirect.scatter.add.f32 [tilespmem:s15], [sflag:$0x4], $0x80, s22, s13, $0xb8;
	[tilespmem:$0x1D000] =	vst v63  }
0x113: {  	_ =	swait.ge [sflag:s19], $0x4000  }
0x114: {  	[sflag:s19] =	ssyncset.done $0x0  }
0x115: {  	[sflag:s19] =	ssyncadd.s32 $0xFFFFC000  }
0x116: {  	[tilespmem:s15], [sflag:$0x2] =	stream.indirect.gather [hbm4b:s2+s13], $0x80, s23, s13, $0xb8;
	[tilespmem:$0x1D000] =	vst v63  }
0x117: {  	_ =	swait.ge [sflag:s16], $0x4000  }
0x118: {  	[sflag:s16] =	ssyncset.done $0x0  }
0x119: {  	[sflag:s16] =	ssyncadd.s32 $0xFFFFC000  }
0x11a: {  	[spmem:s3] =	stream.indirect.scatter.add.f32 [tilespmem:s14], [sflag:$0x3], $0x80, s24, s13, $0xb8;
	[tilespmem:$0x1D000] =	vst v63  }
0x11b: {  	_ =	swait.ge [sflag:s17], $0x4000  }
0x11c: {  	[sflag:s17] =	ssyncset.done $0x0  }
0x11d: {  	[sflag:s17] =	ssyncadd.s32 $0xFFFFC000  }
0x11e: {  	[tilespmem:s14], [sflag:$0x1] =	stream.indirect.gather [hbm4b:s2+s13], $0x80, s25, s13, $0xb8;
	[tilespmem:$0x1D000] =	vst v63  }
0x11f: {  	_ =	swait.ge [sflag:s18], $0x4000  }
0x120: {  	[sflag:s18] =	ssyncset.done $0x0  }
0x121: {  	[sflag:s18] =	ssyncadd.s32 $0xFFFFC000  }
0x122: {  	[spmem:s3] =	stream.indirect.scatter.add.f32 [tilespmem:s15], [sflag:$0x4], $0x80, s26, s13, $0xb8;
	[tilespmem:$0x1D000] =	vst v63  }
0x123: {  	_ =	swait.ge [sflag:s19], $0x4000  }
0x124: {  	[sflag:s19] =	ssyncset.done $0x0  }
0x125: {  	[sflag:s19] =	ssyncadd.s32 $0xFFFFC000  }
0x126: {  	[tilespmem:s15], [sflag:$0x2] =	stream.indirect.gather [hbm4b:s2+s13], $0x80, s28, s13, $0xb8;
	[tilespmem:$0x1D000] =	vst v63  }
0x127: {  	_ =	swait.ge [sflag:s16], $0x4000  }
0x128: {  	[sflag:s16] =	ssyncset.done $0x0  }
0x129: {  	[sflag:s16] =	ssyncadd.s32 $0xFFFFC000  }
0x12a: {  	[spmem:s3] =	stream.indirect.scatter.add.f32 [tilespmem:s14], [sflag:$0x3], $0x80, s29, s13, $0xb8;
	[tilespmem:$0x1D000] =	vst v63  }
0x12b: {  	_ =	swait.ge [sflag:s17], $0x4000  }
0x12c: {  	[sflag:s17] =	ssyncset.done $0x0  }
0x12d: {  	[sflag:s17] =	ssyncadd.s32 $0xFFFFC000  }
0x12e: {  	[tilespmem:s14], [sflag:$0x1] =	stream.indirect.gather [hbm4b:s2+s13], $0x80, s30, s13, $0xb8;
	[tilespmem:$0x1D000] =	vst v63  }
0x12f: {  	_ =	swait.ge [sflag:s18], $0x4000  }
0x130: {  	[sflag:s18] =	ssyncset.done $0x0  }
0x131: {  	[sflag:s18] =	ssyncadd.s32 $0xFFFFC000  }
0x132: {  	[spmem:s3] =	stream.indirect.scatter.add.f32 [tilespmem:s15], [sflag:$0x4], $0x80, s31, s13, $0xb8;
	[tilespmem:$0x1D000] =	vst v63  }
0x133: {  	_ =	swait.ge [sflag:s19], $0x4000  }
0x134: {  	[sflag:s19] =	ssyncset.done $0x0  }
0x135: {  	[sflag:s19] =	ssyncadd.s32 $0xFFFFC000  }
0x136: {  	[tilespmem:s15], [sflag:$0x2] =	stream.indirect.gather [hbm4b:s2+s13], $0x80, s1, s13, $0xb8;
	[tilespmem:$0x1D000] =	vst v63  }
0x137: {  	_ =	swait.ge [sflag:s16], $0x4000  }
0x138: {  	[sflag:s16] =	ssyncset.done $0x0  }
0x139: {  	[sflag:s16] =	ssyncadd.s32 $0xFFFFC000  }
0x13a: {  	[spmem:s3] =	stream.indirect.scatter.add.f32 [tilespmem:s14], [sflag:$0x3], $0x80, s0, s13, $0xb8;
	[tilespmem:$0x1D000] =	vst v63  }
0x13b: {  	_ =	swait.ge [sflag:s17], $0x4000  }
0x13c: {  	[sflag:s17] =	ssyncset.done $0x0  }
0x13d: {  	[sflag:s17] =	ssyncadd.s32 $0xFFFFC000  }
0x13e: {  	p0 =	sne.s32 s7, $0x400;
	_ =	swait.ge [sflag:s18], $0x4000  }
.Ltmp1:
0x13f: {  	[sflag:s18] =	ssyncset.done $0x0;
	(pc) =	sbr.rel @p0 .LBB2_4-.Ltmp1, $4  }
0x140: {  	[sflag:s18] =	ssyncadd.s32 $0xFFFFC000  }
0x141: {  	[spmem:s3] =	stream.indirect.scatter.add.f32 [tilespmem:s15], [sflag:$0x4], $0x80, s5, s13, $0xb8;
	[tilespmem:$0x1D000] =	vst v63  }
0x142: {  	_ =	swait.ge [sflag:s19], $0x4000  }
0x143: {  	s7 =	sadd.s32 $0x100, s7;
	s9 =	rddreg [dreg:$0x5];
	[sflag:s19] =	ssyncset.done $0x0  }
0x144: {  	[sflag:s19] =	ssyncadd.s32 $0xFFFFC000;
	s7 =	sadd.s32 s8, s9  }
0x145: {  	[tilespmem:s11], [sflag:$0x5] =	stream.linear.gather [hbm4b:s7+s4], $0x800, $0x38;
	[tilespmem:$0x1D000] =	vst v63  }
0x146: {  	_ =	swait.ge [sflag:s10], $0x800  }
0x147: {  	s9 =	rddreg [dreg:$0x4];
	[sflag:s10] =	ssyncset.done $0x0  }
0x148: {  	[sflag:s10] =	ssyncadd.s32 $0xFFFFF800;
	s7 =	sadd.s32 s8, s9  }
0x149: {  	[tilespmem:s12], [sflag:$0x5] =	stream.linear.gather [hbm4b:s7+s4], $0x800, $0x38;
	[tilespmem:$0x1D000] =	vst v63  }
0x14a: {  	_ =	swait.ge [sflag:s10], $0x800  }
0x14b: {  	[sflag:s10] =	ssyncset.done $0x0  }
0x14c: {  	[sflag:s10] =	ssyncadd.s32 $0xFFFFF800  }
0x14d: {  	[tilespmem:s14], [sflag:$0x1] =	stream.indirect.gather [hbm4b:s2+s13], $0x80, s11, s13, $0xb8;
	[tilespmem:$0x1D000] =	vst v63  }
0x14e: {  	s9 =	rddreg [dreg:$0x6]  }
0x14f: {  	[tilespmem:s15], [sflag:$0x2] =	stream.indirect.gather [hbm4b:s2+s13], $0x80, s9, s13, $0xb8;
	[tilespmem:$0x1D000] =	vst v63  }
0x150: {  	_ =	swait.ge [sflag:s16], $0x4000  }
0x151: {  	[sflag:s16] =	ssyncset.done $0x0  }
0x152: {  	[sflag:s16] =	ssyncadd.s32 $0xFFFFC000  }
0x153: {  	[spmem:s3] =	stream.indirect.scatter.add.f32 [tilespmem:s14], [sflag:$0x3], $0x80, s12, s13, $0xb8;
	[tilespmem:$0x1D000] =	vst v63  }
0x154: {  	_ =	swait.ge [sflag:s17], $0x4000  }
0x155: {  	[sflag:s17] =	ssyncset.done $0x0  }
0x156: {  	s8 =	rddreg [dreg:$0x7];
	[sflag:s17] =	ssyncadd.s32 $0xFFFFC000  }
0x157: {  	[tilespmem:s14], [sflag:$0x1] =	stream.indirect.gather [hbm4b:s2+s13], $0x80, s8, s13, $0xb8;
	[tilespmem:$0x1D000] =	vst v63  }
0x158: {  	_ =	swait.ge [sflag:s18], $0x4000  }
0x159: {  	[sflag:s18] =	ssyncset.done $0x0  }
0x15a: {  	s9 =	rddreg [dreg:$0x8];
	[sflag:s18] =	ssyncadd.s32 $0xFFFFC000  }
0x15b: {  	[spmem:s3] =	stream.indirect.scatter.add.f32 [tilespmem:s15], [sflag:$0x4], $0x80, s9, s13, $0xb8;
	[tilespmem:$0x1D000] =	vst v63  }
0x15c: {  	_ =	swait.ge [sflag:s19], $0x4000  }
0x15d: {  	[sflag:s19] =	ssyncset.done $0x0  }
0x15e: {  	s8 =	rddreg [dreg:$0x9];
	[sflag:s19] =	ssyncadd.s32 $0xFFFFC000  }
0x15f: {  	[tilespmem:s15], [sflag:$0x2] =	stream.indirect.gather [hbm4b:s2+s13], $0x80, s8, s13, $0xb8;
	[tilespmem:$0x1D000] =	vst v63  }
0x160: {  	_ =	swait.ge [sflag:s16], $0x4000  }
0x161: {  	[sflag:s16] =	ssyncset.done $0x0  }
0x162: {  	s9 =	rddreg [dreg:$0xa];
	[sflag:s16] =	ssyncadd.s32 $0xFFFFC000  }
0x163: {  	[spmem:s3] =	stream.indirect.scatter.add.f32 [tilespmem:s14], [sflag:$0x3], $0x80, s9, s13, $0xb8;
	[tilespmem:$0x1D000] =	vst v63  }
0x164: {  	_ =	swait.ge [sflag:s17], $0x4000  }
0x165: {  	[sflag:s17] =	ssyncset.done $0x0  }
0x166: {  	s8 =	rddreg [dreg:$0xb];
	[sflag:s17] =	ssyncadd.s32 $0xFFFFC000  }
0x167: {  	[tilespmem:s14], [sflag:$0x1] =	stream.indirect.gather [hbm4b:s2+s13], $0x80, s8, s13, $0xb8;
	[tilespmem:$0x1D000] =	vst v63  }
0x168: {  	_ =	swait.ge [sflag:s18], $0x4000  }
0x169: {  	[sflag:s18] =	ssyncset.done $0x0  }
0x16a: {  	s9 =	rddreg [dreg:$0xc];
	[sflag:s18] =	ssyncadd.s32 $0xFFFFC000  }
0x16b: {  	[spmem:s3] =	stream.indirect.scatter.add.f32 [tilespmem:s15], [sflag:$0x4], $0x80, s9, s13, $0xb8;
	[tilespmem:$0x1D000] =	vst v63  }
0x16c: {  	_ =	swait.ge [sflag:s19], $0x4000  }
0x16d: {  	[sflag:s19] =	ssyncset.done $0x0  }
0x16e: {  	s8 =	rddreg [dreg:$0xd];
	[sflag:s19] =	ssyncadd.s32 $0xFFFFC000  }
0x16f: {  	[tilespmem:s15], [sflag:$0x2] =	stream.indirect.gather [hbm4b:s2+s13], $0x80, s8, s13, $0xb8;
	[tilespmem:$0x1D000] =	vst v63  }
0x170: {  	_ =	swait.ge [sflag:s16], $0x4000  }
0x171: {  	[sflag:s16] =	ssyncset.done $0x0  }
0x172: {  	s9 =	rddreg [dreg:$0xe];
	[sflag:s16] =	ssyncadd.s32 $0xFFFFC000  }
0x173: {  	[spmem:s3] =	stream.indirect.scatter.add.f32 [tilespmem:s14], [sflag:$0x3], $0x80, s9, s13, $0xb8;
	[tilespmem:$0x1D000] =	vst v63  }
0x174: {  	_ =	swait.ge [sflag:s17], $0x4000  }
0x175: {  	[sflag:s17] =	ssyncset.done $0x0  }
0x176: {  	s8 =	rddreg [dreg:$0xf];
	[sflag:s17] =	ssyncadd.s32 $0xFFFFC000  }
0x177: {  	[tilespmem:s14], [sflag:$0x1] =	stream.indirect.gather [hbm4b:s2+s13], $0x80, s8, s13, $0xb8;
	[tilespmem:$0x1D000] =	vst v63  }
0x178: {  	_ =	swait.ge [sflag:s18], $0x4000  }
0x179: {  	[sflag:s18] =	ssyncset.done $0x0  }
0x17a: {  	s9 =	rddreg [dreg:$0x10];
	[sflag:s18] =	ssyncadd.s32 $0xFFFFC000  }
0x17b: {  	[spmem:s3] =	stream.indirect.scatter.add.f32 [tilespmem:s15], [sflag:$0x4], $0x80, s9, s13, $0xb8;
	[tilespmem:$0x1D000] =	vst v63  }
0x17c: {  	_ =	swait.ge [sflag:s19], $0x4000  }
0x17d: {  	[sflag:s19] =	ssyncset.done $0x0  }
0x17e: {  	s8 =	rddreg [dreg:$0x11];
	[sflag:s19] =	ssyncadd.s32 $0xFFFFC000  }
0x17f: {  	[tilespmem:s15], [sflag:$0x2] =	stream.indirect.gather [hbm4b:s2+s13], $0x80, s8, s13, $0xb8;
	[tilespmem:$0x1D000] =	vst v63  }
0x180: {  	_ =	swait.ge [sflag:s16], $0x4000  }
0x181: {  	[sflag:s16] =	ssyncset.done $0x0  }
0x182: {  	s9 =	rddreg [dreg:$0x12];
	[sflag:s16] =	ssyncadd.s32 $0xFFFFC000  }
0x183: {  	[spmem:s3] =	stream.indirect.scatter.add.f32 [tilespmem:s14], [sflag:$0x3], $0x80, s9, s13, $0xb8;
	[tilespmem:$0x1D000] =	vst v63  }
0x184: {  	_ =	swait.ge [sflag:s17], $0x4000  }
0x185: {  	[sflag:s17] =	ssyncset.done $0x0  }
0x186: {  	s8 =	rddreg [dreg:$0x13];
	[sflag:s17] =	ssyncadd.s32 $0xFFFFC000  }
0x187: {  	[tilespmem:s14], [sflag:$0x1] =	stream.indirect.gather [hbm4b:s2+s13], $0x80, s8, s13, $0xb8;
	[tilespmem:$0x1D000] =	vst v63  }
0x188: {  	_ =	swait.ge [sflag:s18], $0x4000  }
0x189: {  	[sflag:s18] =	ssyncset.done $0x0  }
0x18a: {  	s9 =	rddreg [dreg:$0x14];
	[sflag:s18] =	ssyncadd.s32 $0xFFFFC000  }
0x18b: {  	[spmem:s3] =	stream.indirect.scatter.add.f32 [tilespmem:s15], [sflag:$0x4], $0x80, s9, s13, $0xb8;
	[tilespmem:$0x1D000] =	vst v63  }
0x18c: {  	_ =	swait.ge [sflag:s19], $0x4000  }
0x18d: {  	[sflag:s19] =	ssyncset.done $0x0  }
0x18e: {  	s8 =	rddreg [dreg:$0x15];
	[sflag:s19] =	ssyncadd.s32 $0xFFFFC000  }
0x18f: {  	[tilespmem:s15], [sflag:$0x2] =	stream.indirect.gather [hbm4b:s2+s13], $0x80, s8, s13, $0xb8;
	[tilespmem:$0x1D000] =	vst v63  }
0x190: {  	_ =	swait.ge [sflag:s16], $0x4000  }
0x191: {  	[sflag:s16] =	ssyncset.done $0x0  }
0x192: {  	[sflag:s16] =	ssyncadd.s32 $0xFFFFC000  }
0x193: {  	[spmem:s3] =	stream.indirect.scatter.add.f32 [tilespmem:s14], [sflag:$0x3], $0x80, s20, s13, $0xb8;
	[tilespmem:$0x1D000] =	vst v63  }
0x194: {  	_ =	swait.ge [sflag:s17], $0x4000  }
0x195: {  	[sflag:s17] =	ssyncset.done $0x0  }
0x196: {  	[sflag:s17] =	ssyncadd.s32 $0xFFFFC000  }
0x197: {  	[tilespmem:s14], [sflag:$0x1] =	stream.indirect.gather [hbm4b:s2+s13], $0x80, s21, s13, $0xb8;
	[tilespmem:$0x1D000] =	vst v63  }
0x198: {  	_ =	swait.ge [sflag:s18], $0x4000  }
0x199: {  	[sflag:s18] =	ssyncset.done $0x0  }
0x19a: {  	[sflag:s18] =	ssyncadd.s32 $0xFFFFC000  }
0x19b: {  	[spmem:s3] =	stream.indirect.scatter.add.f32 [tilespmem:s15], [sflag:$0x4], $0x80, s22, s13, $0xb8;
	[tilespmem:$0x1D000] =	vst v63  }
0x19c: {  	_ =	swait.ge [sflag:s19], $0x4000  }
0x19d: {  	[sflag:s19] =	ssyncset.done $0x0  }
0x19e: {  	[sflag:s19] =	ssyncadd.s32 $0xFFFFC000  }
0x19f: {  	[tilespmem:s15], [sflag:$0x2] =	stream.indirect.gather [hbm4b:s2+s13], $0x80, s23, s13, $0xb8;
	[tilespmem:$0x1D000] =	vst v63  }
0x1a0: {  	_ =	swait.ge [sflag:s16], $0x4000  }
0x1a1: {  	[sflag:s16] =	ssyncset.done $0x0  }
0x1a2: {  	[sflag:s16] =	ssyncadd.s32 $0xFFFFC000  }
0x1a3: {  	[spmem:s3] =	stream.indirect.scatter.add.f32 [tilespmem:s14], [sflag:$0x3], $0x80, s24, s13, $0xb8;
	[tilespmem:$0x1D000] =	vst v63  }
0x1a4: {  	_ =	swait.ge [sflag:s17], $0x4000  }
0x1a5: {  	[sflag:s17] =	ssyncset.done $0x0  }
0x1a6: {  	[sflag:s17] =	ssyncadd.s32 $0xFFFFC000  }
0x1a7: {  	[tilespmem:s14], [sflag:$0x1] =	stream.indirect.gather [hbm4b:s2+s13], $0x80, s25, s13, $0xb8;
	[tilespmem:$0x1D000] =	vst v63  }
0x1a8: {  	_ =	swait.ge [sflag:s18], $0x4000  }
0x1a9: {  	[sflag:s18] =	ssyncset.done $0x0  }
0x1aa: {  	[sflag:s18] =	ssyncadd.s32 $0xFFFFC000  }
0x1ab: {  	[spmem:s3] =	stream.indirect.scatter.add.f32 [tilespmem:s15], [sflag:$0x4], $0x80, s26, s13, $0xb8;
	[tilespmem:$0x1D000] =	vst v63  }
0x1ac: {  	_ =	swait.ge [sflag:s19], $0x4000  }
0x1ad: {  	[sflag:s19] =	ssyncset.done $0x0  }
0x1ae: {  	[sflag:s19] =	ssyncadd.s32 $0xFFFFC000  }
0x1af: {  	[tilespmem:s15], [sflag:$0x2] =	stream.indirect.gather [hbm4b:s2+s13], $0x80, s28, s13, $0xb8;
	[tilespmem:$0x1D000] =	vst v63  }
0x1b0: {  	_ =	swait.ge [sflag:s16], $0x4000  }
0x1b1: {  	[sflag:s16] =	ssyncset.done $0x0  }
0x1b2: {  	[sflag:s16] =	ssyncadd.s32 $0xFFFFC000  }
0x1b3: {  	[spmem:s3] =	stream.indirect.scatter.add.f32 [tilespmem:s14], [sflag:$0x3], $0x80, s29, s13, $0xb8;
	[tilespmem:$0x1D000] =	vst v63  }
0x1b4: {  	_ =	swait.ge [sflag:s17], $0x4000  }
0x1b5: {  	[sflag:s17] =	ssyncset.done $0x0  }
0x1b6: {  	[sflag:s17] =	ssyncadd.s32 $0xFFFFC000  }
0x1b7: {  	[tilespmem:s14], [sflag:$0x1] =	stream.indirect.gather [hbm4b:s2+s13], $0x80, s30, s13, $0xb8;
	[tilespmem:$0x1D000] =	vst v63  }
0x1b8: {  	_ =	swait.ge [sflag:s18], $0x4000  }
0x1b9: {  	[sflag:s18] =	ssyncset.done $0x0  }
0x1ba: {  	[sflag:s18] =	ssyncadd.s32 $0xFFFFC000  }
0x1bb: {  	[spmem:s3] =	stream.indirect.scatter.add.f32 [tilespmem:s15], [sflag:$0x4], $0x80, s31, s13, $0xb8;
	[tilespmem:$0x1D000] =	vst v63  }
0x1bc: {  	_ =	swait.ge [sflag:s19], $0x4000  }
0x1bd: {  	[sflag:s19] =	ssyncset.done $0x0  }
0x1be: {  	[sflag:s19] =	ssyncadd.s32 $0xFFFFC000  }
0x1bf: {  	[tilespmem:s15], [sflag:$0x2] =	stream.indirect.gather [hbm4b:s2+s13], $0x80, s1, s13, $0xb8;
	[tilespmem:$0x1D000] =	vst v63  }
0x1c0: {  	_ =	swait.ge [sflag:s16], $0x4000  }
0x1c1: {  	[sflag:s16] =	ssyncset.done $0x0  }
0x1c2: {  	[sflag:s16] =	ssyncadd.s32 $0xFFFFC000  }
0x1c3: {  	[spmem:s3] =	stream.indirect.scatter.add.f32 [tilespmem:s14], [sflag:$0x3], $0x80, s0, s13, $0xb8;
	[tilespmem:$0x1D000] =	vst v63  }
0x1c4: {  	_ =	swait.ge [sflag:s17], $0x4000  }
0x1c5: {  	[sflag:s17] =	ssyncset.done $0x0  }
0x1c6: {  	[sflag:s17] =	ssyncadd.s32 $0xFFFFC000  }
0x1c7: {  	_ =	swait.ge [sflag:s18], $0x4000  }
0x1c8: {  	[sflag:s18] =	ssyncset.done $0x0  }
0x1c9: {  	[sflag:s18] =	ssyncadd.s32 $0xFFFFC000  }
0x1ca: {  	[spmem:s3] =	stream.indirect.scatter.add.f32 [tilespmem:s15], [sflag:$0x4], $0x80, s5, s13, $0xb8;
	[tilespmem:$0x1D000] =	vst v63  }
0x1cb: {  	_ =	swait.ge [sflag:s19], $0x4000  }
0x1cc: {  	[sflag:s19] =	ssyncset.done $0x0  }
0x1cd: {  	s9 =	stileid.u32;
	[sflag:s19] =	ssyncadd.s32 $0xFFFFC000  }
0x1ce: {  	s7 =	sshll.u32 s9, $0x6;
	[bflag:$0x0] =	sbarrier.arrive $0xFFFF  }
0x1cf: {  	s7 =	sor.u32 $0x1C05, s7;
	s8 =	sshrl.u32 s6, $0x3;
	s9 =	rddreg [dreg:$0x17]  }
0x1d0: {  	[hbm:s9], [sflag:s7] =	dma.local [spmem:s8], $0x2780  }
0x1d1: {  	_ =	swait.ge [sflag:s10], $0x2780  }
0x1d2: {  	s7 =	rddreg [dreg:$0x19]  }
0x1d3: {  	s9 =	rddreg [dreg:$0x18];
	s8 =	sadd.s32 $0x1, s7  }
0x1d4: {  	p0 =	sne.s32 s8, s9  }
.Ltmp2:
0x1d5: {  	_ = 	snop;
	(pc) =	sbr.rel @p0 .LBB2_1-.Ltmp2, $3  }
0x1d6: {  	_ =	sdelay $0x1  }
0x1d7: {  	[sflag:s10] =	ssyncset.done $0x0  }
0x1d8: {  	[sflag:s10] =	ssyncadd.s32 $0xFFFFD880;
	s9 =	simm.s32 $0x1CC00  }
0x1d9: {  	_ =	sfence.sel $0x180000  }
0x1da: {  	[bflag:$0x0] =	sbarrier.arrive $0xFFFF  }
0x1db: {  	_ =	strace $0x90000047  }
0x1dc: {  	s0 =	stileid.u32;
	[bflag:$0x2] =	sbarrier.arrive $0xFFFF  }
0x1dd: {  	p0 =	sne.s32 s0, $0x0;
	s0 =	rddreg [dreg:$0x3]  }
0x1de: {  	s0 =	sadd.s32 @!p0 $0x100000, s0  }
0x1df: {  	[sflag:s0] =	ssyncadd.tile.s32 @!p0 $0x1;
	_ =	shalt  }
.Lfunc_end2:
_tile_overlayer_lowered:
.L_overlay_start_2:
0x1e0: {  	(tag) =	ssettag $0x2  }
0x1e1: {  	s0 =	rddreg [dreg:$0x0];
	s2 =	stileid.u32  }
0x1e2: {  	s1 =	rddreg [dreg:$0x1];
	p0 =	sne.s32 s2, $0x0  }
0x1e3: {  	s3 =	rddreg [dreg:$0x2];
	[bflag:$0x3] =	sbarrier.arrive $0xFFFF;
	s2 =	simm.s32 @!p0 $0x1C05  }
0x1e4: {  	[timem:s3], [sflag:s2] =	dma.local @!p0 [hbm:s0], s1  }
0x1e5: {  	s0 =	simm.s32 @!p0 $0x5  }
0x1e6: {  	_ =	swait.ge @!p0 [sflag:s0], s1  }
0x1e7: {  	s1 =	ssub.s32 @!p0 $0x0, s1;
	[sflag:s0] =	ssyncset.done @!p0 $0x0  }
0x1e8: {  	[sflag:s0] =	ssyncadd.s32 @!p0 s1  }
0x1e9: {  	[bflag:$0x3] =	sbarrier.arrive $0xFFFF  }
0x1ea: {  	_ =	shalt  }

// kernel: kernel.13.cloned.1.call-start
scs
__scs_entry_jumppad:
0x0: {  	(pc) =	sbr.rel $0x88, $3  }
0x1: {  	(tag) =	ssettag $0x0;
	lr =	simm.s32 $0x1  }
0x2: {  	[smem:$0x3F99] =	sst lr;
	_ =	strace $0xD0000000  }
0x3: {  	_ = 	snop  }
0x4: {  	_ = 	snop  }
0x5: {  	_ = 	snop  }
0x6: {  	_ = 	snop  }
0x7: {  	_ = 	snop  }
__scs_overlays_trampoline_lowered:
0x8: {  	[smem:$0x3FA8] =	sst s0  }
0x9: {  	[smem:$0x3FA9] =	sst s1  }
0xa: {  	[smem:$0x3FAA] =	sst s2  }
0xb: {  	[smem:$0x3FAB] =	sst s3  }
0xc: {  	[smem:$0x3FAC] =	sst s4  }
0xd: {  	[smem:$0x3FAD] =	sst s5  }
0xe: {  	[smem:$0x3FAE] =	sst s6  }
0xf: {  	[smem:$0x3FAF] =	sst s7  }
0x10: {  	[smem:$0x3FB0] =	sst s8  }
0x11: {  	[smem:$0x3FB1] =	sst s9;
	s0 =	simm.s32 @!p0 $0x0  }
0x12: {  	s1 =	sld [smem:$0x3F97];
	s0 =	simm.s32 @p0 $0x1  }
0x13: {  	[smem:$0x3FB2] =	sst s0;
	s0 =	simm.s32 @!p1 $0x0  }
0x14: {  	s2 =	sld [smem:$0x3F96];
	s0 =	simm.s32 @p1 $0x1  }
0x15: {  	[smem:$0x3FB3] =	sst s0;
	s0 =	simm.s32 @!p2 $0x0  }
0x16: {  	s3 =	sld [smem:$0x3FDB];
	s0 =	simm.s32 @p2 $0x1  }
0x17: {  	s4 =	simm.s32 $0x1BF5;
	[smem:$0x3FB5] =	sst s0  }
0x18: {  	s0 =	sld [smem:$0x3F98];
	_ =	swait.ge [sflag:s4], $0x0  }
0x19: {  	s7 =	sld [smem:$0x3F99]  }
0x1a: {  	s8 =	sadd.s32 $0xFFFFE003, lr  }
0x1b: {  	s9 =	sadd.s32 $0xFFFFFEF7, lr;
	s5 =	simm.s32 $0xFFFFFFFF;
	p2 =	slt.u32 s8, $0xFFFFF086  }
0x1c: {  	p1 =	slt.u32 s9, $0xF7A;
	s5 =	simm.s32 @!p2 $0x0  }
0x1d: {  	s5 =	simm.s32 @p1 $0x1;
	p0 =	seq.s32 s7, s2  }
0x1e: {  	s7 =	smul.u32 @!p0 $0xF7A, s2;
	p2 =	seq.s32 @!p0 s5, $0x0  }
0x1f: {  	s9 =	smul.u32 $0xF7A, s1;
	s8 =	simm.s32 @!p0 $0x1BF5;
	p2 =	por !p2, p0  }
0x20: {  	[sflag:s8] =	ssyncset.s32 @!p0 $0xFFFFF086;
	s6 =	sadd.s32 @!p0 s3, s7;
	s7 =	simm.s32 @!p0 $0x108  }
0x21: {  	s3 =	sadd.s32 s3, s9;
	s6 =	sadd.s32 @!p0 $0x88, s6;
	s7 =	simm.s32 @p2 $0x1082  }
0x22: {  	[simem:s7], [sflag:s8] =	dma.local @!p0 [hbm:s6], $0xF7A  }
0x23: {  	s9 =	sor.u32 $0xD0000000, s2;
	s6 =	simm.s32 $0x108;
	_ =	swait.ge @!p0 [sflag:s8], $0x0  }
0x24: {  	s3 =	sadd.s32 $0x88, s3;
	s6 =	simm.s32 @!p1 $0x1082;
	[sflag:s4] =	ssyncset.s32 $0xFFFFF086  }
0x25: {  	[simem:s6], [sflag:s4] =	dma.local [hbm:s3], $0xF7A  }
0x26: {  	[smem:$0x3F99] =	sst s1;
	(tag) =	ssettag s2;
	_ =	strace s9  }
0x27: {  	s1 =	sld [smem:$0x3FA9]  }
0x28: {  	s2 =	sld [smem:$0x3FAA]  }
0x29: {  	s4 =	sld [smem:$0x3FAC]  }
0x2a: {  	p0 =	seq.s32 s5, $0x0;
	s5 =	sld [smem:$0x3FAD]  }
0x2b: {  	s6 =	sld [smem:$0x3FAE]  }
0x2c: {  	s7 =	sld [smem:$0x3FAF]  }
0x2d: {  	s3 =	simm.s32 $0x108;
	s8 =	sld [smem:$0x3FB0]  }
0x2e: {  	s3 =	simm.s32 @!p0 $0x1082;
	s9 =	sld [smem:$0x3FB1]  }
0x2f: {  	lr =	sadd.s32 s0, s3;
	s0 =	sld [smem:$0x3FA8]  }
0x30: {  	s3 =	sld [smem:$0x3FAB]  }
0x31: {  	[smem:$0x3FB4] =	sst s10  }
0x32: {  	s10 =	sld [smem:$0x3FB2];
	_ =	sdelay $0x3  }
0x33: {  	p0 =	seq.s32 s10, $0x1;
	s10 =	sld [smem:$0x3FB4];
	_ =	sdelay $0x3  }
0x34: {  	[smem:$0x3FB4] =	sst s10  }
0x35: {  	s10 =	sld [smem:$0x3FB3];
	_ =	sdelay $0x3  }
0x36: {  	p1 =	seq.s32 s10, $0x1;
	s10 =	sld [smem:$0x3FB4];
	_ =	sdelay $0x3  }
0x37: {  	[smem:$0x3FB4] =	sst s10  }
0x38: {  	s10 =	sld [smem:$0x3FB5]  }
0x39: {  	_ = 	snop;
	(pc) =	sbr.ind lr, $3  }
0x3a: {  	_ = 	snop  }
0x3b: {  	_ = 	snop  }
0x3c: {  	p2 =	seq.s32 s10, $0x1;
	s10 =	sld [smem:$0x3FB4]  }
0x3d: {  	_ =	shalt  }
0x3e: {  	_ =	shalt  }
0x3f: {  	_ =	shalt  }
0x40: {  	_ =	shalt  }
0x41: {  	_ =	shalt  }
0x42: {  	_ =	shalt  }
0x43: {  	_ =	shalt  }
0x44: {  	_ =	shalt  }
0x45: {  	_ =	shalt  }
0x46: {  	_ =	shalt  }
0x47: {  	_ =	shalt  }
0x48: {  	_ =	shalt  }
0x49: {  	_ =	shalt  }
0x4a: {  	_ =	shalt  }
0x4b: {  	_ =	shalt  }
0x4c: {  	_ =	shalt  }
0x4d: {  	_ =	shalt  }
0x4e: {  	_ =	shalt  }
0x4f: {  	_ =	shalt  }
0x50: {  	_ =	shalt  }
0x51: {  	_ =	shalt  }
0x52: {  	_ =	shalt  }
0x53: {  	_ =	shalt  }
0x54: {  	_ =	shalt  }
0x55: {  	_ =	shalt  }
0x56: {  	_ =	shalt  }
0x57: {  	_ =	shalt  }
0x58: {  	_ =	shalt  }
0x59: {  	_ =	shalt  }
0x5a: {  	_ =	shalt  }
0x5b: {  	_ =	shalt  }
0x5c: {  	_ =	shalt  }
0x5d: {  	_ =	shalt  }
0x5e: {  	_ =	shalt  }
0x5f: {  	_ =	shalt  }
0x60: {  	_ =	shalt  }
0x61: {  	_ =	shalt  }
0x62: {  	_ =	shalt  }
0x63: {  	_ =	shalt  }
0x64: {  	_ =	shalt  }
0x65: {  	_ =	shalt  }
0x66: {  	_ =	shalt  }
0x67: {  	_ =	shalt  }
0x68: {  	_ =	shalt  }
0x69: {  	_ =	shalt  }
0x6a: {  	_ =	shalt  }
0x6b: {  	_ =	shalt  }
0x6c: {  	_ =	shalt  }
0x6d: {  	_ =	shalt  }
0x6e: {  	_ =	shalt  }
0x6f: {  	_ =	shalt  }
0x70: {  	_ =	shalt  }
0x71: {  	_ =	shalt  }
0x72: {  	_ =	shalt  }
0x73: {  	_ =	shalt  }
0x74: {  	_ =	shalt  }
0x75: {  	_ =	shalt  }
0x76: {  	_ =	shalt  }
0x77: {  	_ =	shalt  }
0x78: {  	_ =	shalt  }
0x79: {  	_ =	shalt  }
0x7a: {  	_ =	shalt  }
0x7b: {  	_ =	shalt  }
0x7c: {  	_ =	shalt  }
0x7d: {  	_ =	shalt  }
0x7e: {  	_ =	shalt  }
0x7f: {  	_ =	shalt  }
0x80: {  	_ =	shalt  }
0x81: {  	_ =	shalt  }
0x82: {  	_ =	shalt  }
0x83: {  	_ =	shalt  }
0x84: {  	_ =	shalt  }
0x85: {  	_ =	shalt  }
0x86: {  	_ =	shalt  }
0x87: {  	_ =	shalt  }
.Lfunc_end0:
.L_simem_size_0:
called_computation.2_lowered:
.L_overlay_start_0:
0x88: {  	s2 =	sld [smem:$0x3FD9]  }
0x89: {  	s3 =	sld [smem:$0x3FFE];
	_ =	sdelay $0x1  }
0x8a: {  	s1 =	srdreg.scid  }
0x8b: {  	s0 =	sand.u32 $0x1, s1  }
0x8c: {  	s17 =	sshll.u32 s0, $0xA;
	s2 =	sadd.s32 s3, s2  }
0x8d: {  	s2 =	sadd.s32 s2, s17  }
0x8e: {  	[smem:$0x3FC0] =	sst s2  }
0x8f: {  	_ = 	snop  }
0x90: {  	s2 =	sld [smem:$0x3FD0];
	(tm) =	ssettm $0x1  }
0x91: {  	s18 =	sld [smem:$0x3FFB];
	_ =	sdelay $0x3  }
0x92: {  	_ =	strace s18  }
0x93: {  	s3 =	sld [smem:$0x3FFC];
	_ =	sdelay $0x3  }
0x94: {  	_ =	strace s3  }
0x95: {  	s3 =	sld [smem:$0x3FFD];
	_ =	sdelay $0x3  }
0x96: {  	_ =	strace s3  }
0x97: {  	_ =	strace $0x8FFFFFFF  }
0x98: {  	s19 =	sld [smem:$0x3FDB];
	_ =	sdelay $0x1  }
0x99: {  	s4 =	simm.s32 $_scs_section_size  }
0x9a: {  	s5 =	simm.s32 $_size__tile_overlayer_lowered;
	s6 =	simm.s32 $_tile_overlayer_lowered  }
0x9b: {  	s22 =	simm.s32 $0x1BFF;
	s21 =	sshll.u32 s6, $0x1;
	s3 =	sadd.s32 s4, s19  }
0x9c: {  	s7 =	simm.s32 $0x0;
	s20 =	sshll.u32 s5, $0x1;
	s5 =	sadd.s32 s21, s3  }
0x9d: {  	[timem:s7], [sflag:s22] =	dma.local [hbm:s5], s20  }
0x9e: {  	_ =	swait.ge [sflag:s22], s20  }
0x9f: {  	s4 =	ssub.s32 $0x0, s20;
	[sflag:s22] =	ssyncset.done $0x0  }
0xa0: {  	[sflag:s22] =	ssyncadd.s32 s4;
	_ =	sdelay $0x1  }
0xa1: {  	s23 =	simm.s32 $0x1B8B  }
0xa2: {  	_ =	swait.ge [sflag:s23], $0x1  }
0xa3: {  	[sflag:s23] =	ssyncset.done $0x0  }
0xa4: {  	s25 =	simm.s32 $0x1B8E;
	s24 =	sld [smem:$0x3FFE];
	[sflag:s23] =	ssyncadd.s32 $0xFFFFFFFF  }
0xa5: {  	s26 =	simm.s32 $execute0_lowered;
	[smem:$0x3FD2] =	sst s25  }
0xa6: {  	s5 =	sshll.u32 s26, $0x1;
	_ =	strace $0x8000004C;
	[dreg:$0x1] =	wrdreg $0xFFFFFFFF  }
0xa7: {  	s28 =	simm.s32 $_size_execute0_lowered;
	s3 =	sadd.s32 s3, s5;
	[dreg:$0x0] =	wrdreg $0x0  }
0xa8: {  	s5 =	sshll.u32 s28, $0x1;
	[dreg:$0x2] =	wrdreg s3  }
0xa9: {  	[dreg:$0x3] =	wrdreg s5  }
0xaa: {  	[dreg:$0x4] =	wrdreg $0xC0  }
0xab: {  	_ =	task [dreg:s7], $0x5FFFF  }
0xac: {  	[dreg:$0x1] =	wrdreg $0xFFFFFFFF  }
0xad: {  	[dreg:$0x0] =	wrdreg $0x60  }
0xae: {  	[dreg:$0x2] =	wrdreg s2  }
0xaf: {  	[dreg:$0x3] =	wrdreg s24  }
0xb0: {  	[dreg:$0x4] =	wrdreg $0x0  }
0xb1: {  	[dreg:$0x5] =	wrdreg $0x9  }
0xb2: {  	_ =	task.clear_ibuf [dreg:s7], $0x6FFFF;
	_ =	strace $0x9000004C  }
0xb3: {  	s29 =	simm.s32 $0x9;
	_ =	strace $0x8000004E  }
0xb4: {  	_ =	swait.ge [sflag:s29], $0x1  }
0xb5: {  	[sflag:s29] =	ssyncadd.s32 $0xFFFFFFFF  }
0xb6: {  	_ =	strace $0x9000004E  }
0xb7: {  	_ =	sfence  }
0xb8: {  	s30 =	sld [smem:$0x0];
	_ =	sdelay $0x2  }
0xb9: {  	s31 =	sshll.u32 s1, $0xD;
	s1 =	sshrl.u32 s1, $0x2  }
0xba: {  	s3 =	sand.u32 $0x4000, s31;
	s1 =	sadd.s32 s1, s30  }
0xbb: {  	s0 =	sor.u32 s3, s0;
	s1 =	sshll.u32 s1, $0x11  }
0xbc: {  	s0 =	sor.u32 s1, s0  }
0xbd: {  	s0 =	sadd.s32 $0x8F2B, s0  }
0xbe: {  	[sflag:s0] =	ssyncadd.remote.s32 $0x1  }
0xbf: {  	_ =	sfence.sel $0xFFFF  }
0xc0: {  	[dreg:$0x0] =	wrdreg $0xFFFFFFFF;
	(pc) =	sbr.abs _section_cstart, $3  }
0xc1: {  	[dreg:$0x1] =	wrdreg $0xFFFFFFFF  }
0xc2: {  	_ =	task.clear_ibuf [dreg:s7], $0x2FFFF;
	_ =	strace $0x9FFFFFFF  }
0xc3: {  	(tm) =	ssettm $0x7FFFFFFF  }
tec
execute0_lowered:
.L_overlay_start_1:
0x0: {  	(tag) =	ssettag $0x1  }
0x1: {  	s2 =	rddreg [dreg:$0x0]  }
0x2: {  	s0 =	srdreg.scid;
	s6 =	rddreg [dreg:$0x1]  }
0x3: {  	s9 =	stileid.u32;
	s3 =	rddreg [dreg:$0x2];
	s4 =	simm.s32 $0x0  }
0x4: {  	s11 =	simm.s32 $0x13D00;
	s12 =	simm.s32 $0x14480;
	s14 =	simm.s32 $0x13D80  }
0x5: {  	s15 =	simm.s32 $0x14500;
	[smem:$0x7FF] =	sst s4;
	s25 =	sadd.s32 $0x16000, s6  }
0x6: {  	s16 =	simm.s32 $0x13E00;
	_ =	strace $0x8000004D;
	[dreg:$0x16] =	wrdreg s25  }
0x7: {  	s17 =	simm.s32 $0x14580;
	s18 =	simm.s32 $0x13E80;
	[dreg:$0x7] =	wrdreg s11  }
0x8: {  	s19 =	simm.s32 $0x14600;
	s20 =	simm.s32 $0x13F00;
	[dreg:$0x8] =	wrdreg s12  }
0x9: {  	s21 =	simm.s32 $0x14680;
	s22 =	simm.s32 $0x13F80;
	[dreg:$0x9] =	wrdreg s14  }
0xa: {  	s23 =	simm.s32 $0x14700;
	s28 =	simm.s32 $0x14280;
	[dreg:$0xa] =	wrdreg s15  }
0xb: {  	s29 =	simm.s32 $0x14A00;
	s5 =	smul.u32 $0x2800, s9;
	[dreg:$0xb] =	wrdreg s16  }
0xc: {  	s30 =	simm.s32 $0x14300;
	s8 =	smul.u32 $0x13C00, s9;
	[dreg:$0xc] =	wrdreg s17  }
0xd: {  	s0 =	sand.u32 $0x1, s0;
	s10 =	smul.u32 $0x4F000, s9;
	[dreg:$0xd] =	wrdreg s18  }
0xe: {  	s31 =	simm.s32 $0x14A80;
	s1 =	smul.u32 $0x28000, s0;
	[dreg:$0xe] =	wrdreg s19  }
0xf: {  	s9 =	simm.s32 $0x1CC00;
	s7 =	smul.u32 $0x13C000, s0;
	[dreg:$0xf] =	wrdreg s20  }
0x10: {  	s0 =	ssub.s32 $0x2, s0;
	s11 =	simm.s32 $0x13C00;
	[dreg:$0x10] =	wrdreg s21  }
0x11: {  	s12 =	simm.s32 $0x14400;
	s14 =	simm.s32 $0x14C00;
	[dreg:$0x11] =	wrdreg s22  }
0x12: {  	s15 =	simm.s32 $0x18C00;
	[dreg:$0x12] =	wrdreg s23;
	s16 =	simm.s32 $0x1  }
0x13: {  	s25 =	simm.s32 $0x14780;
	s17 =	simm.s32 $0x3;
	s18 =	simm.s32 $0x2  }
0x14: {  	s19 =	simm.s32 $0x4;
	s20 =	simm.s32 $0x14800;
	s21 =	simm.s32 $0x14100  }
0x15: {  	s22 =	simm.s32 $0x14880;
	s23 =	simm.s32 $0x14180;
	s13 =	sshrl.u32 s10, $0x2  }
0x16: {  	s10 =	simm.s32 $0x5;
	[dreg:$0x14] =	wrdreg s25;
	s25 =	simm.s32 $0x14200  }
0x17: {  	s1 =	sadd.s32 s5, s1;
	s24 =	sadd.s32 s8, s7;
	s7 =	sshrl.u32 s0, $0x1  }
0x18: {  	s8 =	simm.s32 $0x13C80;
	s1 =	sshrl.u32 s1, $0x3;
	s5 =	sshrl.u32 s24, $0x3  }
0x19: {  	[dreg:$0x6] =	wrdreg s8;
	s0 =	ssub.s32 s0, s7;
	s24 =	simm.s32 $0x14000  }
0x1a: {  	s8 =	simm.s32 $0x0;
	s1 =	sadd.s32 s1, s6;
	s5 =	sadd.s32 s5, s6  }
0x1b: {  	s6 =	sadd.s32 s13, s3;
	s0 =	smax.u32 s0, $0x1;
	[dreg:$0x13] =	wrdreg s24  }
0x1c: {  	s13 =	simm.s32 $0x80;
	s26 =	sadd.s32 $0x2000, s1;
	[dreg:$0x18] =	wrdreg s0  }
0x1d: {  	s24 =	simm.s32 $0x14900;
	s1 =	sadd.s32 $0xC000, s1;
	[dreg:$0x4] =	wrdreg s26  }
0x1e: {  	s5 =	sadd.s32 $0x16200, s5;
	s0 =	simm.s32 $0x14B00;
	[dreg:$0x5] =	wrdreg s1  }
0x1f: {  	[dreg:$0x17] =	wrdreg s5;
	s26 =	simm.s32 $0x14080;
	s1 =	simm.s32 $0x14380  }
0x20: {  	s5 =	simm.s32 $0x14B80;
	[dreg:$0x15] =	wrdreg s26;
	s26 =	simm.s32 $0x14980  }
.LBB2_1:
0x21: {  	[dreg:$0x19] =	wrdreg s8  }
0x22: {  	s7 =	rddreg [dreg:$0x16]  }
0x23: {  	[tilespmem:s9], [sflag:$0x5] =	stream.linear.gather [hbm4b:s7+s4], $0x400, $0x38;
	[tilespmem:$0x1D000] =	vst v63  }
0x24: {  	_ =	swait.ge [sflag:s10], $0x400  }
0x25: {  	[sflag:s10] =	ssyncset.done $0x0  }
0x26: {  	s8 =	sadd.s32 $0x0, s6;
	[sflag:s10] =	ssyncadd.s32 $0xFFFFFC00  }
0x27: {  	[spmem:s8] =	stream.linear.scatter [tilespmem:s9], [sflag:$0x5], $0x400, $0x38;
	[tilespmem:$0x1D000] =	vst v63  }
0x28: {  	s7 =	simm.s32 $0x1000;
	_ =	swait.ge [sflag:s10], $0x400  }
.LBB2_2:
0x29: {  	s8 =	sshra.s32 s7, $0x2;
	[sflag:s10] =	ssyncset.done $0x0;
	p0 =	sne.s32 s7, $0x4E000  }
.Ltmp0:
0x2a: {  	s8 =	sadd.s32 s8, s6;
	[sflag:s10] =	ssyncadd.s32 $0xFFFFFC00;
	(pc) =	sbr.rel @p0 .LBB2_2-.Ltmp0, $3  }
0x2b: {  	[spmem:s8] =	stream.linear.scatter [tilespmem:s9], [sflag:$0x5], $0x400, $0x38;
	[tilespmem:$0x1D000] =	vst v63  }
0x2c: {  	s7 =	sadd.s32 $0x1000, s7;
	_ =	sdelay $0x1  }
0x2d: {  	_ =	swait.ge [sflag:s10], $0x400  }
0x2e: {  	[sflag:s10] =	ssyncset.done $0x0  }
0x2f: {  	[sflag:s10] =	ssyncadd.s32 $0xFFFFFC00  }
0x30: {  	[bflag:$0x0] =	sbarrier.arrive $0xFFFF  }
0x31: {  	s7 =	rddreg [dreg:$0x5]  }
0x32: {  	s7 =	sadd.s32 $0x0, s7  }
0x33: {  	[tilespmem:s11], [sflag:$0x5] =	stream.linear.gather [hbm4b:s7+s4], $0x800, $0x38;
	[tilespmem:$0x1D000] =	vst v63  }
0x34: {  	_ =	swait.ge [sflag:s10], $0x800  }
0x35: {  	s9 =	rddreg [dreg:$0x4];
	[sflag:s10] =	ssyncset.done $0x0  }
0x36: {  	[sflag:s10] =	ssyncadd.s32 $0xFFFFF800;
	s7 =	sadd.s32 $0x0, s9  }
0x37: {  	[tilespmem:s12], [sflag:$0x5] =	stream.linear.gather [hbm4b:s7+s4], $0x800, $0x38;
	[tilespmem:$0x1D000] =	vst v63  }
0x38: {  	_ =	swait.ge [sflag:s10], $0x800  }
0x39: {  	[sflag:s10] =	ssyncset.done $0x0  }
0x3a: {  	[sflag:s10] =	ssyncadd.s32 $0xFFFFF800  }
0x3b: {  	[tilespmem:s14], [sflag:$0x1] =	stream.indirect.gather [hbm4b:s2+s13], $0x80, s11, s13, $0xb8;
	[tilespmem:$0x1D000] =	vst v63  }
0x3c: {  	s8 =	rddreg [dreg:$0x6]  }
0x3d: {  	[tilespmem:s15], [sflag:$0x2] =	stream.indirect.gather [hbm4b:s2+s13], $0x80, s8, s13, $0xb8;
	[tilespmem:$0x1D000] =	vst v63  }
0x3e: {  	_ =	swait.ge [sflag:s16], $0x4000  }
0x3f: {  	[sflag:s16] =	ssyncset.done $0x0  }
0x40: {  	[sflag:s16] =	ssyncadd.s32 $0xFFFFC000  }
0x41: {  	[spmem:s3] =	stream.indirect.scatter.add.f32 [tilespmem:s14], [sflag:$0x3], $0x80, s12, s13, $0xb8;
	[tilespmem:$0x1D000] =	vst v63  }
0x42: {  	_ =	swait.ge [sflag:s17], $0x4000  }
0x43: {  	[sflag:s17] =	ssyncset.done $0x0  }
0x44: {  	s9 =	rddreg [dreg:$0x7];
	[sflag:s17] =	ssyncadd.s32 $0xFFFFC000  }
0x45: {  	[tilespmem:s14], [sflag:$0x1] =	stream.indirect.gather [hbm4b:s2+s13], $0x80, s9, s13, $0xb8;
	[tilespmem:$0x1D000] =	vst v63  }
0x46: {  	_ =	swait.ge [sflag:s18], $0x4000  }
0x47: {  	[sflag:s18] =	ssyncset.done $0x0  }
0x48: {  	s8 =	rddreg [dreg:$0x8];
	[sflag:s18] =	ssyncadd.s32 $0xFFFFC000  }
0x49: {  	[spmem:s3] =	stream.indirect.scatter.add.f32 [tilespmem:s15], [sflag:$0x4], $0x80, s8, s13, $0xb8;
	[tilespmem:$0x1D000] =	vst v63  }
0x4a: {  	_ =	swait.ge [sflag:s19], $0x4000  }
0x4b: {  	[sflag:s19] =	ssyncset.done $0x0  }
0x4c: {  	s9 =	rddreg [dreg:$0x9];
	[sflag:s19] =	ssyncadd.s32 $0xFFFFC000  }
0x4d: {  	[tilespmem:s15], [sflag:$0x2] =	stream.indirect.gather [hbm4b:s2+s13], $0x80, s9, s13, $0xb8;
	[tilespmem:$0x1D000] =	vst v63  }
0x4e: {  	_ =	swait.ge [sflag:s16], $0x4000  }
0x4f: {  	[sflag:s16] =	ssyncset.done $0x0  }
0x50: {  	s8 =	rddreg [dreg:$0xa];
	[sflag:s16] =	ssyncadd.s32 $0xFFFFC000  }
0x51: {  	[spmem:s3] =	stream.indirect.scatter.add.f32 [tilespmem:s14], [sflag:$0x3], $0x80, s8, s13, $0xb8;
	[tilespmem:$0x1D000] =	vst v63  }
0x52: {  	_ =	swait.ge [sflag:s17], $0x4000  }
0x53: {  	[sflag:s17] =	ssyncset.done $0x0  }
0x54: {  	s9 =	rddreg [dreg:$0xb];
	[sflag:s17] =	ssyncadd.s32 $0xFFFFC000  }
0x55: {  	[tilespmem:s14], [sflag:$0x1] =	stream.indirect.gather [hbm4b:s2+s13], $0x80, s9, s13, $0xb8;
	[tilespmem:$0x1D000] =	vst v63  }
0x56: {  	_ =	swait.ge [sflag:s18], $0x4000  }
0x57: {  	[sflag:s18] =	ssyncset.done $0x0  }
0x58: {  	s8 =	rddreg [dreg:$0xc];
	[sflag:s18] =	ssyncadd.s32 $0xFFFFC000  }
0x59: {  	[spmem:s3] =	stream.indirect.scatter.add.f32 [tilespmem:s15], [sflag:$0x4], $0x80, s8, s13, $0xb8;
	[tilespmem:$0x1D000] =	vst v63  }
0x5a: {  	_ =	swait.ge [sflag:s19], $0x4000  }
0x5b: {  	[sflag:s19] =	ssyncset.done $0x0  }
0x5c: {  	s9 =	rddreg [dreg:$0xd];
	[sflag:s19] =	ssyncadd.s32 $0xFFFFC000  }
0x5d: {  	[tilespmem:s15], [sflag:$0x2] =	stream.indirect.gather [hbm4b:s2+s13], $0x80, s9, s13, $0xb8;
	[tilespmem:$0x1D000] =	vst v63  }
0x5e: {  	_ =	swait.ge [sflag:s16], $0x4000  }
0x5f: {  	[sflag:s16] =	ssyncset.done $0x0  }
0x60: {  	s8 =	rddreg [dreg:$0xe];
	[sflag:s16] =	ssyncadd.s32 $0xFFFFC000  }
0x61: {  	[spmem:s3] =	stream.indirect.scatter.add.f32 [tilespmem:s14], [sflag:$0x3], $0x80, s8, s13, $0xb8;
	[tilespmem:$0x1D000] =	vst v63  }
0x62: {  	_ =	swait.ge [sflag:s17], $0x4000  }
0x63: {  	[sflag:s17] =	ssyncset.done $0x0  }
0x64: {  	s9 =	rddreg [dreg:$0xf];
	[sflag:s17] =	ssyncadd.s32 $0xFFFFC000  }
0x65: {  	[tilespmem:s14], [sflag:$0x1] =	stream.indirect.gather [hbm4b:s2+s13], $0x80, s9, s13, $0xb8;
	[tilespmem:$0x1D000] =	vst v63  }
0x66: {  	_ =	swait.ge [sflag:s18], $0x4000  }
0x67: {  	[sflag:s18] =	ssyncset.done $0x0  }
0x68: {  	s8 =	rddreg [dreg:$0x10];
	[sflag:s18] =	ssyncadd.s32 $0xFFFFC000  }
0x69: {  	[spmem:s3] =	stream.indirect.scatter.add.f32 [tilespmem:s15], [sflag:$0x4], $0x80, s8, s13, $0xb8;
	[tilespmem:$0x1D000] =	vst v63  }
0x6a: {  	_ =	swait.ge [sflag:s19], $0x4000  }
0x6b: {  	[sflag:s19] =	ssyncset.done $0x0  }
0x6c: {  	s9 =	rddreg [dreg:$0x11];
	[sflag:s19] =	ssyncadd.s32 $0xFFFFC000  }
0x6d: {  	[tilespmem:s15], [sflag:$0x2] =	stream.indirect.gather [hbm4b:s2+s13], $0x80, s9, s13, $0xb8;
	[tilespmem:$0x1D000] =	vst v63  }
0x6e: {  	_ =	swait.ge [sflag:s16], $0x4000  }
0x6f: {  	[sflag:s16] =	ssyncset.done $0x0  }
0x70: {  	s8 =	rddreg [dreg:$0x12];
	[sflag:s16] =	ssyncadd.s32 $0xFFFFC000  }
0x71: {  	[spmem:s3] =	stream.indirect.scatter.add.f32 [tilespmem:s14], [sflag:$0x3], $0x80, s8, s13, $0xb8;
	[tilespmem:$0x1D000] =	vst v63  }
0x72: {  	_ =	swait.ge [sflag:s17], $0x4000  }
0x73: {  	[sflag:s17] =	ssyncset.done $0x0  }
0x74: {  	s9 =	rddreg [dreg:$0x13];
	[sflag:s17] =	ssyncadd.s32 $0xFFFFC000  }
0x75: {  	[tilespmem:s14], [sflag:$0x1] =	stream.indirect.gather [hbm4b:s2+s13], $0x80, s9, s13, $0xb8;
	[tilespmem:$0x1D000] =	vst v63  }
0x76: {  	_ =	swait.ge [sflag:s18], $0x4000  }
0x77: {  	[sflag:s18] =	ssyncset.done $0x0  }
0x78: {  	s8 =	rddreg [dreg:$0x14];
	[sflag:s18] =	ssyncadd.s32 $0xFFFFC000  }
0x79: {  	[spmem:s3] =	stream.indirect.scatter.add.f32 [tilespmem:s15], [sflag:$0x4], $0x80, s8, s13, $0xb8;
	[tilespmem:$0x1D000] =	vst v63  }
0x7a: {  	_ =	swait.ge [sflag:s19], $0x4000  }
0x7b: {  	[sflag:s19] =	ssyncset.done $0x0  }
0x7c: {  	s9 =	rddreg [dreg:$0x15];
	[sflag:s19] =	ssyncadd.s32 $0xFFFFC000  }
0x7d: {  	[tilespmem:s15], [sflag:$0x2] =	stream.indirect.gather [hbm4b:s2+s13], $0x80, s9, s13, $0xb8;
	[tilespmem:$0x1D000] =	vst v63  }
0x7e: {  	_ =	swait.ge [sflag:s16], $0x4000  }
0x7f: {  	[sflag:s16] =	ssyncset.done $0x0  }
0x80: {  	[sflag:s16] =	ssyncadd.s32 $0xFFFFC000  }
0x81: {  	[spmem:s3] =	stream.indirect.scatter.add.f32 [tilespmem:s14], [sflag:$0x3], $0x80, s20, s13, $0xb8;
	[tilespmem:$0x1D000] =	vst v63  }
0x82: {  	_ =	swait.ge [sflag:s17], $0x4000  }
0x83: {  	[sflag:s17] =	ssyncset.done $0x0  }
0x84: {  	[sflag:s17] =	ssyncadd.s32 $0xFFFFC000  }
0x85: {  	[tilespmem:s14], [sflag:$0x1] =	stream.indirect.gather [hbm4b:s2+s13], $0x80, s21, s13, $0xb8;
	[tilespmem:$0x1D000] =	vst v63  }
0x86: {  	_ =	swait.ge [sflag:s18], $0x4000  }
0x87: {  	[sflag:s18] =	ssyncset.done $0x0  }
0x88: {  	[sflag:s18] =	ssyncadd.s32 $0xFFFFC000  }
0x89: {  	[spmem:s3] =	stream.indirect.scatter.add.f32 [tilespmem:s15], [sflag:$0x4], $0x80, s22, s13, $0xb8;
	[tilespmem:$0x1D000] =	vst v63  }
0x8a: {  	_ =	swait.ge [sflag:s19], $0x4000  }
0x8b: {  	[sflag:s19] =	ssyncset.done $0x0  }
0x8c: {  	[sflag:s19] =	ssyncadd.s32 $0xFFFFC000  }
0x8d: {  	[tilespmem:s15], [sflag:$0x2] =	stream.indirect.gather [hbm4b:s2+s13], $0x80, s23, s13, $0xb8;
	[tilespmem:$0x1D000] =	vst v63  }
0x8e: {  	_ =	swait.ge [sflag:s16], $0x4000  }
0x8f: {  	[sflag:s16] =	ssyncset.done $0x0  }
0x90: {  	[sflag:s16] =	ssyncadd.s32 $0xFFFFC000  }
0x91: {  	[spmem:s3] =	stream.indirect.scatter.add.f32 [tilespmem:s14], [sflag:$0x3], $0x80, s24, s13, $0xb8;
	[tilespmem:$0x1D000] =	vst v63  }
0x92: {  	_ =	swait.ge [sflag:s17], $0x4000  }
0x93: {  	[sflag:s17] =	ssyncset.done $0x0  }
0x94: {  	[sflag:s17] =	ssyncadd.s32 $0xFFFFC000  }
0x95: {  	[tilespmem:s14], [sflag:$0x1] =	stream.indirect.gather [hbm4b:s2+s13], $0x80, s25, s13, $0xb8;
	[tilespmem:$0x1D000] =	vst v63  }
0x96: {  	_ =	swait.ge [sflag:s18], $0x4000  }
0x97: {  	[sflag:s18] =	ssyncset.done $0x0  }
0x98: {  	[sflag:s18] =	ssyncadd.s32 $0xFFFFC000  }
0x99: {  	[spmem:s3] =	stream.indirect.scatter.add.f32 [tilespmem:s15], [sflag:$0x4], $0x80, s26, s13, $0xb8;
	[tilespmem:$0x1D000] =	vst v63  }
0x9a: {  	_ =	swait.ge [sflag:s19], $0x4000  }
0x9b: {  	[sflag:s19] =	ssyncset.done $0x0  }
0x9c: {  	[sflag:s19] =	ssyncadd.s32 $0xFFFFC000  }
0x9d: {  	[tilespmem:s15], [sflag:$0x2] =	stream.indirect.gather [hbm4b:s2+s13], $0x80, s28, s13, $0xb8;
	[tilespmem:$0x1D000] =	vst v63  }
0x9e: {  	_ =	swait.ge [sflag:s16], $0x4000  }
0x9f: {  	[sflag:s16] =	ssyncset.done $0x0  }
0xa0: {  	[sflag:s16] =	ssyncadd.s32 $0xFFFFC000  }
0xa1: {  	[spmem:s3] =	stream.indirect.scatter.add.f32 [tilespmem:s14], [sflag:$0x3], $0x80, s29, s13, $0xb8;
	[tilespmem:$0x1D000] =	vst v63  }
0xa2: {  	_ =	swait.ge [sflag:s17], $0x4000  }
0xa3: {  	[sflag:s17] =	ssyncset.done $0x0  }
0xa4: {  	[sflag:s17] =	ssyncadd.s32 $0xFFFFC000  }
0xa5: {  	[tilespmem:s14], [sflag:$0x1] =	stream.indirect.gather [hbm4b:s2+s13], $0x80, s30, s13, $0xb8;
	[tilespmem:$0x1D000] =	vst v63  }
0xa6: {  	_ =	swait.ge [sflag:s18], $0x4000  }
0xa7: {  	[sflag:s18] =	ssyncset.done $0x0  }
0xa8: {  	[sflag:s18] =	ssyncadd.s32 $0xFFFFC000  }
0xa9: {  	[spmem:s3] =	stream.indirect.scatter.add.f32 [tilespmem:s15], [sflag:$0x4], $0x80, s31, s13, $0xb8;
	[tilespmem:$0x1D000] =	vst v63  }
0xaa: {  	_ =	swait.ge [sflag:s19], $0x4000  }
0xab: {  	[sflag:s19] =	ssyncset.done $0x0  }
0xac: {  	[sflag:s19] =	ssyncadd.s32 $0xFFFFC000  }
0xad: {  	[tilespmem:s15], [sflag:$0x2] =	stream.indirect.gather [hbm4b:s2+s13], $0x80, s1, s13, $0xb8;
	[tilespmem:$0x1D000] =	vst v63  }
0xae: {  	_ =	swait.ge [sflag:s16], $0x4000  }
0xaf: {  	[sflag:s16] =	ssyncset.done $0x0  }
0xb0: {  	[sflag:s16] =	ssyncadd.s32 $0xFFFFC000  }
0xb1: {  	[spmem:s3] =	stream.indirect.scatter.add.f32 [tilespmem:s14], [sflag:$0x3], $0x80, s0, s13, $0xb8;
	[tilespmem:$0x1D000] =	vst v63  }
0xb2: {  	_ =	swait.ge [sflag:s17], $0x4000  }
0xb3: {  	[sflag:s17] =	ssyncset.done $0x0  }
0xb4: {  	[sflag:s17] =	ssyncadd.s32 $0xFFFFC000  }
0xb5: {  	_ =	swait.ge [sflag:s18], $0x4000  }
0xb6: {  	[sflag:s18] =	ssyncset.done $0x0  }
0xb7: {  	[sflag:s18] =	ssyncadd.s32 $0xFFFFC000  }
0xb8: {  	[spmem:s3] =	stream.indirect.scatter.add.f32 [tilespmem:s15], [sflag:$0x4], $0x80, s5, s13, $0xb8;
	[tilespmem:$0x1D000] =	vst v63  }
0xb9: {  	s7 =	simm.s32 $0x200;
	_ =	swait.ge [sflag:s19], $0x4000  }
0xba: {  	s8 =	simm.s32 $0x100;
	s9 =	rddreg [dreg:$0x5];
	[sflag:s19] =	ssyncset.done $0x0  }
.LBB2_4:
0xbb: {  	[sflag:s19] =	ssyncadd.s32 $0xFFFFC000;
	s9 =	sadd.s32 s8, s9  }
0xbc: {  	[tilespmem:s11], [sflag:$0x5] =	stream.linear.gather [hbm4b:s9+s4], $0x800, $0x38;
	[tilespmem:$0x1D000] =	vst v63  }
0xbd: {  	_ =	swait.ge [sflag:s10], $0x800  }
0xbe: {  	s9 =	rddreg [dreg:$0x4];
	[sflag:s10] =	ssyncset.done $0x0  }
0xbf: {  	[sflag:s10] =	ssyncadd.s32 $0xFFFFF800;
	s9 =	sadd.s32 s8, s9  }
0xc0: {  	[tilespmem:s12], [sflag:$0x5] =	stream.linear.gather [hbm4b:s9+s4], $0x800, $0x38;
	[tilespmem:$0x1D000] =	vst v63  }
0xc1: {  	_ =	swait.ge [sflag:s10], $0x800  }
0xc2: {  	[sflag:s10] =	ssyncset.done $0x0  }
0xc3: {  	[sflag:s10] =	ssyncadd.s32 $0xFFFFF800  }
0xc4: {  	[tilespmem:s14], [sflag:$0x1] =	stream.indirect.gather [hbm4b:s2+s13], $0x80, s11, s13, $0xb8;
	[tilespmem:$0x1D000] =	vst v63  }
0xc5: {  	s9 =	rddreg [dreg:$0x6]  }
0xc6: {  	[tilespmem:s15], [sflag:$0x2] =	stream.indirect.gather [hbm4b:s2+s13], $0x80, s9, s13, $0xb8;
	[tilespmem:$0x1D000] =	vst v63  }
0xc7: {  	_ =	swait.ge [sflag:s16], $0x4000  }
0xc8: {  	[sflag:s16] =	ssyncset.done $0x0  }
0xc9: {  	[sflag:s16] =	ssyncadd.s32 $0xFFFFC000  }
0xca: {  	[spmem:s3] =	stream.indirect.scatter.add.f32 [tilespmem:s14], [sflag:$0x3], $0x80, s12, s13, $0xb8;
	[tilespmem:$0x1D000] =	vst v63  }
0xcb: {  	_ =	swait.ge [sflag:s17], $0x4000  }
0xcc: {  	[sflag:s17] =	ssyncset.done $0x0  }
0xcd: {  	s9 =	rddreg [dreg:$0x7];
	[sflag:s17] =	ssyncadd.s32 $0xFFFFC000  }
0xce: {  	[tilespmem:s14], [sflag:$0x1] =	stream.indirect.gather [hbm4b:s2+s13], $0x80, s9, s13, $0xb8;
	[tilespmem:$0x1D000] =	vst v63  }
0xcf: {  	_ =	swait.ge [sflag:s18], $0x4000  }
0xd0: {  	[sflag:s18] =	ssyncset.done $0x0  }
0xd1: {  	s9 =	rddreg [dreg:$0x8];
	[sflag:s18] =	ssyncadd.s32 $0xFFFFC000  }
0xd2: {  	[spmem:s3] =	stream.indirect.scatter.add.f32 [tilespmem:s15], [sflag:$0x4], $0x80, s9, s13, $0xb8;
	[tilespmem:$0x1D000] =	vst v63  }
0xd3: {  	_ =	swait.ge [sflag:s19], $0x4000  }
0xd4: {  	[sflag:s19] =	ssyncset.done $0x0  }
0xd5: {  	s9 =	rddreg [dreg:$0x9];
	[sflag:s19] =	ssyncadd.s32 $0xFFFFC000  }
0xd6: {  	[tilespmem:s15], [sflag:$0x2] =	stream.indirect.gather [hbm4b:s2+s13], $0x80, s9, s13, $0xb8;
	[tilespmem:$0x1D000] =	vst v63  }
0xd7: {  	_ =	swait.ge [sflag:s16], $0x4000  }
0xd8: {  	[sflag:s16] =	ssyncset.done $0x0  }
0xd9: {  	s9 =	rddreg [dreg:$0xa];
	[sflag:s16] =	ssyncadd.s32 $0xFFFFC000  }
0xda: {  	[spmem:s3] =	stream.indirect.scatter.add.f32 [tilespmem:s14], [sflag:$0x3], $0x80, s9, s13, $0xb8;
	[tilespmem:$0x1D000] =	vst v63  }
0xdb: {  	_ =	swait.ge [sflag:s17], $0x4000  }
0xdc: {  	[sflag:s17] =	ssyncset.done $0x0  }
0xdd: {  	s9 =	rddreg [dreg:$0xb];
	[sflag:s17] =	ssyncadd.s32 $0xFFFFC000  }
0xde: {  	[tilespmem:s14], [sflag:$0x1] =	stream.indirect.gather [hbm4b:s2+s13], $0x80, s9, s13, $0xb8;
	[tilespmem:$0x1D000] =	vst v63  }
0xdf: {  	_ =	swait.ge [sflag:s18], $0x4000  }
0xe0: {  	[sflag:s18] =	ssyncset.done $0x0  }
0xe1: {  	s9 =	rddreg [dreg:$0xc];
	[sflag:s18] =	ssyncadd.s32 $0xFFFFC000  }
0xe2: {  	[spmem:s3] =	stream.indirect.scatter.add.f32 [tilespmem:s15], [sflag:$0x4], $0x80, s9, s13, $0xb8;
	[tilespmem:$0x1D000] =	vst v63  }
0xe3: {  	_ =	swait.ge [sflag:s19], $0x4000  }
0xe4: {  	[sflag:s19] =	ssyncset.done $0x0  }
0xe5: {  	s9 =	rddreg [dreg:$0xd];
	[sflag:s19] =	ssyncadd.s32 $0xFFFFC000  }
0xe6: {  	[tilespmem:s15], [sflag:$0x2] =	stream.indirect.gather [hbm4b:s2+s13], $0x80, s9, s13, $0xb8;
	[tilespmem:$0x1D000] =	vst v63  }
0xe7: {  	_ =	swait.ge [sflag:s16], $0x4000  }
0xe8: {  	[sflag:s16] =	ssyncset.done $0x0  }
0xe9: {  	s9 =	rddreg [dreg:$0xe];
	[sflag:s16] =	ssyncadd.s32 $0xFFFFC000  }
0xea: {  	[spmem:s3] =	stream.indirect.scatter.add.f32 [tilespmem:s14], [sflag:$0x3], $0x80, s9, s13, $0xb8;
	[tilespmem:$0x1D000] =	vst v63  }
0xeb: {  	_ =	swait.ge [sflag:s17], $0x4000  }
0xec: {  	[sflag:s17] =	ssyncset.done $0x0  }
0xed: {  	s9 =	rddreg [dreg:$0xf];
	[sflag:s17] =	ssyncadd.s32 $0xFFFFC000  }
0xee: {  	[tilespmem:s14], [sflag:$0x1] =	stream.indirect.gather [hbm4b:s2+s13], $0x80, s9, s13, $0xb8;
	[tilespmem:$0x1D000] =	vst v63  }
0xef: {  	_ =	swait.ge [sflag:s18], $0x4000  }
0xf0: {  	[sflag:s18] =	ssyncset.done $0x0  }
0xf1: {  	s9 =	rddreg [dreg:$0x10];
	[sflag:s18] =	ssyncadd.s32 $0xFFFFC000  }
0xf2: {  	[spmem:s3] =	stream.indirect.scatter.add.f32 [tilespmem:s15], [sflag:$0x4], $0x80, s9, s13, $0xb8;
	[tilespmem:$0x1D000] =	vst v63  }
0xf3: {  	_ =	swait.ge [sflag:s19], $0x4000  }
0xf4: {  	[sflag:s19] =	ssyncset.done $0x0  }
0xf5: {  	s9 =	rddreg [dreg:$0x11];
	[sflag:s19] =	ssyncadd.s32 $0xFFFFC000  }
0xf6: {  	[tilespmem:s15], [sflag:$0x2] =	stream.indirect.gather [hbm4b:s2+s13], $0x80, s9, s13, $0xb8;
	[tilespmem:$0x1D000] =	vst v63  }
0xf7: {  	_ =	swait.ge [sflag:s16], $0x4000  }
0xf8: {  	[sflag:s16] =	ssyncset.done $0x0  }
0xf9: {  	s9 =	rddreg [dreg:$0x12];
	[sflag:s16] =	ssyncadd.s32 $0xFFFFC000  }
0xfa: {  	[spmem:s3] =	stream.indirect.scatter.add.f32 [tilespmem:s14], [sflag:$0x3], $0x80, s9, s13, $0xb8;
	[tilespmem:$0x1D000] =	vst v63  }
0xfb: {  	_ =	swait.ge [sflag:s17], $0x4000  }
0xfc: {  	[sflag:s17] =	ssyncset.done $0x0  }
0xfd: {  	s9 =	rddreg [dreg:$0x13];
	[sflag:s17] =	ssyncadd.s32 $0xFFFFC000  }
0xfe: {  	[tilespmem:s14], [sflag:$0x1] =	stream.indirect.gather [hbm4b:s2+s13], $0x80, s9, s13, $0xb8;
	[tilespmem:$0x1D000] =	vst v63  }
0xff: {  	_ =	swait.ge [sflag:s18], $0x4000  }
0x100: {  	[sflag:s18] =	ssyncset.done $0x0  }
0x101: {  	s9 =	rddreg [dreg:$0x14];
	[sflag:s18] =	ssyncadd.s32 $0xFFFFC000  }
0x102: {  	[spmem:s3] =	stream.indirect.scatter.add.f32 [tilespmem:s15], [sflag:$0x4], $0x80, s9, s13, $0xb8;
	[tilespmem:$0x1D000] =	vst v63  }
0x103: {  	_ =	swait.ge [sflag:s19], $0x4000  }
0x104: {  	[sflag:s19] =	ssyncset.done $0x0  }
0x105: {  	s9 =	rddreg [dreg:$0x15];
	[sflag:s19] =	ssyncadd.s32 $0xFFFFC000  }
0x106: {  	[tilespmem:s15], [sflag:$0x2] =	stream.indirect.gather [hbm4b:s2+s13], $0x80, s9, s13, $0xb8;
	[tilespmem:$0x1D000] =	vst v63  }
0x107: {  	_ =	swait.ge [sflag:s16], $0x4000  }
0x108: {  	s20 =	smov.u32 s7;
	[sflag:s16] =	ssyncset.done $0x0  }
0x109: {  	s8 =	smov.u32 s20;
	s20 =	simm.s32 $0x14800;
	[sflag:s16] =	ssyncadd.s32 $0xFFFFC000  }
0x10a: {  	[spmem:s3] =	stream.indirect.scatter.add.f32 [tilespmem:s14], [sflag:$0x3], $0x80, s20, s13, $0xb8;
	[tilespmem:$0x1D000] =	vst v63  }
0x10b: {  	_ =	swait.ge [sflag:s17], $0x4000  }
0x10c: {  	[sflag:s17] =	ssyncset.done $0x0  }
0x10d: {  	[sflag:s17] =	ssyncadd.s32 $0xFFFFC000  }
0x10e: {  	[tilespmem:s14], [sflag:$0x1] =	stream.indirect.gather [hbm4b:s2+s13], $0x80, s21, s13, $0xb8;
	[tilespmem:$0x1D000] =	vst v63  }
0x10f: {  	_ =	swait.ge [sflag:s18], $0x4000  }
0x110: {  	[sflag:s18] =	ssyncset.done $0x0  }
0x111: {  	[sflag:s18] =	ssyncadd.s32 $0xFFFFC000  }
0x112: {  	[spmem:s3] =	stream.indirect.scatter.add.f32 [tilespmem:s15], [sflag:$0x4], $0x80, s22, s13, $0xb8;
	[tilespmem:$0x1D000] =	vst v63  }
0x113: {  	_ =	swait.ge [sflag:s19], $0x4000  }
0x114: {  	[sflag:s19] =	ssyncset.done $0x0  }
0x115: {  	[sflag:s19] =	ssyncadd.s32 $0xFFFFC000  }
0x116: {  	[tilespmem:s15], [sflag:$0x2] =	stream.indirect.gather [hbm4b:s2+s13], $0x80, s23, s13, $0xb8;
	[tilespmem:$0x1D000] =	vst v63  }
0x117: {  	_ =	swait.ge [sflag:s16], $0x4000  }
0x118: {  	[sflag:s16] =	ssyncset.done $0x0  }
0x119: {  	[sflag:s16] =	ssyncadd.s32 $0xFFFFC000  }
0x11a: {  	[spmem:s3] =	stream.indirect.scatter.add.f32 [tilespmem:s14], [sflag:$0x3], $0x80, s24, s13, $0xb8;
	[tilespmem:$0x1D000] =	vst v63  }
0x11b: {  	_ =	swait.ge [sflag:s17], $0x4000  }
0x11c: {  	[sflag:s17] =	ssyncset.done $0x0  }
0x11d: {  	[sflag:s17] =	ssyncadd.s32 $0xFFFFC000  }
0x11e: {  	[tilespmem:s14], [sflag:$0x1] =	stream.indirect.gather [hbm4b:s2+s13], $0x80, s25, s13, $0xb8;
	[tilespmem:$0x1D000] =	vst v63  }
0x11f: {  	_ =	swait.ge [sflag:s18], $0x4000  }
0x120: {  	[sflag:s18] =	ssyncset.done $0x0  }
0x121: {  	[sflag:s18] =	ssyncadd.s32 $0xFFFFC000  }
0x122: {  	[spmem:s3] =	stream.indirect.scatter.add.f32 [tilespmem:s15], [sflag:$0x4], $0x80, s26, s13, $0xb8;
	[tilespmem:$0x1D000] =	vst v63  }
0x123: {  	_ =	swait.ge [sflag:s19], $0x4000  }
0x124: {  	[sflag:s19] =	ssyncset.done $0x0  }
0x125: {  	[sflag:s19] =	ssyncadd.s32 $0xFFFFC000  }
0x126: {  	[tilespmem:s15], [sflag:$0x2] =	stream.indirect.gather [hbm4b:s2+s13], $0x80, s28, s13, $0xb8;
	[tilespmem:$0x1D000] =	vst v63  }
0x127: {  	_ =	swait.ge [sflag:s16], $0x4000  }
0x128: {  	[sflag:s16] =	ssyncset.done $0x0  }
0x129: {  	[sflag:s16] =	ssyncadd.s32 $0xFFFFC000  }
0x12a: {  	[spmem:s3] =	stream.indirect.scatter.add.f32 [tilespmem:s14], [sflag:$0x3], $0x80, s29, s13, $0xb8;
	[tilespmem:$0x1D000] =	vst v63  }
0x12b: {  	_ =	swait.ge [sflag:s17], $0x4000  }
0x12c: {  	[sflag:s17] =	ssyncset.done $0x0  }
0x12d: {  	[sflag:s17] =	ssyncadd.s32 $0xFFFFC000  }
0x12e: {  	[tilespmem:s14], [sflag:$0x1] =	stream.indirect.gather [hbm4b:s2+s13], $0x80, s30, s13, $0xb8;
	[tilespmem:$0x1D000] =	vst v63  }
0x12f: {  	_ =	swait.ge [sflag:s18], $0x4000  }
0x130: {  	[sflag:s18] =	ssyncset.done $0x0  }
0x131: {  	[sflag:s18] =	ssyncadd.s32 $0xFFFFC000  }
0x132: {  	[spmem:s3] =	stream.indirect.scatter.add.f32 [tilespmem:s15], [sflag:$0x4], $0x80, s31, s13, $0xb8;
	[tilespmem:$0x1D000] =	vst v63  }
0x133: {  	_ =	swait.ge [sflag:s19], $0x4000  }
0x134: {  	[sflag:s19] =	ssyncset.done $0x0  }
0x135: {  	[sflag:s19] =	ssyncadd.s32 $0xFFFFC000  }
0x136: {  	[tilespmem:s15], [sflag:$0x2] =	stream.indirect.gather [hbm4b:s2+s13], $0x80, s1, s13, $0xb8;
	[tilespmem:$0x1D000] =	vst v63  }
0x137: {  	_ =	swait.ge [sflag:s16], $0x4000  }
0x138: {  	[sflag:s16] =	ssyncset.done $0x0  }
0x139: {  	[sflag:s16] =	ssyncadd.s32 $0xFFFFC000  }
0x13a: {  	[spmem:s3] =	stream.indirect.scatter.add.f32 [tilespmem:s14], [sflag:$0x3], $0x80, s0, s13, $0xb8;
	[tilespmem:$0x1D000] =	vst v63  }
0x13b: {  	_ =	swait.ge [sflag:s17], $0x4000  }
0x13c: {  	[sflag:s17] =	ssyncset.done $0x0  }
0x13d: {  	[sflag:s17] =	ssyncadd.s32 $0xFFFFC000  }
0x13e: {  	p0 =	sne.s32 s7, $0x400;
	_ =	swait.ge [sflag:s18], $0x4000  }
.Ltmp1:
0x13f: {  	[sflag:s18] =	ssyncset.done $0x0;
	(pc) =	sbr.rel @p0 .LBB2_4-.Ltmp1, $4  }
0x140: {  	[sflag:s18] =	ssyncadd.s32 $0xFFFFC000  }
0x141: {  	[spmem:s3] =	stream.indirect.scatter.add.f32 [tilespmem:s15], [sflag:$0x4], $0x80, s5, s13, $0xb8;
	[tilespmem:$0x1D000] =	vst v63  }
0x142: {  	_ =	swait.ge [sflag:s19], $0x4000  }
0x143: {  	s7 =	sadd.s32 $0x100, s7;
	s9 =	rddreg [dreg:$0x5];
	[sflag:s19] =	ssyncset.done $0x0  }
0x144: {  	[sflag:s19] =	ssyncadd.s32 $0xFFFFC000;
	s7 =	sadd.s32 s8, s9  }
0x145: {  	[tilespmem:s11], [sflag:$0x5] =	stream.linear.gather [hbm4b:s7+s4], $0x800, $0x38;
	[tilespmem:$0x1D000] =	vst v63  }
0x146: {  	_ =	swait.ge [sflag:s10], $0x800  }
0x147: {  	s9 =	rddreg [dreg:$0x4];
	[sflag:s10] =	ssyncset.done $0x0  }
0x148: {  	[sflag:s10] =	ssyncadd.s32 $0xFFFFF800;
	s7 =	sadd.s32 s8, s9  }
0x149: {  	[tilespmem:s12], [sflag:$0x5] =	stream.linear.gather [hbm4b:s7+s4], $0x800, $0x38;
	[tilespmem:$0x1D000] =	vst v63  }
0x14a: {  	_ =	swait.ge [sflag:s10], $0x800  }
0x14b: {  	[sflag:s10] =	ssyncset.done $0x0  }
0x14c: {  	[sflag:s10] =	ssyncadd.s32 $0xFFFFF800  }
0x14d: {  	[tilespmem:s14], [sflag:$0x1] =	stream.indirect.gather [hbm4b:s2+s13], $0x80, s11, s13, $0xb8;
	[tilespmem:$0x1D000] =	vst v63  }
0x14e: {  	s9 =	rddreg [dreg:$0x6]  }
0x14f: {  	[tilespmem:s15], [sflag:$0x2] =	stream.indirect.gather [hbm4b:s2+s13], $0x80, s9, s13, $0xb8;
	[tilespmem:$0x1D000] =	vst v63  }
0x150: {  	_ =	swait.ge [sflag:s16], $0x4000  }
0x151: {  	[sflag:s16] =	ssyncset.done $0x0  }
0x152: {  	[sflag:s16] =	ssyncadd.s32 $0xFFFFC000  }
0x153: {  	[spmem:s3] =	stream.indirect.scatter.add.f32 [tilespmem:s14], [sflag:$0x3], $0x80, s12, s13, $0xb8;
	[tilespmem:$0x1D000] =	vst v63  }
0x154: {  	_ =	swait.ge [sflag:s17], $0x4000  }
0x155: {  	[sflag:s17] =	ssyncset.done $0x0  }
0x156: {  	s8 =	rddreg [dreg:$0x7];
	[sflag:s17] =	ssyncadd.s32 $0xFFFFC000  }
0x157: {  	[tilespmem:s14], [sflag:$0x1] =	stream.indirect.gather [hbm4b:s2+s13], $0x80, s8, s13, $0xb8;
	[tilespmem:$0x1D000] =	vst v63  }
0x158: {  	_ =	swait.ge [sflag:s18], $0x4000  }
0x159: {  	[sflag:s18] =	ssyncset.done $0x0  }
0x15a: {  	s9 =	rddreg [dreg:$0x8];
	[sflag:s18] =	ssyncadd.s32 $0xFFFFC000  }
0x15b: {  	[spmem:s3] =	stream.indirect.scatter.add.f32 [tilespmem:s15], [sflag:$0x4], $0x80, s9, s13, $0xb8;
	[tilespmem:$0x1D000] =	vst v63  }
0x15c: {  	_ =	swait.ge [sflag:s19], $0x4000  }
0x15d: {  	[sflag:s19] =	ssyncset.done $0x0  }
0x15e: {  	s8 =	rddreg [dreg:$0x9];
	[sflag:s19] =	ssyncadd.s32 $0xFFFFC000  }
0x15f: {  	[tilespmem:s15], [sflag:$0x2] =	stream.indirect.gather [hbm4b:s2+s13], $0x80, s8, s13, $0xb8;
	[tilespmem:$0x1D000] =	vst v63  }
0x160: {  	_ =	swait.ge [sflag:s16], $0x4000  }
0x161: {  	[sflag:s16] =	ssyncset.done $0x0  }
0x162: {  	s9 =	rddreg [dreg:$0xa];
	[sflag:s16] =	ssyncadd.s32 $0xFFFFC000  }
0x163: {  	[spmem:s3] =	stream.indirect.scatter.add.f32 [tilespmem:s14], [sflag:$0x3], $0x80, s9, s13, $0xb8;
	[tilespmem:$0x1D000] =	vst v63  }
0x164: {  	_ =	swait.ge [sflag:s17], $0x4000  }
0x165: {  	[sflag:s17] =	ssyncset.done $0x0  }
0x166: {  	s8 =	rddreg [dreg:$0xb];
	[sflag:s17] =	ssyncadd.s32 $0xFFFFC000  }
0x167: {  	[tilespmem:s14], [sflag:$0x1] =	stream.indirect.gather [hbm4b:s2+s13], $0x80, s8, s13, $0xb8;
	[tilespmem:$0x1D000] =	vst v63  }
0x168: {  	_ =	swait.ge [sflag:s18], $0x4000  }
0x169: {  	[sflag:s18] =	ssyncset.done $0x0  }
0x16a: {  	s9 =	rddreg [dreg:$0xc];
	[sflag:s18] =	ssyncadd.s32 $0xFFFFC000  }
0x16b: {  	[spmem:s3] =	stream.indirect.scatter.add.f32 [tilespmem:s15], [sflag:$0x4], $0x80, s9, s13, $0xb8;
	[tilespmem:$0x1D000] =	vst v63  }
0x16c: {  	_ =	swait.ge [sflag:s19], $0x4000  }
0x16d: {  	[sflag:s19] =	ssyncset.done $0x0  }
0x16e: {  	s8 =	rddreg [dreg:$0xd];
	[sflag:s19] =	ssyncadd.s32 $0xFFFFC000  }
0x16f: {  	[tilespmem:s15], [sflag:$0x2] =	stream.indirect.gather [hbm4b:s2+s13], $0x80, s8, s13, $0xb8;
	[tilespmem:$0x1D000] =	vst v63  }
0x170: {  	_ =	swait.ge [sflag:s16], $0x4000  }
0x171: {  	[sflag:s16] =	ssyncset.done $0x0  }
0x172: {  	s9 =	rddreg [dreg:$0xe];
	[sflag:s16] =	ssyncadd.s32 $0xFFFFC000  }
0x173: {  	[spmem:s3] =	stream.indirect.scatter.add.f32 [tilespmem:s14], [sflag:$0x3], $0x80, s9, s13, $0xb8;
	[tilespmem:$0x1D000] =	vst v63  }
0x174: {  	_ =	swait.ge [sflag:s17], $0x4000  }
0x175: {  	[sflag:s17] =	ssyncset.done $0x0  }
0x176: {  	s8 =	rddreg [dreg:$0xf];
	[sflag:s17] =	ssyncadd.s32 $0xFFFFC000  }
0x177: {  	[tilespmem:s14], [sflag:$0x1] =	stream.indirect.gather [hbm4b:s2+s13], $0x80, s8, s13, $0xb8;
	[tilespmem:$0x1D000] =	vst v63  }
0x178: {  	_ =	swait.ge [sflag:s18], $0x4000  }
0x179: {  	[sflag:s18] =	ssyncset.done $0x0  }
0x17a: {  	s9 =	rddreg [dreg:$0x10];
	[sflag:s18] =	ssyncadd.s32 $0xFFFFC000  }
0x17b: {  	[spmem:s3] =	stream.indirect.scatter.add.f32 [tilespmem:s15], [sflag:$0x4], $0x80, s9, s13, $0xb8;
	[tilespmem:$0x1D000] =	vst v63  }
0x17c: {  	_ =	swait.ge [sflag:s19], $0x4000  }
0x17d: {  	[sflag:s19] =	ssyncset.done $0x0  }
0x17e: {  	s8 =	rddreg [dreg:$0x11];
	[sflag:s19] =	ssyncadd.s32 $0xFFFFC000  }
0x17f: {  	[tilespmem:s15], [sflag:$0x2] =	stream.indirect.gather [hbm4b:s2+s13], $0x80, s8, s13, $0xb8;
	[tilespmem:$0x1D000] =	vst v63  }
0x180: {  	_ =	swait.ge [sflag:s16], $0x4000  }
0x181: {  	[sflag:s16] =	ssyncset.done $0x0  }
0x182: {  	s9 =	rddreg [dreg:$0x12];
	[sflag:s16] =	ssyncadd.s32 $0xFFFFC000  }
0x183: {  	[spmem:s3] =	stream.indirect.scatter.add.f32 [tilespmem:s14], [sflag:$0x3], $0x80, s9, s13, $0xb8;
	[tilespmem:$0x1D000] =	vst v63  }
0x184: {  	_ =	swait.ge [sflag:s17], $0x4000  }
0x185: {  	[sflag:s17] =	ssyncset.done $0x0  }
0x186: {  	s8 =	rddreg [dreg:$0x13];
	[sflag:s17] =	ssyncadd.s32 $0xFFFFC000  }
0x187: {  	[tilespmem:s14], [sflag:$0x1] =	stream.indirect.gather [hbm4b:s2+s13], $0x80, s8, s13, $0xb8;
	[tilespmem:$0x1D000] =	vst v63  }
0x188: {  	_ =	swait.ge [sflag:s18], $0x4000  }
0x189: {  	[sflag:s18] =	ssyncset.done $0x0  }
0x18a: {  	s9 =	rddreg [dreg:$0x14];
	[sflag:s18] =	ssyncadd.s32 $0xFFFFC000  }
0x18b: {  	[spmem:s3] =	stream.indirect.scatter.add.f32 [tilespmem:s15], [sflag:$0x4], $0x80, s9, s13, $0xb8;
	[tilespmem:$0x1D000] =	vst v63  }
0x18c: {  	_ =	swait.ge [sflag:s19], $0x4000  }
0x18d: {  	[sflag:s19] =	ssyncset.done $0x0  }
0x18e: {  	s8 =	rddreg [dreg:$0x15];
	[sflag:s19] =	ssyncadd.s32 $0xFFFFC000  }
0x18f: {  	[tilespmem:s15], [sflag:$0x2] =	stream.indirect.gather [hbm4b:s2+s13], $0x80, s8, s13, $0xb8;
	[tilespmem:$0x1D000] =	vst v63  }
0x190: {  	_ =	swait.ge [sflag:s16], $0x4000  }
0x191: {  	[sflag:s16] =	ssyncset.done $0x0  }
0x192: {  	[sflag:s16] =	ssyncadd.s32 $0xFFFFC000  }
0x193: {  	[spmem:s3] =	stream.indirect.scatter.add.f32 [tilespmem:s14], [sflag:$0x3], $0x80, s20, s13, $0xb8;
	[tilespmem:$0x1D000] =	vst v63  }
0x194: {  	_ =	swait.ge [sflag:s17], $0x4000  }
0x195: {  	[sflag:s17] =	ssyncset.done $0x0  }
0x196: {  	[sflag:s17] =	ssyncadd.s32 $0xFFFFC000  }
0x197: {  	[tilespmem:s14], [sflag:$0x1] =	stream.indirect.gather [hbm4b:s2+s13], $0x80, s21, s13, $0xb8;
	[tilespmem:$0x1D000] =	vst v63  }
0x198: {  	_ =	swait.ge [sflag:s18], $0x4000  }
0x199: {  	[sflag:s18] =	ssyncset.done $0x0  }
0x19a: {  	[sflag:s18] =	ssyncadd.s32 $0xFFFFC000  }
0x19b: {  	[spmem:s3] =	stream.indirect.scatter.add.f32 [tilespmem:s15], [sflag:$0x4], $0x80, s22, s13, $0xb8;
	[tilespmem:$0x1D000] =	vst v63  }
0x19c: {  	_ =	swait.ge [sflag:s19], $0x4000  }
0x19d: {  	[sflag:s19] =	ssyncset.done $0x0  }
0x19e: {  	[sflag:s19] =	ssyncadd.s32 $0xFFFFC000  }
0x19f: {  	[tilespmem:s15], [sflag:$0x2] =	stream.indirect.gather [hbm4b:s2+s13], $0x80, s23, s13, $0xb8;
	[tilespmem:$0x1D000] =	vst v63  }
0x1a0: {  	_ =	swait.ge [sflag:s16], $0x4000  }
0x1a1: {  	[sflag:s16] =	ssyncset.done $0x0  }
0x1a2: {  	[sflag:s16] =	ssyncadd.s32 $0xFFFFC000  }
0x1a3: {  	[spmem:s3] =	stream.indirect.scatter.add.f32 [tilespmem:s14], [sflag:$0x3], $0x80, s24, s13, $0xb8;
	[tilespmem:$0x1D000] =	vst v63  }
0x1a4: {  	_ =	swait.ge [sflag:s17], $0x4000  }
0x1a5: {  	[sflag:s17] =	ssyncset.done $0x0  }
0x1a6: {  	[sflag:s17] =	ssyncadd.s32 $0xFFFFC000  }
0x1a7: {  	[tilespmem:s14], [sflag:$0x1] =	stream.indirect.gather [hbm4b:s2+s13], $0x80, s25, s13, $0xb8;
	[tilespmem:$0x1D000] =	vst v63  }
0x1a8: {  	_ =	swait.ge [sflag:s18], $0x4000  }
0x1a9: {  	[sflag:s18] =	ssyncset.done $0x0  }
0x1aa: {  	[sflag:s18] =	ssyncadd.s32 $0xFFFFC000  }
0x1ab: {  	[spmem:s3] =	stream.indirect.scatter.add.f32 [tilespmem:s15], [sflag:$0x4], $0x80, s26, s13, $0xb8;
	[tilespmem:$0x1D000] =	vst v63  }
0x1ac: {  	_ =	swait.ge [sflag:s19], $0x4000  }
0x1ad: {  	[sflag:s19] =	ssyncset.done $0x0  }
0x1ae: {  	[sflag:s19] =	ssyncadd.s32 $0xFFFFC000  }
0x1af: {  	[tilespmem:s15], [sflag:$0x2] =	stream.indirect.gather [hbm4b:s2+s13], $0x80, s28, s13, $0xb8;
	[tilespmem:$0x1D000] =	vst v63  }
0x1b0: {  	_ =	swait.ge [sflag:s16], $0x4000  }
0x1b1: {  	[sflag:s16] =	ssyncset.done $0x0  }
0x1b2: {  	[sflag:s16] =	ssyncadd.s32 $0xFFFFC000  }
0x1b3: {  	[spmem:s3] =	stream.indirect.scatter.add.f32 [tilespmem:s14], [sflag:$0x3], $0x80, s29, s13, $0xb8;
	[tilespmem:$0x1D000] =	vst v63  }
0x1b4: {  	_ =	swait.ge [sflag:s17], $0x4000  }
0x1b5: {  	[sflag:s17] =	ssyncset.done $0x0  }
0x1b6: {  	[sflag:s17] =	ssyncadd.s32 $0xFFFFC000  }
0x1b7: {  	[tilespmem:s14], [sflag:$0x1] =	stream.indirect.gather [hbm4b:s2+s13], $0x80, s30, s13, $0xb8;
	[tilespmem:$0x1D000] =	vst v63  }
0x1b8: {  	_ =	swait.ge [sflag:s18], $0x4000  }
0x1b9: {  	[sflag:s18] =	ssyncset.done $0x0  }
0x1ba: {  	[sflag:s18] =	ssyncadd.s32 $0xFFFFC000  }
0x1bb: {  	[spmem:s3] =	stream.indirect.scatter.add.f32 [tilespmem:s15], [sflag:$0x4], $0x80, s31, s13, $0xb8;
	[tilespmem:$0x1D000] =	vst v63  }
0x1bc: {  	_ =	swait.ge [sflag:s19], $0x4000  }
0x1bd: {  	[sflag:s19] =	ssyncset.done $0x0  }
0x1be: {  	[sflag:s19] =	ssyncadd.s32 $0xFFFFC000  }
0x1bf: {  	[tilespmem:s15], [sflag:$0x2] =	stream.indirect.gather [hbm4b:s2+s13], $0x80, s1, s13, $0xb8;
	[tilespmem:$0x1D000] =	vst v63  }
0x1c0: {  	_ =	swait.ge [sflag:s16], $0x4000  }
0x1c1: {  	[sflag:s16] =	ssyncset.done $0x0  }
0x1c2: {  	[sflag:s16] =	ssyncadd.s32 $0xFFFFC000  }
0x1c3: {  	[spmem:s3] =	stream.indirect.scatter.add.f32 [tilespmem:s14], [sflag:$0x3], $0x80, s0, s13, $0xb8;
	[tilespmem:$0x1D000] =	vst v63  }
0x1c4: {  	_ =	swait.ge [sflag:s17], $0x4000  }
0x1c5: {  	[sflag:s17] =	ssyncset.done $0x0  }
0x1c6: {  	[sflag:s17] =	ssyncadd.s32 $0xFFFFC000  }
0x1c7: {  	_ =	swait.ge [sflag:s18], $0x4000  }
0x1c8: {  	[sflag:s18] =	ssyncset.done $0x0  }
0x1c9: {  	[sflag:s18] =	ssyncadd.s32 $0xFFFFC000  }
0x1ca: {  	[spmem:s3] =	stream.indirect.scatter.add.f32 [tilespmem:s15], [sflag:$0x4], $0x80, s5, s13, $0xb8;
	[tilespmem:$0x1D000] =	vst v63  }
0x1cb: {  	_ =	swait.ge [sflag:s19], $0x4000  }
0x1cc: {  	[sflag:s19] =	ssyncset.done $0x0  }
0x1cd: {  	s9 =	stileid.u32;
	[sflag:s19] =	ssyncadd.s32 $0xFFFFC000  }
0x1ce: {  	s7 =	sshll.u32 s9, $0x6;
	[bflag:$0x0] =	sbarrier.arrive $0xFFFF  }
0x1cf: {  	s7 =	sor.u32 $0x1C05, s7;
	s8 =	sshrl.u32 s6, $0x3;
	s9 =	rddreg [dreg:$0x17]  }
0x1d0: {  	[hbm:s9], [sflag:s7] =	dma.local [spmem:s8], $0x2780  }
0x1d1: {  	_ =	swait.ge [sflag:s10], $0x2780  }
0x1d2: {  	s7 =	rddreg [dreg:$0x19]  }
0x1d3: {  	s9 =	rddreg [dreg:$0x18];
	s8 =	sadd.s32 $0x1, s7  }
0x1d4: {  	p0 =	sne.s32 s8, s9  }
.Ltmp2:
0x1d5: {  	_ = 	snop;
	(pc) =	sbr.rel @p0 .LBB2_1-.Ltmp2, $3  }
0x1d6: {  	_ =	sdelay $0x1  }
0x1d7: {  	[sflag:s10] =	ssyncset.done $0x0  }
0x1d8: {  	[sflag:s10] =	ssyncadd.s32 $0xFFFFD880;
	s9 =	simm.s32 $0x1CC00  }
0x1d9: {  	_ =	sfence.sel $0x180000  }
0x1da: {  	[bflag:$0x0] =	sbarrier.arrive $0xFFFF  }
0x1db: {  	_ =	strace $0x9000004D  }
0x1dc: {  	s0 =	stileid.u32;
	[bflag:$0x2] =	sbarrier.arrive $0xFFFF  }
0x1dd: {  	p0 =	sne.s32 s0, $0x0;
	s0 =	rddreg [dreg:$0x3]  }
0x1de: {  	s0 =	sadd.s32 @!p0 $0x100000, s0  }
0x1df: {  	[sflag:s0] =	ssyncadd.tile.s32 @!p0 $0x1;
	_ =	shalt  }
.Lfunc_end2:
_tile_overlayer_lowered:
.L_overlay_start_2:
0x1e0: {  	(tag) =	ssettag $0x2  }
0x1e1: {  	s0 =	rddreg [dreg:$0x0];
	s2 =	stileid.u32  }
0x1e2: {  	s1 =	rddreg [dreg:$0x1];
	p0 =	sne.s32 s2, $0x0  }
0x1e3: {  	s3 =	rddreg [dreg:$0x2];
	[bflag:$0x3] =	sbarrier.arrive $0xFFFF;
	s2 =	simm.s32 @!p0 $0x1C05  }
0x1e4: {  	[timem:s3], [sflag:s2] =	dma.local @!p0 [hbm:s0], s1  }
0x1e5: {  	s0 =	simm.s32 @!p0 $0x5  }
0x1e6: {  	_ =	swait.ge @!p0 [sflag:s0], s1  }
0x1e7: {  	s1 =	ssub.s32 @!p0 $0x0, s1;
	[sflag:s0] =	ssyncset.done @!p0 $0x0  }
0x1e8: {  	[sflag:s0] =	ssyncadd.s32 @!p0 s1  }
0x1e9: {  	[bflag:$0x3] =	sbarrier.arrive $0xFFFF  }
0x1ea: {  	_ =	shalt  }

// kernel: kernel.7.cloned.1.call-start
scs
__scs_entry_jumppad:
0x0: {  	(pc) =	sbr.rel $0x88, $3  }
0x1: {  	(tag) =	ssettag $0x0;
	lr =	simm.s32 $0x1  }
0x2: {  	[smem:$0x3F99] =	sst lr;
	_ =	strace $0xD0000000  }
0x3: {  	_ = 	snop  }
0x4: {  	_ = 	snop  }
0x5: {  	_ = 	snop  }
0x6: {  	_ = 	snop  }
0x7: {  	_ = 	snop  }
__scs_overlays_trampoline_lowered:
0x8: {  	[smem:$0x3FA8] =	sst s0  }
0x9: {  	[smem:$0x3FA9] =	sst s1  }
0xa: {  	[smem:$0x3FAA] =	sst s2  }
0xb: {  	[smem:$0x3FAB] =	sst s3  }
0xc: {  	[smem:$0x3FAC] =	sst s4  }
0xd: {  	[smem:$0x3FAD] =	sst s5  }
0xe: {  	[smem:$0x3FAE] =	sst s6  }
0xf: {  	[smem:$0x3FAF] =	sst s7  }
0x10: {  	[smem:$0x3FB0] =	sst s8  }
0x11: {  	[smem:$0x3FB1] =	sst s9;
	s0 =	simm.s32 @!p0 $0x0  }
0x12: {  	s1 =	sld [smem:$0x3F97];
	s0 =	simm.s32 @p0 $0x1  }
0x13: {  	[smem:$0x3FB2] =	sst s0;
	s0 =	simm.s32 @!p1 $0x0  }
0x14: {  	s2 =	sld [smem:$0x3F96];
	s0 =	simm.s32 @p1 $0x1  }
0x15: {  	[smem:$0x3FB3] =	sst s0;
	s0 =	simm.s32 @!p2 $0x0  }
0x16: {  	s3 =	sld [smem:$0x3FDB];
	s0 =	simm.s32 @p2 $0x1  }
0x17: {  	s4 =	simm.s32 $0x1BF5;
	[smem:$0x3FB5] =	sst s0  }
0x18: {  	s0 =	sld [smem:$0x3F98];
	_ =	swait.ge [sflag:s4], $0x0  }
0x19: {  	s7 =	sld [smem:$0x3F99]  }
0x1a: {  	s8 =	sadd.s32 $0xFFFFE003, lr  }
0x1b: {  	s9 =	sadd.s32 $0xFFFFFEF7, lr;
	s5 =	simm.s32 $0xFFFFFFFF;
	p2 =	slt.u32 s8, $0xFFFFF086  }
0x1c: {  	p1 =	slt.u32 s9, $0xF7A;
	s5 =	simm.s32 @!p2 $0x0  }
0x1d: {  	s5 =	simm.s32 @p1 $0x1;
	p0 =	seq.s32 s7, s2  }
0x1e: {  	s7 =	smul.u32 @!p0 $0xF7A, s2;
	p2 =	seq.s32 @!p0 s5, $0x0  }
0x1f: {  	s9 =	smul.u32 $0xF7A, s1;
	s8 =	simm.s32 @!p0 $0x1BF5;
	p2 =	por !p2, p0  }
0x20: {  	[sflag:s8] =	ssyncset.s32 @!p0 $0xFFFFF086;
	s6 =	sadd.s32 @!p0 s3, s7;
	s7 =	simm.s32 @!p0 $0x108  }
0x21: {  	s3 =	sadd.s32 s3, s9;
	s6 =	sadd.s32 @!p0 $0x88, s6;
	s7 =	simm.s32 @p2 $0x1082  }
0x22: {  	[simem:s7], [sflag:s8] =	dma.local @!p0 [hbm:s6], $0xF7A  }
0x23: {  	s9 =	sor.u32 $0xD0000000, s2;
	s6 =	simm.s32 $0x108;
	_ =	swait.ge @!p0 [sflag:s8], $0x0  }
0x24: {  	s3 =	sadd.s32 $0x88, s3;
	s6 =	simm.s32 @!p1 $0x1082;
	[sflag:s4] =	ssyncset.s32 $0xFFFFF086  }
0x25: {  	[simem:s6], [sflag:s4] =	dma.local [hbm:s3], $0xF7A  }
0x26: {  	[smem:$0x3F99] =	sst s1;
	(tag) =	ssettag s2;
	_ =	strace s9  }
0x27: {  	s1 =	sld [smem:$0x3FA9]  }
0x28: {  	s2 =	sld [smem:$0x3FAA]  }
0x29: {  	s4 =	sld [smem:$0x3FAC]  }
0x2a: {  	p0 =	seq.s32 s5, $0x0;
	s5 =	sld [smem:$0x3FAD]  }
0x2b: {  	s6 =	sld [smem:$0x3FAE]  }
0x2c: {  	s7 =	sld [smem:$0x3FAF]  }
0x2d: {  	s3 =	simm.s32 $0x108;
	s8 =	sld [smem:$0x3FB0]  }
0x2e: {  	s3 =	simm.s32 @!p0 $0x1082;
	s9 =	sld [smem:$0x3FB1]  }
0x2f: {  	lr =	sadd.s32 s0, s3;
	s0 =	sld [smem:$0x3FA8]  }
0x30: {  	s3 =	sld [smem:$0x3FAB]  }
0x31: {  	[smem:$0x3FB4] =	sst s10  }
0x32: {  	s10 =	sld [smem:$0x3FB2];
	_ =	sdelay $0x3  }
0x33: {  	p0 =	seq.s32 s10, $0x1;
	s10 =	sld [smem:$0x3FB4];
	_ =	sdelay $0x3  }
0x34: {  	[smem:$0x3FB4] =	sst s10  }
0x35: {  	s10 =	sld [smem:$0x3FB3];
	_ =	sdelay $0x3  }
0x36: {  	p1 =	seq.s32 s10, $0x1;
	s10 =	sld [smem:$0x3FB4];
	_ =	sdelay $0x3  }
0x37: {  	[smem:$0x3FB4] =	sst s10  }
0x38: {  	s10 =	sld [smem:$0x3FB5]  }
0x39: {  	_ = 	snop;
	(pc) =	sbr.ind lr, $3  }
0x3a: {  	_ = 	snop  }
0x3b: {  	_ = 	snop  }
0x3c: {  	p2 =	seq.s32 s10, $0x1;
	s10 =	sld [smem:$0x3FB4]  }
0x3d: {  	_ =	shalt  }
0x3e: {  	_ =	shalt  }
0x3f: {  	_ =	shalt  }
0x40: {  	_ =	shalt  }
0x41: {  	_ =	shalt  }
0x42: {  	_ =	shalt  }
0x43: {  	_ =	shalt  }
0x44: {  	_ =	shalt  }
0x45: {  	_ =	shalt  }
0x46: {  	_ =	shalt  }
0x47: {  	_ =	shalt  }
0x48: {  	_ =	shalt  }
0x49: {  	_ =	shalt  }
0x4a: {  	_ =	shalt  }
0x4b: {  	_ =	shalt  }
0x4c: {  	_ =	shalt  }
0x4d: {  	_ =	shalt  }
0x4e: {  	_ =	shalt  }
0x4f: {  	_ =	shalt  }
0x50: {  	_ =	shalt  }
0x51: {  	_ =	shalt  }
0x52: {  	_ =	shalt  }
0x53: {  	_ =	shalt  }
0x54: {  	_ =	shalt  }
0x55: {  	_ =	shalt  }
0x56: {  	_ =	shalt  }
0x57: {  	_ =	shalt  }
0x58: {  	_ =	shalt  }
0x59: {  	_ =	shalt  }
0x5a: {  	_ =	shalt  }
0x5b: {  	_ =	shalt  }
0x5c: {  	_ =	shalt  }
0x5d: {  	_ =	shalt  }
0x5e: {  	_ =	shalt  }
0x5f: {  	_ =	shalt  }
0x60: {  	_ =	shalt  }
0x61: {  	_ =	shalt  }
0x62: {  	_ =	shalt  }
0x63: {  	_ =	shalt  }
0x64: {  	_ =	shalt  }
0x65: {  	_ =	shalt  }
0x66: {  	_ =	shalt  }
0x67: {  	_ =	shalt  }
0x68: {  	_ =	shalt  }
0x69: {  	_ =	shalt  }
0x6a: {  	_ =	shalt  }
0x6b: {  	_ =	shalt  }
0x6c: {  	_ =	shalt  }
0x6d: {  	_ =	shalt  }
0x6e: {  	_ =	shalt  }
0x6f: {  	_ =	shalt  }
0x70: {  	_ =	shalt  }
0x71: {  	_ =	shalt  }
0x72: {  	_ =	shalt  }
0x73: {  	_ =	shalt  }
0x74: {  	_ =	shalt  }
0x75: {  	_ =	shalt  }
0x76: {  	_ =	shalt  }
0x77: {  	_ =	shalt  }
0x78: {  	_ =	shalt  }
0x79: {  	_ =	shalt  }
0x7a: {  	_ =	shalt  }
0x7b: {  	_ =	shalt  }
0x7c: {  	_ =	shalt  }
0x7d: {  	_ =	shalt  }
0x7e: {  	_ =	shalt  }
0x7f: {  	_ =	shalt  }
0x80: {  	_ =	shalt  }
0x81: {  	_ =	shalt  }
0x82: {  	_ =	shalt  }
0x83: {  	_ =	shalt  }
0x84: {  	_ =	shalt  }
0x85: {  	_ =	shalt  }
0x86: {  	_ =	shalt  }
0x87: {  	_ =	shalt  }
.Lfunc_end0:
.L_simem_size_0:
called_computation_lowered:
.L_overlay_start_0:
0x88: {  	s2 =	sld [smem:$0x3FD9]  }
0x89: {  	s3 =	sld [smem:$0x3FFE];
	_ =	sdelay $0x1  }
0x8a: {  	s1 =	srdreg.scid  }
0x8b: {  	s0 =	sand.u32 $0x1, s1  }
0x8c: {  	s17 =	sshll.u32 s0, $0xA;
	s2 =	sadd.s32 s3, s2  }
0x8d: {  	s2 =	sadd.s32 s2, s17  }
0x8e: {  	[smem:$0x3FC0] =	sst s2  }
0x8f: {  	_ = 	snop  }
0x90: {  	s18 =	sld [smem:$0x3FD0];
	(tm) =	ssettm $0x1  }
0x91: {  	s19 =	sld [smem:$0x3FFB];
	_ =	sdelay $0x3  }
0x92: {  	_ =	strace s19  }
0x93: {  	s2 =	sld [smem:$0x3FFC];
	_ =	sdelay $0x3  }
0x94: {  	_ =	strace s2  }
0x95: {  	s2 =	sld [smem:$0x3FFD];
	_ =	sdelay $0x3  }
0x96: {  	_ =	strace s2  }
0x97: {  	_ =	strace $0x8FFFFFFF  }
0x98: {  	s20 =	sld [smem:$0x3FDB];
	_ =	sdelay $0x1  }
0x99: {  	s4 =	simm.s32 $_scs_section_size  }
0x9a: {  	s5 =	simm.s32 $_size__tile_overlayer_lowered;
	s6 =	simm.s32 $_tile_overlayer_lowered  }
0x9b: {  	s7 =	simm.s32 $0x1BFF;
	s21 =	sshll.u32 s6, $0x1;
	s4 =	sadd.s32 s4, s20  }
0x9c: {  	s22 =	simm.s32 $0x0;
	s5 =	sshll.u32 s5, $0x1;
	s6 =	sadd.s32 s21, s4  }
0x9d: {  	[timem:s22], [sflag:s7] =	dma.local [hbm:s6], s5  }
0x9e: {  	_ =	swait.ge [sflag:s7], s5  }
0x9f: {  	s5 =	ssub.s32 $0x0, s5;
	[sflag:s7] =	ssyncset.done $0x0  }
0xa0: {  	[sflag:s7] =	ssyncadd.s32 s5;
	_ =	sdelay $0x1  }
0xa1: {  	s23 =	simm.s32 $0x1B8B  }
0xa2: {  	_ =	swait.ge [sflag:s23], $0x1  }
0xa3: {  	[sflag:s23] =	ssyncset.done $0x0  }
0xa4: {  	[sflag:s23] =	ssyncadd.s32 $0xFFFFFFFF  }
0xa5: {  	s5 =	sld [smem:$0x0]  }
0xa6: {  	s6 =	sand.u32 $0xFFFFFFFE, s1  }
0xa7: {  	p0 =	sne.s32 s1, s6  }
0xa8: {  	s6 =	sshll.u32 @p0 s6, $0xE  }
0xa9: {  	s6 =	sadd.s32 @p0 $0x11B8D, s6;
	s7 =	sshll.u32 @p0 s5, $0x11  }
0xaa: {  	s6 =	sor.u32 @p0 s7, s6  }
0xab: {  	[sflag:s6] =	ssyncadd.remote.s32 @p0 $0x1;
	_ =	sdelay $0x1  }
0xac: {  	s6 =	simm.s32 @p0 $0x1B8D  }
0xad: {  	_ =	swait.eq @p0 [sflag:s6], $0x1  }
0xae: {  	[sflag:s6] =	ssyncadd.s32 @p0 $0xFFFFFFFF  }
0xaf: {  	s7 =	sshll.u32 @!p0 s1, $0xE  }
0xb0: {  	s7 =	sor.u32 @!p0 $0x4000, s7;
	s6 =	simm.s32 @!p0 $0x1B8D  }
0xb1: {  	s5 =	sshll.u32 @!p0 s5, $0x11;
	s7 =	sadd.s32 @!p0 $0x11B8D, s7;
	_ =	swait.eq @!p0 [sflag:s6], $0x1  }
0xb2: {  	s5 =	sor.u32 @!p0 s5, s7;
	[sflag:s6] =	ssyncadd.s32 @!p0 $0xFFFFFFFF  }
0xb3: {  	s25 =	simm.s32 $0x1B8E;
	s24 =	sld [smem:$0x3FFE];
	[sflag:s5] =	ssyncadd.remote.s32 @!p0 $0x1  }
0xb4: {  	s26 =	simm.s32 $execute0_lowered;
	[smem:$0x3FD2] =	sst s25  }
0xb5: {  	s6 =	sshll.u32 s26, $0x1;
	_ =	strace $0x80000049;
	[dreg:$0x1] =	wrdreg $0xFFFFFFFF  }
0xb6: {  	s28 =	simm.s32 $_size_execute0_lowered;
	s4 =	sadd.s32 s4, s6;
	[dreg:$0x0] =	wrdreg $0x0  }
0xb7: {  	s6 =	sshll.u32 s28, $0x1;
	[dreg:$0x2] =	wrdreg s4  }
0xb8: {  	[dreg:$0x3] =	wrdreg s6  }
0xb9: {  	[dreg:$0x4] =	wrdreg $0xC0  }
0xba: {  	_ =	task [dreg:s22], $0x5FFFF  }
0xbb: {  	[dreg:$0x1] =	wrdreg $0xFFFFFFFF  }
0xbc: {  	[dreg:$0x0] =	wrdreg $0x60  }
0xbd: {  	[dreg:$0x2] =	wrdreg s24  }
0xbe: {  	[dreg:$0x3] =	wrdreg s18  }
0xbf: {  	[dreg:$0x4] =	wrdreg $0x0  }
0xc0: {  	[dreg:$0x5] =	wrdreg $0x9  }
0xc1: {  	_ =	task.clear_ibuf [dreg:s22], $0x6FFFF;
	_ =	strace $0x90000049  }
0xc2: {  	s29 =	simm.s32 $0x9;
	_ =	strace $0x8000004B  }
0xc3: {  	_ =	swait.ge [sflag:s29], $0x1  }
0xc4: {  	[sflag:s29] =	ssyncadd.s32 $0xFFFFFFFF  }
0xc5: {  	_ =	strace $0x9000004B  }
0xc6: {  	_ =	sfence  }
0xc7: {  	s30 =	sld [smem:$0x0];
	_ =	sdelay $0x2  }
0xc8: {  	s31 =	sshll.u32 s1, $0xD;
	s1 =	sshrl.u32 s1, $0x2  }
0xc9: {  	s4 =	sand.u32 $0x4000, s31;
	s1 =	sadd.s32 s1, s30  }
0xca: {  	s0 =	sor.u32 s4, s0;
	s1 =	sshll.u32 s1, $0x11  }
0xcb: {  	s0 =	sor.u32 s1, s0  }
0xcc: {  	s0 =	sadd.s32 $0x8F2B, s0  }
0xcd: {  	[sflag:s0] =	ssyncadd.remote.s32 $0x1  }
0xce: {  	_ =	sfence.sel $0xFFFF  }
0xcf: {  	[dreg:$0x0] =	wrdreg $0xFFFFFFFF;
	(pc) =	sbr.abs _section_cstart, $3  }
0xd0: {  	[dreg:$0x1] =	wrdreg $0xFFFFFFFF  }
0xd1: {  	_ =	task.clear_ibuf [dreg:s22], $0x2FFFF;
	_ =	strace $0x9FFFFFFF  }
0xd2: {  	(tm) =	ssettm $0x7FFFFFFF  }
0xd3: {  	_ =	shalt  }
tec
execute0_lowered:
.L_overlay_start_1:
0x0: {  	(tag) =	ssettag $0x1  }
0x1: {  	s6 =	rddreg [dreg:$0x0]  }
0x2: {  	s2 =	rddreg [dreg:$0x1]  }
0x3: {  	s0 =	srdreg.scid;
	s3 =	rddreg [dreg:$0x2];
	s4 =	simm.s32 $0x0  }
0x4: {  	s11 =	simm.s32 $0x1;
	s12 =	simm.s32 $0x16400;
	s13 =	simm.s32 $0x13C00  }
0x5: {  	s14 =	simm.s32 $0x80;
	s5 =	sand.u32 $0x1, s0;
	s0 =	stileid.u32  }
0x6: {  	s17 =	simm.s32 $0x0;
	[smem:$0x7FF] =	sst s4;
	s8 =	smul.u32 $0x13C000, s5  }
0x7: {  	s1 =	sshll.u32 s5, $0x4;
	s9 =	smul.u32 $0x13C00, s0;
	s29 =	ssub.s32 $0x2, s5  }
0x8: {  	s10 =	smul.u32 $0x4F000, s0;
	s5 =	sadd.s32 $0x16000, s6;
	s15 =	sshll.u32 s0, $0x6  }
0x9: {  	s1 =	sor.u32 s0, s1;
	s30 =	sshrl.u32 s29, $0x1;
	s15 =	sor.u32 $0x1C01, s15  }
0xa: {  	s7 =	smul.u32 $0x500, s1;
	s1 =	rddreg [dreg:$0x3];
	_ =	strace $0x8000004A  }
0xb: {  	s8 =	sadd.s32 s9, s8;
	s9 =	ssub.s32 s29, s30;
	s31 =	sshrl.u32 s10, $0x2  }
0xc: {  	s10 =	simm.s32 $0x1A400;
	s8 =	sshrl.u32 s8, $0x3;
	s7 =	sadd.s32 s7, s6  }
0xd: {  	s8 =	sadd.s32 s8, s6;
	s6 =	sadd.s32 $0x2000, s7;
	s7 =	sadd.s32 s31, s3  }
0xe: {  	s9 =	smax.u32 s9, $0x1;
	s8 =	sadd.s32 $0x65200, s8;
	s16 =	sshrl.u32 s7, $0x3  }
.LBB2_1:
0xf: {  	[tilespmem:s10], [sflag:$0x1] =	stream.linear.gather [hbm4b:s5+s4], $0x400, $0x38;
	[tilespmem:$0x1A800] =	vst v63  }
0x10: {  	_ =	swait.ge [sflag:s11], $0x400  }
0x11: {  	[sflag:s11] =	ssyncset.done $0x0  }
0x12: {  	[sflag:s11] =	ssyncadd.s32 $0xFFFFFC00  }
0x13: {  	[tilespmem:s12], [sflag:$0x1] =	stream.linear.gather [hbm4b:s2+s4], $0x4000, $0x38;
	[tilespmem:$0x1A800] =	vst v63  }
0x14: {  	_ =	swait.ge [sflag:s11], $0x4000  }
0x15: {  	[sflag:s11] =	ssyncset.done $0x0  }
0x16: {  	[sflag:s11] =	ssyncadd.s32 $0xFFFFC000  }
0x17: {  	[tilespmem:s13], [sflag:$0x1] =	stream.linear.gather [hbm4b:s6+s4], $0x2800, $0x38;
	[tilespmem:$0x1A800] =	vst v63  }
0x18: {  	_ =	swait.ge [sflag:s11], $0x2800  }
0x19: {  	[sflag:s11] =	ssyncset.done $0x0  }
0x1a: {  	s18 =	sadd.s32 $0x0, s7;
	[sflag:s11] =	ssyncadd.s32 $0xFFFFD800  }
0x1b: {  	[spmem:s18] =	stream.linear.scatter [tilespmem:s10], [sflag:$0x1], $0x400, $0x38;
	[tilespmem:$0x1A800] =	vst v63  }
0x1c: {  	s18 =	simm.s32 $0x1000;
	_ =	swait.ge [sflag:s11], $0x400  }
.LBB2_2:
0x1d: {  	s19 =	sshra.s32 s18, $0x2;
	[sflag:s11] =	ssyncset.done $0x0;
	p0 =	sne.s32 s18, $0x4E000  }
.Ltmp0:
0x1e: {  	s19 =	sadd.s32 s19, s7;
	[sflag:s11] =	ssyncadd.s32 $0xFFFFFC00;
	(pc) =	sbr.rel @p0 .LBB2_2-.Ltmp0, $3  }
0x1f: {  	[spmem:s19] =	stream.linear.scatter [tilespmem:s10], [sflag:$0x1], $0x400, $0x38;
	[tilespmem:$0x1A800] =	vst v63  }
0x20: {  	s18 =	sadd.s32 $0x1000, s18;
	_ =	sdelay $0x1  }
0x21: {  	_ =	swait.ge [sflag:s11], $0x400  }
0x22: {  	[sflag:s11] =	ssyncset.done $0x0  }
0x23: {  	[sflag:s11] =	ssyncadd.s32 $0xFFFFFC00  }
0x24: {  	s18 =	simm.s32 $0x13C00;
	[bflag:$0x0] =	sbarrier.arrive $0xFFFF  }
0x25: {  	[spmem:s3] =	stream.indirect.scatter.add.f32 [tilespmem:s12], [sflag:$0x1], $0x80, s18, s14, $0xb8;
	[tilespmem:$0x1A800] =	vst v63  }
0x26: {  	s18 =	simm.s32 $0x200;
	_ =	swait.ge [sflag:s11], $0x4000  }
.LBB2_4:
0x27: {  	s19 =	sshra.s32 s18, $0x2;
	[sflag:s11] =	ssyncset.done $0x0;
	p0 =	sne.s32 s18, $0x9E00  }
.Ltmp1:
0x28: {  	s19 =	sadd.s32 $0x13C00, s19;
	[sflag:s11] =	ssyncadd.s32 $0xFFFFC000;
	(pc) =	sbr.rel @p0 .LBB2_4-.Ltmp1, $3  }
0x29: {  	[spmem:s3] =	stream.indirect.scatter.add.f32 [tilespmem:s12], [sflag:$0x1], $0x80, s19, s14, $0xb8;
	[tilespmem:$0x1A800] =	vst v63  }
0x2a: {  	s18 =	sadd.s32 $0x200, s18;
	_ =	sdelay $0x1  }
0x2b: {  	_ =	swait.ge [sflag:s11], $0x4000  }
0x2c: {  	[sflag:s11] =	ssyncset.done $0x0;
	s17 =	sadd.s32 $0x1, s17  }
0x2d: {  	[sflag:s11] =	ssyncadd.s32 $0xFFFFC000;
	p0 =	sne.s32 s17, s9  }
.Ltmp2:
0x2e: {  	[bflag:$0x0] =	sbarrier.arrive $0xFFFF;
	(pc) =	sbr.rel @p0 .LBB2_1-.Ltmp2, $4  }
0x2f: {  	[hbm:s8], [sflag:s15] =	dma.local [spmem:s16], $0x2780  }
0x30: {  	_ =	swait.ge [sflag:s11], $0x2780  }
0x31: {  	[sflag:s11] =	ssyncset.done $0x0  }
0x32: {  	[sflag:s11] =	ssyncadd.s32 $0xFFFFD880  }
0x33: {  	_ =	sfence.sel $0x180000  }
0x34: {  	[bflag:$0x0] =	sbarrier.arrive $0xFFFF  }
0x35: {  	p0 =	sne.s32 s0, $0x0;
	_ =	strace $0x9000004A  }
0x36: {  	s0 =	sadd.s32 @!p0 $0x100000, s1;
	[bflag:$0x2] =	sbarrier.arrive $0xFFFF  }
0x37: {  	[sflag:s0] =	ssyncadd.tile.s32 @!p0 $0x1;
	_ =	shalt  }
.Lfunc_end2:
_tile_overlayer_lowered:
.L_overlay_start_2:
0x38: {  	(tag) =	ssettag $0x2  }
0x39: {  	s0 =	rddreg [dreg:$0x0];
	s2 =	stileid.u32  }
0x3a: {  	s1 =	rddreg [dreg:$0x1];
	p0 =	sne.s32 s2, $0x0  }
0x3b: {  	s3 =	rddreg [dreg:$0x2];
	[bflag:$0x3] =	sbarrier.arrive $0xFFFF;
	s2 =	simm.s32 @!p0 $0x1C01  }
0x3c: {  	[timem:s3], [sflag:s2] =	dma.local @!p0 [hbm:s0], s1  }
0x3d: {  	s0 =	simm.s32 @!p0 $0x1  }
0x3e: {  	_ =	swait.ge @!p0 [sflag:s0], s1  }
0x3f: {  	s1 =	ssub.s32 @!p0 $0x0, s1;
	[sflag:s0] =	ssyncset.done @!p0 $0x0  }
0x40: {  	[sflag:s0] =	ssyncadd.s32 @!p0 s1  }
0x41: {  	[bflag:$0x3] =	sbarrier.arrive $0xFFFF  }
0x42: {  	_ =	shalt  }

</sc_bundles>
